<compile_context>
chip_gen: v7x
topology: tpu7x:2x2x1
jax: 0.10.2.dev20260603
libtpu: 0.0.44.dev20260713+nightly
codegen_flags: <defaults>
</compile_context>

<pallas_src>
import functools

import jax
import jax.numpy as jnp
from jax import lax
from jax.experimental import pallas as pl
from jax.experimental.pallas import tpu as pltpu
from jax.experimental.pallas import tpu_sc as plsc

WD = 0.0001
D = 64
ICH = 128


def _sc_gather_dot(u, i, j, W, H):
    B = u.shape[0]
    info = plsc.get_sparse_core_info()
    NC, NS, L = info.num_cores, info.num_subcores, info.num_lanes
    NW = NC * NS
    BPW = B // NW
    NCHUNK = BPW // ICH

    mesh = plsc.VectorSubcoreMesh(core_axis_name="c", subcore_axis_name="s")

    @functools.partial(
        pl.kernel,
        out_type=[
            jax.ShapeDtypeStruct((B,), jnp.float32),
            jax.ShapeDtypeStruct((NW * L,), jnp.float32),
        ],
        mesh=mesh,
        compiler_params=pltpu.CompilerParams(needs_layout_passes=False),
        scratch_types=[
            pltpu.VMEM((ICH,), jnp.int32),
            pltpu.VMEM((ICH,), jnp.int32),
            pltpu.VMEM((ICH,), jnp.int32),
            pltpu.VMEM((ICH, D), jnp.float32),
            pltpu.VMEM((ICH, D), jnp.float32),
            pltpu.VMEM((ICH, D), jnp.float32),
            pltpu.VMEM((BPW,), jnp.float32),
            pltpu.VMEM((L,), jnp.float32),
            pltpu.SemaphoreType.DMA,
            pltpu.SemaphoreType.DMA,
            pltpu.SemaphoreType.DMA,
        ],
    )
    def sc_kernel(u_hbm, i_hbm, j_hbm, W_hbm, H_hbm, x_hbm, sq_hbm,
                  u_idx_v, i_idx_v, j_idx_v,
                  u_rows, i_rows, j_rows, x_v, sq_v,
                  su, si, sj):
        wid = lax.axis_index("s") * NC + lax.axis_index("c")
        base = wid * BPW

        lanes = lax.iota(jnp.int32, L)

        def chunk_body(k, sq_acc):
            off = base + k * ICH
            pltpu.sync_copy(u_hbm.at[pl.ds(off, ICH)], u_idx_v)
            pltpu.sync_copy(i_hbm.at[pl.ds(off, ICH)], i_idx_v)
            pltpu.sync_copy(j_hbm.at[pl.ds(off, ICH)], j_idx_v)

            def row16_body(r16, _):
                rowbase = r16 * L
                uvec = u_idx_v[pl.ds(rowbase, L)]
                ivec = i_idx_v[pl.ds(rowbase, L)]
                jvec = j_idx_v[pl.ds(rowbase, L)]
                zero = jnp.zeros((L,), jnp.int32)
                for r in range(L):
                    us = jnp.sum(jnp.where(lanes == r, uvec, zero))
                    is_ = jnp.sum(jnp.where(lanes == r, ivec, zero))
                    js = jnp.sum(jnp.where(lanes == r, jvec, zero))
                    dst = pl.ds(rowbase + r, 1)
                    pltpu.async_copy(W_hbm.at[pl.ds(us, 1)],
                                     u_rows.at[dst], su)
                    pltpu.async_copy(H_hbm.at[pl.ds(is_, 1)],
                                     i_rows.at[dst], si)
                    pltpu.async_copy(H_hbm.at[pl.ds(js, 1)],
                                     j_rows.at[dst], sj)
                return 0

            lax.fori_loop(0, ICH // L, row16_body, 0)
            pltpu.make_async_copy(W_hbm.at[pl.ds(0, ICH)], u_rows, su).wait()
            pltpu.make_async_copy(H_hbm.at[pl.ds(0, ICH)], i_rows, si).wait()
            pltpu.make_async_copy(H_hbm.at[pl.ds(0, ICH)], j_rows, sj).wait()

            def group_body(g, sq_acc):
                svec = jnp.zeros((L,), jnp.float32)
                for r in range(L):
                    row = g * L + r
                    acc = jnp.zeros((L,), jnp.float32)
                    for c in range(D // L):
                        sl = pl.ds(c * L, L)
                        uv = u_rows[row, sl]
                        iv = i_rows[row, sl]
                        jv = j_rows[row, sl]
                        acc = acc + uv * (iv - jv)
                        sq_acc = sq_acc + (uv * uv + (iv * iv + jv * jv))
                    s = jnp.sum(acc)
                    svec = jnp.where(lanes == r, s, svec)
                x_v[pl.ds(k * ICH + g * L, L)] = svec
                return sq_acc

            return lax.fori_loop(0, ICH // L, group_body, sq_acc)

        sq_acc = lax.fori_loop(0, NCHUNK, chunk_body,
                               jnp.zeros((L,), jnp.float32))
        sq_v[...] = sq_acc
        pltpu.sync_copy(x_v, x_hbm.at[pl.ds(base, BPW)])
        pltpu.sync_copy(sq_v, sq_hbm.at[pl.ds(wid * L, L)])

    return sc_kernel(u, i, j, W, H)


def _tc_finish(x2d, sq2d):
    def body(x_ref, sq_ref, o_ref):
        x = x_ref[...]
        ls = jnp.minimum(x, 0.0) - jnp.log1p(jnp.exp(-jnp.abs(x)))
        o_ref[0, 0] = WD * jnp.sum(sq_ref[...]) - jnp.sum(ls)

    return pl.pallas_call(
        body,
        out_shape=jax.ShapeDtypeStruct((1, 1), jnp.float32),
        out_specs=pl.BlockSpec(memory_space=pltpu.SMEM),
    )(x2d, sq2d)


def kernel(u, i, j, W, H):
    u = u.astype(jnp.int32)
    i = i.astype(jnp.int32)
    j = j.astype(jnp.int32)
    x, sq = _sc_gather_dot(u, i, j, W, H)
    out = _tc_finish(x.reshape(128, -1), sq.reshape(4, -1))
    return out[0, 0]

# --- scband reference (transcript-rebuilt; emitter-appended) ---
"""Pipeline reference for scband-bpr-55559696941472 (READ-ONLY COPY).

The authoritative reference and input builder live on the scoring server;
editing this copy changes nothing except your own understanding.
"""

import jax, jax.numpy as jnp
import numpy as np

NUM_MASHUP = 100000
NUM_API = 1000000
FEATURE_SIZE = 64
WEIGHT_DECAY = 0.0001


def setup_inputs(seed: int = 0) -> dict:
    key = jax.random.key(seed)
    k_u, k_i, k_j, k_W, k_H = jax.random.split(key, 5)
    u = jax.random.randint(k_u, (16384,), 0, NUM_MASHUP, dtype=jnp.int64 if jax.config.jax_enable_x64 else jnp.int32)
    i = jax.random.randint(k_i, (16384,), 0, NUM_API, dtype=jnp.int64 if jax.config.jax_enable_x64 else jnp.int32)
    j = jax.random.randint(k_j, (16384,), 0, NUM_API, dtype=jnp.int64 if jax.config.jax_enable_x64 else jnp.int32)
    # kaiming_normal_ on [num, dim]: std = sqrt(2 / fan_in), fan_in = dim
    W = jax.random.normal(k_W, (NUM_MASHUP, FEATURE_SIZE), dtype=jnp.float32) * np.sqrt(2.0 / FEATURE_SIZE)
    H = jax.random.normal(k_H, (NUM_API, FEATURE_SIZE), dtype=jnp.float32) * np.sqrt(2.0 / FEATURE_SIZE)
    return {"u": u, "i": i, "j": j, "W": W, "H": H}


def reference(u, i, j, W, H):
    u_bpr = jnp.take(W, u, axis=0)
    i_bpr = jnp.take(H, i, axis=0)
    j_bpr = jnp.take(H, j, axis=0)
    x_ui = jnp.sum(u_bpr * i_bpr, axis=1)
    x_uj = jnp.sum(u_bpr * j_bpr, axis=1)
    x_uij = x_ui - x_uj
    log_prob = jnp.sum(jax.nn.log_sigmoid(x_uij))
    regularization = WEIGHT_DECAY * (
        jnp.sum(jnp.linalg.norm(u_bpr, axis=1) ** 2)
        + jnp.sum(jnp.linalg.norm(i_bpr, axis=1) ** 2)
        + jnp.sum(jnp.linalg.norm(j_bpr, axis=1) ** 2)
    )
    return -log_prob + regularization

if __name__ == "__main__":
    import jax
    _d = setup_inputs()
    print(jax.jit(kernel)(*tuple(_d.values())))

</pallas_src>

<mosaic_0001>
#map = affine_map<(d0, d1) -> (0)>
#map1 = affine_map<(d0, d1) -> (0, 0)>
module attributes {stable_mosaic.version = 14 : i64} {
  func.func @sc_kernel(%arg0: i32, %arg1: i32, %arg2: memref<16384xi32, #tpu.memory_space<hbm>>, %arg3: memref<16384xi32, #tpu.memory_space<hbm>>, %arg4: memref<16384xi32, #tpu.memory_space<hbm>>, %arg5: memref<100000x64xf32, #tpu.memory_space<hbm>>, %arg6: memref<1000000x64xf32, #tpu.memory_space<hbm>>, %arg7: memref<16384xf32, #tpu.memory_space<hbm>>, %arg8: memref<512xf32, #tpu.memory_space<hbm>>, %arg9: memref<128xi32, #tpu.memory_space<vmem>>, %arg10: memref<128xi32, #tpu.memory_space<vmem>>, %arg11: memref<128xi32, #tpu.memory_space<vmem>>, %arg12: memref<128x64xf32, #tpu.memory_space<vmem>>, %arg13: memref<128x64xf32, #tpu.memory_space<vmem>>, %arg14: memref<128x64xf32, #tpu.memory_space<vmem>>, %arg15: memref<512xf32, #tpu.memory_space<vmem>>, %arg16: memref<16xf32, #tpu.memory_space<vmem>>, %arg17: memref<!tpu.dma_semaphore, #tpu.memory_space<semaphore_mem>>, %arg18: memref<!tpu.dma_semaphore, #tpu.memory_space<semaphore_mem>>, %arg19: memref<!tpu.dma_semaphore, #tpu.memory_space<semaphore_mem>>) attributes {dimension_semantics = [#tpu.dimension_semantics<core_parallel>, #tpu.dimension_semantics<subcore_parallel>], iteration_bounds = array<i64: 2, 16>, scalar_prefetch = 0 : i64, scratch_operands = 11 : i64, tpu.core_type = #tpu.core_type<sc_vector_subcore>, window_params = [{transform_indices = #map}, {transform_indices = #map}, {transform_indices = #map}, {transform_indices = #map1}, {transform_indices = #map1}, {transform_indices = #map}, {transform_indices = #map}]} {
    %mul3A = arith.constant 2 : i32
    %mul3A_0 = arith.muli %arg1, %mul3A : i32
    %add3A = arith.addi %mul3A_0, %arg0 : i32
    %mul3A_1 = arith.constant 512 : i32
    %mul3A_2 = arith.muli %add3A, %mul3A_1 : i32
    %iota3A = tpu.iota {dimensions = array<i32: 0>} : vector<16xi32>
    %broadcast_in_dim3A = arith.constant 0.000000e+00 : f32
    %broadcast_in_dim3A_3 = vector.broadcast %broadcast_in_dim3A : f32 to vector<16xf32>
    %scan3A = arith.constant 0 : i32
    %scan3A_4 = arith.constant 4 : i32
    %scan3A_5 = arith.addi %scan3A, %scan3A_4 : i32
    %scan3A_6 = arith.constant 1 : i32
    %scan3A_7 = scf.for %scan3A_12 = %scan3A to %scan3A_5 step %scan3A_6 iter_args(%scan3A_13 = %broadcast_in_dim3A_3) -> (vector<16xf32>)  : i32 {
      %mul3A_14 = arith.constant 128 : i32
      %mul3A_15 = arith.muli %scan3A_12, %mul3A_14 : i32
      %add3A_16 = arith.addi %mul3A_2, %mul3A_15 : i32
      "tpu.region"() ({
        %run_scoped3A = tpu.sem_alloc : memref<!tpu.dma_semaphore, #tpu.memory_space<semaphore_mem>>
        %dma_start3A = tpu.memref_slice %arg2[%add3A_16] : memref<16384xi32, #tpu.memory_space<hbm>> -> memref<128xi32, #tpu.memory_space<hbm>>
        %dma_start3A_47 = tpu.memref_slice %arg2[%add3A_16] : memref<16384xi32, #tpu.memory_space<hbm>> -> memref<128xi32, #tpu.memory_space<hbm>>
        tpu.enqueue_dma source(%dma_start3A_47 : memref<128xi32, #tpu.memory_space<hbm>>) target(%arg9 : memref<128xi32, #tpu.memory_space<vmem>>) target_semaphore(%run_scoped3A : memref<!tpu.dma_semaphore, #tpu.memory_space<semaphore_mem>>)
        %dma_wait3A_48 = tpu.memref_slice %arg2[%add3A_16] : memref<16384xi32, #tpu.memory_space<hbm>> -> memref<128xi32, #tpu.memory_space<hbm>>
        %dma_wait3A_49 = tpu.memref_slice %arg2[%add3A_16] : memref<16384xi32, #tpu.memory_space<hbm>> -> memref<128xi32, #tpu.memory_space<hbm>>
        tpu.wait_dma2 semaphore(%run_scoped3A : memref<!tpu.dma_semaphore, #tpu.memory_space<semaphore_mem>>) src(%dma_wait3A_49 : memref<128xi32, #tpu.memory_space<hbm>>) dst(%arg9 : memref<128xi32, #tpu.memory_space<vmem>>)
        tpu.yield
      }) : () -> ()
      "tpu.region"() ({
        %run_scoped3A = tpu.sem_alloc : memref<!tpu.dma_semaphore, #tpu.memory_space<semaphore_mem>>
        %dma_start3A = tpu.memref_slice %arg3[%add3A_16] : memref<16384xi32, #tpu.memory_space<hbm>> -> memref<128xi32, #tpu.memory_space<hbm>>
        %dma_start3A_47 = tpu.memref_slice %arg3[%add3A_16] : memref<16384xi32, #tpu.memory_space<hbm>> -> memref<128xi32, #tpu.memory_space<hbm>>
        tpu.enqueue_dma source(%dma_start3A_47 : memref<128xi32, #tpu.memory_space<hbm>>) target(%arg10 : memref<128xi32, #tpu.memory_space<vmem>>) target_semaphore(%run_scoped3A : memref<!tpu.dma_semaphore, #tpu.memory_space<semaphore_mem>>)
        %dma_wait3A_48 = tpu.memref_slice %arg3[%add3A_16] : memref<16384xi32, #tpu.memory_space<hbm>> -> memref<128xi32, #tpu.memory_space<hbm>>
        %dma_wait3A_49 = tpu.memref_slice %arg3[%add3A_16] : memref<16384xi32, #tpu.memory_space<hbm>> -> memref<128xi32, #tpu.memory_space<hbm>>
        tpu.wait_dma2 semaphore(%run_scoped3A : memref<!tpu.dma_semaphore, #tpu.memory_space<semaphore_mem>>) src(%dma_wait3A_49 : memref<128xi32, #tpu.memory_space<hbm>>) dst(%arg10 : memref<128xi32, #tpu.memory_space<vmem>>)
        tpu.yield
      }) : () -> ()
      "tpu.region"() ({
        %run_scoped3A = tpu.sem_alloc : memref<!tpu.dma_semaphore, #tpu.memory_space<semaphore_mem>>
        %dma_start3A = tpu.memref_slice %arg4[%add3A_16] : memref<16384xi32, #tpu.memory_space<hbm>> -> memref<128xi32, #tpu.memory_space<hbm>>
        %dma_start3A_47 = tpu.memref_slice %arg4[%add3A_16] : memref<16384xi32, #tpu.memory_space<hbm>> -> memref<128xi32, #tpu.memory_space<hbm>>
        tpu.enqueue_dma source(%dma_start3A_47 : memref<128xi32, #tpu.memory_space<hbm>>) target(%arg11 : memref<128xi32, #tpu.memory_space<vmem>>) target_semaphore(%run_scoped3A : memref<!tpu.dma_semaphore, #tpu.memory_space<semaphore_mem>>)
        %dma_wait3A_48 = tpu.memref_slice %arg4[%add3A_16] : memref<16384xi32, #tpu.memory_space<hbm>> -> memref<128xi32, #tpu.memory_space<hbm>>
        %dma_wait3A_49 = tpu.memref_slice %arg4[%add3A_16] : memref<16384xi32, #tpu.memory_space<hbm>> -> memref<128xi32, #tpu.memory_space<hbm>>
        tpu.wait_dma2 semaphore(%run_scoped3A : memref<!tpu.dma_semaphore, #tpu.memory_space<semaphore_mem>>) src(%dma_wait3A_49 : memref<128xi32, #tpu.memory_space<hbm>>) dst(%arg11 : memref<128xi32, #tpu.memory_space<vmem>>)
        tpu.yield
      }) : () -> ()
      %scan3A_17 = arith.constant 0 : i32
      %scan3A_18 = arith.constant 0 : i32
      %scan3A_19 = arith.constant 8 : i32
      %scan3A_20 = arith.addi %scan3A_18, %scan3A_19 : i32
      %scan3A_21 = arith.constant 1 : i32
      %scan3A_22 = scf.for %scan3A_47 = %scan3A_18 to %scan3A_20 step %scan3A_21 iter_args(%scan3A_48 = %scan3A_17) -> (i32)  : i32 {
        %mul3A_49 = arith.constant 16 : i32
        %mul3A_50 = arith.muli %scan3A_47, %mul3A_49 : i32
        %get3A = arith.index_cast %mul3A_50 : i32 to index
        %get3A_51 = tpu.vector_load %arg9[%get3A] {strides = array<i32>} : memref<128xi32, #tpu.memory_space<vmem>>, vector<16xi32>,
        %get3A_52 = arith.index_cast %mul3A_50 : i32 to index
        %get3A_53 = tpu.vector_load %arg10[%get3A_52] {strides = array<i32>} : memref<128xi32, #tpu.memory_space<vmem>>, vector<16xi32>,
        %get3A_54 = arith.index_cast %mul3A_50 : i32 to index
        %get3A_55 = tpu.vector_load %arg11[%get3A_54] {strides = array<i32>} : memref<128xi32, #tpu.memory_space<vmem>>, vector<16xi32>,
        %broadcast_in_dim3A_56 = arith.constant 0 : i32
        %broadcast_in_dim3A_57 = vector.broadcast %broadcast_in_dim3A_56 : i32 to vector<16xi32>
        %eq3A = arith.constant 0 : i32
        %eq3A_58 = vector.broadcast %eq3A : i32 to vector<16xi32>
        %eq3A_59 = arith.cmpi eq, %iota3A, %eq3A_58 : vector<16xi32>
        %select_n3A = arith.select %eq3A_59, %get3A_51, %broadcast_in_dim3A_57 : vector<16xi1>, vector<16xi32>
        %reduce_sum3A = arith.constant true
        %reduce_sum3A_60 = vector.broadcast %reduce_sum3A : i1 to vector<16xi1>
        %reduce_sum3A_61 = tpu.scan <sum>, %select_n3A masked %reduce_sum3A_60 : vector<16xi32>, vector<16xi1> -> vector<16xi32>
        %reduce_sum3A_62 = vector.extract %reduce_sum3A_61[15] : i32 from vector<16xi32>
        %eq3A_63 = arith.constant 0 : i32
        %eq3A_64 = vector.broadcast %eq3A_63 : i32 to vector<16xi32>
        %eq3A_65 = arith.cmpi eq, %iota3A, %eq3A_64 : vector<16xi32>
        %select_n3A_66 = arith.select %eq3A_65, %get3A_53, %broadcast_in_dim3A_57 : vector<16xi1>, vector<16xi32>
        %reduce_sum3A_67 = arith.constant true
        %reduce_sum3A_68 = vector.broadcast %reduce_sum3A_67 : i1 to vector<16xi1>
        %reduce_sum3A_69 = tpu.scan <sum>, %select_n3A_66 masked %reduce_sum3A_68 : vector<16xi32>, vector<16xi1> -> vector<16xi32>
        %reduce_sum3A_70 = vector.extract %reduce_sum3A_69[15] : i32 from vector<16xi32>
        %eq3A_71 = arith.constant 0 : i32
        %eq3A_72 = vector.broadcast %eq3A_71 : i32 to vector<16xi32>
        %eq3A_73 = arith.cmpi eq, %iota3A, %eq3A_72 : vector<16xi32>
        %select_n3A_74 = arith.select %eq3A_73, %get3A_55, %broadcast_in_dim3A_57 : vector<16xi1>, vector<16xi32>
        %reduce_sum3A_75 = arith.constant true
        %reduce_sum3A_76 = vector.broadcast %reduce_sum3A_75 : i1 to vector<16xi1>
        %reduce_sum3A_77 = tpu.scan <sum>, %select_n3A_74 masked %reduce_sum3A_76 : vector<16xi32>, vector<16xi1> -> vector<16xi32>
        %reduce_sum3A_78 = vector.extract %reduce_sum3A_77[15] : i32 from vector<16xi32>
        %add3A_79 = arith.constant 0 : i32
        %add3A_80 = arith.addi %mul3A_50, %add3A_79 : i32
        %dma_start3A = arith.constant 0 : i32
        %dma_start3A_81 = tpu.memref_slice %arg12[%add3A_80, %dma_start3A] : memref<128x64xf32, #tpu.memory_space<vmem>> -> memref<1x64xf32, #tpu.memory_space<vmem>>
        %dma_start3A_82 = arith.constant 0 : i32
        %dma_start3A_83 = tpu.memref_slice %arg5[%reduce_sum3A_62, %dma_start3A_82] : memref<100000x64xf32, #tpu.memory_space<hbm>> -> memref<1x64xf32, #tpu.memory_space<hbm>>
        %dma_start3A_84 = arith.constant 0 : i32
        %dma_start3A_85 = tpu.memref_slice %arg12[%add3A_80, %dma_start3A_84] : memref<128x64xf32, #tpu.memory_space<vmem>> -> memref<1x64xf32, #tpu.memory_space<vmem>>
        %dma_start3A_86 = arith.constant 0 : i32
        %dma_start3A_87 = tpu.memref_slice %arg5[%reduce_sum3A_62, %dma_start3A_86] : memref<100000x64xf32, #tpu.memory_space<hbm>> -> memref<1x64xf32, #tpu.memory_space<hbm>>
        tpu.enqueue_dma source(%dma_start3A_87 : memref<1x64xf32, #tpu.memory_space<hbm>>) target(%dma_start3A_85 : memref<1x64xf32, #tpu.memory_space<vmem>>) target_semaphore(%arg17 : memref<!tpu.dma_semaphore, #tpu.memory_space<semaphore_mem>>)
        %dma_start3A_88 = arith.constant 0 : i32
        %dma_start3A_89 = tpu.memref_slice %arg13[%add3A_80, %dma_start3A_88] : memref<128x64xf32, #tpu.memory_space<vmem>> -> memref<1x64xf32, #tpu.memory_space<vmem>>
        %dma_start3A_90 = arith.constant 0 : i32
        %dma_start3A_91 = tpu.memref_slice %arg6[%reduce_sum3A_70, %dma_start3A_90] : memref<1000000x64xf32, #tpu.memory_space<hbm>> -> memref<1x64xf32, #tpu.memory_space<hbm>>
        %dma_start3A_92 = arith.constant 0 : i32
        %dma_start3A_93 = tpu.memref_slice %arg13[%add3A_80, %dma_start3A_92] : memref<128x64xf32, #tpu.memory_space<vmem>> -> memref<1x64xf32, #tpu.memory_space<vmem>>
        %dma_start3A_94 = arith.constant 0 : i32
        %dma_start3A_95 = tpu.memref_slice %arg6[%reduce_sum3A_70, %dma_start3A_94] : memref<1000000x64xf32, #tpu.memory_space<hbm>> -> memref<1x64xf32, #tpu.memory_space<hbm>>
        tpu.enqueue_dma source(%dma_start3A_95 : memref<1x64xf32, #tpu.memory_space<hbm>>) target(%dma_start3A_93 : memref<1x64xf32, #tpu.memory_space<vmem>>) target_semaphore(%arg18 : memref<!tpu.dma_semaphore, #tpu.memory_space<semaphore_mem>>)
        %dma_start3A_96 = arith.constant 0 : i32
        %dma_start3A_97 = tpu.memref_slice %arg14[%add3A_80, %dma_start3A_96] : memref<128x64xf32, #tpu.memory_space<vmem>> -> memref<1x64xf32, #tpu.memory_space<vmem>>
        %dma_start3A_98 = arith.constant 0 : i32
        %dma_start3A_99 = tpu.memref_slice %arg6[%reduce_sum3A_78, %dma_start3A_98] : memref<1000000x64xf32, #tpu.memory_space<hbm>> -> memref<1x64xf32, #tpu.memory_space<hbm>>
        %dma_start3A_100 = arith.constant 0 : i32
        %dma_start3A_101 = tpu.memref_slice %arg14[%add3A_80, %dma_start3A_100] : memref<128x64xf32, #tpu.memory_space<vmem>> -> memref<1x64xf32, #tpu.memory_space<vmem>>
        %dma_start3A_102 = arith.constant 0 : i32
        %dma_start3A_103 = tpu.memref_slice %arg6[%reduce_sum3A_78, %dma_start3A_102] : memref<1000000x64xf32, #tpu.memory_space<hbm>> -> memref<1x64xf32, #tpu.memory_space<hbm>>
        tpu.enqueue_dma source(%dma_start3A_103 : memref<1x64xf32, #tpu.memory_space<hbm>>) target(%dma_start3A_101 : memref<1x64xf32, #tpu.memory_space<vmem>>) target_semaphore(%arg19 : memref<!tpu.dma_semaphore, #tpu.memory_space<semaphore_mem>>)
        %eq3A_104 = arith.constant 1 : i32
        %eq3A_105 = vector.broadcast %eq3A_104 : i32 to vector<16xi32>
        %eq3A_106 = arith.cmpi eq, %iota3A, %eq3A_105 : vector<16xi32>
        %select_n3A_107 = arith.select %eq3A_106, %get3A_51, %broadcast_in_dim3A_57 : vector<16xi1>, vector<16xi32>
        %reduce_sum3A_108 = arith.constant true
        %reduce_sum3A_109 = vector.broadcast %reduce_sum3A_108 : i1 to vector<16xi1>
        %reduce_sum3A_110 = tpu.scan <sum>, %select_n3A_107 masked %reduce_sum3A_109 : vector<16xi32>, vector<16xi1> -> vector<16xi32>
        %reduce_sum3A_111 = vector.extract %reduce_sum3A_110[15] : i32 from vector<16xi32>
        %eq3A_112 = arith.constant 1 : i32
        %eq3A_113 = vector.broadcast %eq3A_112 : i32 to vector<16xi32>
        %eq3A_114 = arith.cmpi eq, %iota3A, %eq3A_113 : vector<16xi32>
        %select_n3A_115 = arith.select %eq3A_114, %get3A_53, %broadcast_in_dim3A_57 : vector<16xi1>, vector<16xi32>
        %reduce_sum3A_116 = arith.constant true
        %reduce_sum3A_117 = vector.broadcast %reduce_sum3A_116 : i1 to vector<16xi1>
        %reduce_sum3A_118 = tpu.scan <sum>, %select_n3A_115 masked %reduce_sum3A_117 : vector<16xi32>, vector<16xi1> -> vector<16xi32>
        %reduce_sum3A_119 = vector.extract %reduce_sum3A_118[15] : i32 from vector<16xi32>
        %eq3A_120 = arith.constant 1 : i32
        %eq3A_121 = vector.broadcast %eq3A_120 : i32 to vector<16xi32>
        %eq3A_122 = arith.cmpi eq, %iota3A, %eq3A_121 : vector<16xi32>
        %select_n3A_123 = arith.select %eq3A_122, %get3A_55, %broadcast_in_dim3A_57 : vector<16xi1>, vector<16xi32>
        %reduce_sum3A_124 = arith.constant true
        %reduce_sum3A_125 = vector.broadcast %reduce_sum3A_124 : i1 to vector<16xi1>
        %reduce_sum3A_126 = tpu.scan <sum>, %select_n3A_123 masked %reduce_sum3A_125 : vector<16xi32>, vector<16xi1> -> vector<16xi32>
        %reduce_sum3A_127 = vector.extract %reduce_sum3A_126[15] : i32 from vector<16xi32>
        %add3A_128 = arith.constant 1 : i32
        %add3A_129 = arith.addi %mul3A_50, %add3A_128 : i32
        %dma_start3A_130 = arith.constant 0 : i32
        %dma_start3A_131 = tpu.memref_slice %arg12[%add3A_129, %dma_start3A_130] : memref<128x64xf32, #tpu.memory_space<vmem>> -> memref<1x64xf32, #tpu.memory_space<vmem>>
        %dma_start3A_132 = arith.constant 0 : i32
        %dma_start3A_133 = tpu.memref_slice %arg5[%reduce_sum3A_111, %dma_start3A_132] : memref<100000x64xf32, #tpu.memory_space<hbm>> -> memref<1x64xf32, #tpu.memory_space<hbm>>
        %dma_start3A_134 = arith.constant 0 : i32
        %dma_start3A_135 = tpu.memref_slice %arg12[%add3A_129, %dma_start3A_134] : memref<128x64xf32, #tpu.memory_space<vmem>> -> memref<1x64xf32, #tpu.memory_space<vmem>>
        %dma_start3A_136 = arith.constant 0 : i32
        %dma_start3A_137 = tpu.memref_slice %arg5[%reduce_sum3A_111, %dma_start3A_136] : memref<100000x64xf32, #tpu.memory_space<hbm>> -> memref<1x64xf32, #tpu.memory_space<hbm>>
        tpu.enqueue_dma source(%dma_start3A_137 : memref<1x64xf32, #tpu.memory_space<hbm>>) target(%dma_start3A_135 : memref<1x64xf32, #tpu.memory_space<vmem>>) target_semaphore(%arg17 : memref<!tpu.dma_semaphore, #tpu.memory_space<semaphore_mem>>)
        %dma_start3A_138 = arith.constant 0 : i32
        %dma_start3A_139 = tpu.memref_slice %arg13[%add3A_129, %dma_start3A_138] : memref<128x64xf32, #tpu.memory_space<vmem>> -> memref<1x64xf32, #tpu.memory_space<vmem>>
        %dma_start3A_140 = arith.constant 0 : i32
        %dma_start3A_141 = tpu.memref_slice %arg6[%reduce_sum3A_119, %dma_start3A_140] : memref<1000000x64xf32, #tpu.memory_space<hbm>> -> memref<1x64xf32, #tpu.memory_space<hbm>>
        %dma_start3A_142 = arith.constant 0 : i32
        %dma_start3A_143 = tpu.memref_slice %arg13[%add3A_129, %dma_start3A_142] : memref<128x64xf32, #tpu.memory_space<vmem>> -> memref<1x64xf32, #tpu.memory_space<vmem>>
        %dma_start3A_144 = arith.constant 0 : i32
        %dma_start3A_145 = tpu.memref_slice %arg6[%reduce_sum3A_119, %dma_start3A_144] : memref<1000000x64xf32, #tpu.memory_space<hbm>> -> memref<1x64xf32, #tpu.memory_space<hbm>>
        tpu.enqueue_dma source(%dma_start3A_145 : memref<1x64xf32, #tpu.memory_space<hbm>>) target(%dma_start3A_143 : memref<1x64xf32, #tpu.memory_space<vmem>>) target_semaphore(%arg18 : memref<!tpu.dma_semaphore, #tpu.memory_space<semaphore_mem>>)
        %dma_start3A_146 = arith.constant 0 : i32
        %dma_start3A_147 = tpu.memref_slice %arg14[%add3A_129, %dma_start3A_146] : memref<128x64xf32, #tpu.memory_space<vmem>> -> memref<1x64xf32, #tpu.memory_space<vmem>>
        %dma_start3A_148 = arith.constant 0 : i32
        %dma_start3A_149 = tpu.memref_slice %arg6[%reduce_sum3A_127, %dma_start3A_148] : memref<1000000x64xf32, #tpu.memory_space<hbm>> -> memref<1x64xf32, #tpu.memory_space<hbm>>
        %dma_start3A_150 = arith.constant 0 : i32
        %dma_start3A_151 = tpu.memref_slice %arg14[%add3A_129, %dma_start3A_150] : memref<128x64xf32, #tpu.memory_space<vmem>> -> memref<1x64xf32, #tpu.memory_space<vmem>>
        %dma_start3A_152 = arith.constant 0 : i32
        %dma_start3A_153 = tpu.memref_slice %arg6[%reduce_sum3A_127, %dma_start3A_152] : memref<1000000x64xf32, #tpu.memory_space<hbm>> -> memref<1x64xf32, #tpu.memory_space<hbm>>
        tpu.enqueue_dma source(%dma_start3A_153 : memref<1x64xf32, #tpu.memory_space<hbm>>) target(%dma_start3A_151 : memref<1x64xf32, #tpu.memory_space<vmem>>) target_semaphore(%arg19 : memref<!tpu.dma_semaphore, #tpu.memory_space<semaphore_mem>>)
        %eq3A_154 = arith.constant 2 : i32
        %eq3A_155 = vector.broadcast %eq3A_154 : i32 to vector<16xi32>
        %eq3A_156 = arith.cmpi eq, %iota3A, %eq3A_155 : vector<16xi32>
        %select_n3A_157 = arith.select %eq3A_156, %get3A_51, %broadcast_in_dim3A_57 : vector<16xi1>, vector<16xi32>
        %reduce_sum3A_158 = arith.constant true
        %reduce_sum3A_159 = vector.broadcast %reduce_sum3A_158 : i1 to vector<16xi1>
        %reduce_sum3A_160 = tpu.scan <sum>, %select_n3A_157 masked %reduce_sum3A_159 : vector<16xi32>, vector<16xi1> -> vector<16xi32>
        %reduce_sum3A_161 = vector.extract %reduce_sum3A_160[15] : i32 from vector<16xi32>
        %eq3A_162 = arith.constant 2 : i32
        %eq3A_163 = vector.broadcast %eq3A_162 : i32 to vector<16xi32>
        %eq3A_164 = arith.cmpi eq, %iota3A, %eq3A_163 : vector<16xi32>
        %select_n3A_165 = arith.select %eq3A_164, %get3A_53, %broadcast_in_dim3A_57 : vector<16xi1>, vector<16xi32>
        %reduce_sum3A_166 = arith.constant true
        %reduce_sum3A_167 = vector.broadcast %reduce_sum3A_166 : i1 to vector<16xi1>
        %reduce_sum3A_168 = tpu.scan <sum>, %select_n3A_165 masked %reduce_sum3A_167 : vector<16xi32>, vector<16xi1> -> vector<16xi32>
        %reduce_sum3A_169 = vector.extract %reduce_sum3A_168[15] : i32 from vector<16xi32>
        %eq3A_170 = arith.constant 2 : i32
        %eq3A_171 = vector.broadcast %eq3A_170 : i32 to vector<16xi32>
        %eq3A_172 = arith.cmpi eq, %iota3A, %eq3A_171 : vector<16xi32>
        %select_n3A_173 = arith.select %eq3A_172, %get3A_55, %broadcast_in_dim3A_57 : vector<16xi1>, vector<16xi32>
        %reduce_sum3A_174 = arith.constant true
        %reduce_sum3A_175 = vector.broadcast %reduce_sum3A_174 : i1 to vector<16xi1>
        %reduce_sum3A_176 = tpu.scan <sum>, %select_n3A_173 masked %reduce_sum3A_175 : vector<16xi32>, vector<16xi1> -> vector<16xi32>
        %reduce_sum3A_177 = vector.extract %reduce_sum3A_176[15] : i32 from vector<16xi32>
        %add3A_178 = arith.constant 2 : i32
        %add3A_179 = arith.addi %mul3A_50, %add3A_178 : i32
        %dma_start3A_180 = arith.constant 0 : i32
        %dma_start3A_181 = tpu.memref_slice %arg12[%add3A_179, %dma_start3A_180] : memref<128x64xf32, #tpu.memory_space<vmem>> -> memref<1x64xf32, #tpu.memory_space<vmem>>
        %dma_start3A_182 = arith.constant 0 : i32
        %dma_start3A_183 = tpu.memref_slice %arg5[%reduce_sum3A_161, %dma_start3A_182] : memref<100000x64xf32, #tpu.memory_space<hbm>> -> memref<1x64xf32, #tpu.memory_space<hbm>>
        %dma_start3A_184 = arith.constant 0 : i32
        %dma_start3A_185 = tpu.memref_slice %arg12[%add3A_179, %dma_start3A_184] : memref<128x64xf32, #tpu.memory_space<vmem>> -> memref<1x64xf32, #tpu.memory_space<vmem>>
        %dma_start3A_186 = arith.constant 0 : i32
        %dma_start3A_187 = tpu.memref_slice %arg5[%reduce_sum3A_161, %dma_start3A_186] : memref<100000x64xf32, #tpu.memory_space<hbm>> -> memref<1x64xf32, #tpu.memory_space<hbm>>
        tpu.enqueue_dma source(%dma_start3A_187 : memref<1x64xf32, #tpu.memory_space<hbm>>) target(%dma_start3A_185 : memref<1x64xf32, #tpu.memory_space<vmem>>) target_semaphore(%arg17 : memref<!tpu.dma_semaphore, #tpu.memory_space<semaphore_mem>>)
        %dma_start3A_188 = arith.constant 0 : i32
        %dma_start3A_189 = tpu.memref_slice %arg13[%add3A_179, %dma_start3A_188] : memref<128x64xf32, #tpu.memory_space<vmem>> -> memref<1x64xf32, #tpu.memory_space<vmem>>
        %dma_start3A_190 = arith.constant 0 : i32
        %dma_start3A_191 = tpu.memref_slice %arg6[%reduce_sum3A_169, %dma_start3A_190] : memref<1000000x64xf32, #tpu.memory_space<hbm>> -> memref<1x64xf32, #tpu.memory_space<hbm>>
        %dma_start3A_192 = arith.constant 0 : i32
        %dma_start3A_193 = tpu.memref_slice %arg13[%add3A_179, %dma_start3A_192] : memref<128x64xf32, #tpu.memory_space<vmem>> -> memref<1x64xf32, #tpu.memory_space<vmem>>
        %dma_start3A_194 = arith.constant 0 : i32
        %dma_start3A_195 = tpu.memref_slice %arg6[%reduce_sum3A_169, %dma_start3A_194] : memref<1000000x64xf32, #tpu.memory_space<hbm>> -> memref<1x64xf32, #tpu.memory_space<hbm>>
        tpu.enqueue_dma source(%dma_start3A_195 : memref<1x64xf32, #tpu.memory_space<hbm>>) target(%dma_start3A_193 : memref<1x64xf32, #tpu.memory_space<vmem>>) target_semaphore(%arg18 : memref<!tpu.dma_semaphore, #tpu.memory_space<semaphore_mem>>)
        %dma_start3A_196 = arith.constant 0 : i32
        %dma_start3A_197 = tpu.memref_slice %arg14[%add3A_179, %dma_start3A_196] : memref<128x64xf32, #tpu.memory_space<vmem>> -> memref<1x64xf32, #tpu.memory_space<vmem>>
        %dma_start3A_198 = arith.constant 0 : i32
        %dma_start3A_199 = tpu.memref_slice %arg6[%reduce_sum3A_177, %dma_start3A_198] : memref<1000000x64xf32, #tpu.memory_space<hbm>> -> memref<1x64xf32, #tpu.memory_space<hbm>>
        %dma_start3A_200 = arith.constant 0 : i32
        %dma_start3A_201 = tpu.memref_slice %arg14[%add3A_179, %dma_start3A_200] : memref<128x64xf32, #tpu.memory_space<vmem>> -> memref<1x64xf32, #tpu.memory_space<vmem>>
        %dma_start3A_202 = arith.constant 0 : i32
        %dma_start3A_203 = tpu.memref_slice %arg6[%reduce_sum3A_177, %dma_start3A_202] : memref<1000000x64xf32, #tpu.memory_space<hbm>> -> memref<1x64xf32, #tpu.memory_space<hbm>>
        tpu.enqueue_dma source(%dma_start3A_203 : memref<1x64xf32, #tpu.memory_space<hbm>>) target(%dma_start3A_201 : memref<1x64xf32, #tpu.memory_space<vmem>>) target_semaphore(%arg19 : memref<!tpu.dma_semaphore, #tpu.memory_space<semaphore_mem>>)
        %eq3A_204 = arith.constant 3 : i32
        %eq3A_205 = vector.broadcast %eq3A_204 : i32 to vector<16xi32>
        %eq3A_206 = arith.cmpi eq, %iota3A, %eq3A_205 : vector<16xi32>
        %select_n3A_207 = arith.select %eq3A_206, %get3A_51, %broadcast_in_dim3A_57 : vector<16xi1>, vector<16xi32>
        %reduce_sum3A_208 = arith.constant true
        %reduce_sum3A_209 = vector.broadcast %reduce_sum3A_208 : i1 to vector<16xi1>
        %reduce_sum3A_210 = tpu.scan <sum>, %select_n3A_207 masked %reduce_sum3A_209 : vector<16xi32>, vector<16xi1> -> vector<16xi32>
        %reduce_sum3A_211 = vector.extract %reduce_sum3A_210[15] : i32 from vector<16xi32>
        %eq3A_212 = arith.constant 3 : i32
        %eq3A_213 = vector.broadcast %eq3A_212 : i32 to vector<16xi32>
        %eq3A_214 = arith.cmpi eq, %iota3A, %eq3A_213 : vector<16xi32>
        %select_n3A_215 = arith.select %eq3A_214, %get3A_53, %broadcast_in_dim3A_57 : vector<16xi1>, vector<16xi32>
        %reduce_sum3A_216 = arith.constant true
        %reduce_sum3A_217 = vector.broadcast %reduce_sum3A_216 : i1 to vector<16xi1>
        %reduce_sum3A_218 = tpu.scan <sum>, %select_n3A_215 masked %reduce_sum3A_217 : vector<16xi32>, vector<16xi1> -> vector<16xi32>
        %reduce_sum3A_219 = vector.extract %reduce_sum3A_218[15] : i32 from vector<16xi32>
        %eq3A_220 = arith.constant 3 : i32
        %eq3A_221 = vector.broadcast %eq3A_220 : i32 to vector<16xi32>
        %eq3A_222 = arith.cmpi eq, %iota3A, %eq3A_221 : vector<16xi32>
        %select_n3A_223 = arith.select %eq3A_222, %get3A_55, %broadcast_in_dim3A_57 : vector<16xi1>, vector<16xi32>
        %reduce_sum3A_224 = arith.constant true
        %reduce_sum3A_225 = vector.broadcast %reduce_sum3A_224 : i1 to vector<16xi1>
        %reduce_sum3A_226 = tpu.scan <sum>, %select_n3A_223 masked %reduce_sum3A_225 : vector<16xi32>, vector<16xi1> -> vector<16xi32>
        %reduce_sum3A_227 = vector.extract %reduce_sum3A_226[15] : i32 from vector<16xi32>
        %add3A_228 = arith.constant 3 : i32
        %add3A_229 = arith.addi %mul3A_50, %add3A_228 : i32
        %dma_start3A_230 = arith.constant 0 : i32
        %dma_start3A_231 = tpu.memref_slice %arg12[%add3A_229, %dma_start3A_230] : memref<128x64xf32, #tpu.memory_space<vmem>> -> memref<1x64xf32, #tpu.memory_space<vmem>>
        %dma_start3A_232 = arith.constant 0 : i32
        %dma_start3A_233 = tpu.memref_slice %arg5[%reduce_sum3A_211, %dma_start3A_232] : memref<100000x64xf32, #tpu.memory_space<hbm>> -> memref<1x64xf32, #tpu.memory_space<hbm>>
        %dma_start3A_234 = arith.constant 0 : i32
        %dma_start3A_235 = tpu.memref_slice %arg12[%add3A_229, %dma_start3A_234] : memref<128x64xf32, #tpu.memory_space<vmem>> -> memref<1x64xf32, #tpu.memory_space<vmem>>
        %dma_start3A_236 = arith.constant 0 : i32
        %dma_start3A_237 = tpu.memref_slice %arg5[%reduce_sum3A_211, %dma_start3A_236] : memref<100000x64xf32, #tpu.memory_space<hbm>> -> memref<1x64xf32, #tpu.memory_space<hbm>>
        tpu.enqueue_dma source(%dma_start3A_237 : memref<1x64xf32, #tpu.memory_space<hbm>>) target(%dma_start3A_235 : memref<1x64xf32, #tpu.memory_space<vmem>>) target_semaphore(%arg17 : memref<!tpu.dma_semaphore, #tpu.memory_space<semaphore_mem>>)
        %dma_start3A_238 = arith.constant 0 : i32
        %dma_start3A_239 = tpu.memref_slice %arg13[%add3A_229, %dma_start3A_238] : memref<128x64xf32, #tpu.memory_space<vmem>> -> memref<1x64xf32, #tpu.memory_space<vmem>>
        %dma_start3A_240 = arith.constant 0 : i32
        %dma_start3A_241 = tpu.memref_slice %arg6[%reduce_sum3A_219, %dma_start3A_240] : memref<1000000x64xf32, #tpu.memory_space<hbm>> -> memref<1x64xf32, #tpu.memory_space<hbm>>
        %dma_start3A_242 = arith.constant 0 : i32
        %dma_start3A_243 = tpu.memref_slice %arg13[%add3A_229, %dma_start3A_242] : memref<128x64xf32, #tpu.memory_space<vmem>> -> memref<1x64xf32, #tpu.memory_space<vmem>>
        %dma_start3A_244 = arith.constant 0 : i32
        %dma_start3A_245 = tpu.memref_slice %arg6[%reduce_sum3A_219, %dma_start3A_244] : memref<1000000x64xf32, #tpu.memory_space<hbm>> -> memref<1x64xf32, #tpu.memory_space<hbm>>
        tpu.enqueue_dma source(%dma_start3A_245 : memref<1x64xf32, #tpu.memory_space<hbm>>) target(%dma_start3A_243 : memref<1x64xf32, #tpu.memory_space<vmem>>) target_semaphore(%arg18 : memref<!tpu.dma_semaphore, #tpu.memory_space<semaphore_mem>>)
        %dma_start3A_246 = arith.constant 0 : i32
        %dma_start3A_247 = tpu.memref_slice %arg14[%add3A_229, %dma_start3A_246] : memref<128x64xf32, #tpu.memory_space<vmem>> -> memref<1x64xf32, #tpu.memory_space<vmem>>
        %dma_start3A_248 = arith.constant 0 : i32
        %dma_start3A_249 = tpu.memref_slice %arg6[%reduce_sum3A_227, %dma_start3A_248] : memref<1000000x64xf32, #tpu.memory_space<hbm>> -> memref<1x64xf32, #tpu.memory_space<hbm>>
        %dma_start3A_250 = arith.constant 0 : i32
        %dma_start3A_251 = tpu.memref_slice %arg14[%add3A_229, %dma_start3A_250] : memref<128x64xf32, #tpu.memory_space<vmem>> -> memref<1x64xf32, #tpu.memory_space<vmem>>
        %dma_start3A_252 = arith.constant 0 : i32
        %dma_start3A_253 = tpu.memref_slice %arg6[%reduce_sum3A_227, %dma_start3A_252] : memref<1000000x64xf32, #tpu.memory_space<hbm>> -> memref<1x64xf32, #tpu.memory_space<hbm>>
        tpu.enqueue_dma source(%dma_start3A_253 : memref<1x64xf32, #tpu.memory_space<hbm>>) target(%dma_start3A_251 : memref<1x64xf32, #tpu.memory_space<vmem>>) target_semaphore(%arg19 : memref<!tpu.dma_semaphore, #tpu.memory_space<semaphore_mem>>)
        %eq3A_254 = arith.constant 4 : i32
        %eq3A_255 = vector.broadcast %eq3A_254 : i32 to vector<16xi32>
        %eq3A_256 = arith.cmpi eq, %iota3A, %eq3A_255 : vector<16xi32>
        %select_n3A_257 = arith.select %eq3A_256, %get3A_51, %broadcast_in_dim3A_57 : vector<16xi1>, vector<16xi32>
        %reduce_sum3A_258 = arith.constant true
        %reduce_sum3A_259 = vector.broadcast %reduce_sum3A_258 : i1 to vector<16xi1>
        %reduce_sum3A_260 = tpu.scan <sum>, %select_n3A_257 masked %reduce_sum3A_259 : vector<16xi32>, vector<16xi1> -> vector<16xi32>
        %reduce_sum3A_261 = vector.extract %reduce_sum3A_260[15] : i32 from vector<16xi32>
        %eq3A_262 = arith.constant 4 : i32
        %eq3A_263 = vector.broadcast %eq3A_262 : i32 to vector<16xi32>
        %eq3A_264 = arith.cmpi eq, %iota3A, %eq3A_263 : vector<16xi32>
        %select_n3A_265 = arith.select %eq3A_264, %get3A_53, %broadcast_in_dim3A_57 : vector<16xi1>, vector<16xi32>
        %reduce_sum3A_266 = arith.constant true
        %reduce_sum3A_267 = vector.broadcast %reduce_sum3A_266 : i1 to vector<16xi1>
        %reduce_sum3A_268 = tpu.scan <sum>, %select_n3A_265 masked %reduce_sum3A_267 : vector<16xi32>, vector<16xi1> -> vector<16xi32>
        %reduce_sum3A_269 = vector.extract %reduce_sum3A_268[15] : i32 from vector<16xi32>
        %eq3A_270 = arith.constant 4 : i32
        %eq3A_271 = vector.broadcast %eq3A_270 : i32 to vector<16xi32>
        %eq3A_272 = arith.cmpi eq, %iota3A, %eq3A_271 : vector<16xi32>
        %select_n3A_273 = arith.select %eq3A_272, %get3A_55, %broadcast_in_dim3A_57 : vector<16xi1>, vector<16xi32>
        %reduce_sum3A_274 = arith.constant true
        %reduce_sum3A_275 = vector.broadcast %reduce_sum3A_274 : i1 to vector<16xi1>
        %reduce_sum3A_276 = tpu.scan <sum>, %select_n3A_273 masked %reduce_sum3A_275 : vector<16xi32>, vector<16xi1> -> vector<16xi32>
        %reduce_sum3A_277 = vector.extract %reduce_sum3A_276[15] : i32 from vector<16xi32>
        %add3A_278 = arith.constant 4 : i32
        %add3A_279 = arith.addi %mul3A_50, %add3A_278 : i32
        %dma_start3A_280 = arith.constant 0 : i32
        %dma_start3A_281 = tpu.memref_slice %arg12[%add3A_279, %dma_start3A_280] : memref<128x64xf32, #tpu.memory_space<vmem>> -> memref<1x64xf32, #tpu.memory_space<vmem>>
        %dma_start3A_282 = arith.constant 0 : i32
        %dma_start3A_283 = tpu.memref_slice %arg5[%reduce_sum3A_261, %dma_start3A_282] : memref<100000x64xf32, #tpu.memory_space<hbm>> -> memref<1x64xf32, #tpu.memory_space<hbm>>
        %dma_start3A_284 = arith.constant 0 : i32
        %dma_start3A_285 = tpu.memref_slice %arg12[%add3A_279, %dma_start3A_284] : memref<128x64xf32, #tpu.memory_space<vmem>> -> memref<1x64xf32, #tpu.memory_space<vmem>>
        %dma_start3A_286 = arith.constant 0 : i32
        %dma_start3A_287 = tpu.memref_slice %arg5[%reduce_sum3A_261, %dma_start3A_286] : memref<100000x64xf32, #tpu.memory_space<hbm>> -> memref<1x64xf32, #tpu.memory_space<hbm>>
        tpu.enqueue_dma source(%dma_start3A_287 : memref<1x64xf32, #tpu.memory_space<hbm>>) target(%dma_start3A_285 : memref<1x64xf32, #tpu.memory_space<vmem>>) target_semaphore(%arg17 : memref<!tpu.dma_semaphore, #tpu.memory_space<semaphore_mem>>)
        %dma_start3A_288 = arith.constant 0 : i32
        %dma_start3A_289 = tpu.memref_slice %arg13[%add3A_279, %dma_start3A_288] : memref<128x64xf32, #tpu.memory_space<vmem>> -> memref<1x64xf32, #tpu.memory_space<vmem>>
        %dma_start3A_290 = arith.constant 0 : i32
        %dma_start3A_291 = tpu.memref_slice %arg6[%reduce_sum3A_269, %dma_start3A_290] : memref<1000000x64xf32, #tpu.memory_space<hbm>> -> memref<1x64xf32, #tpu.memory_space<hbm>>
        %dma_start3A_292 = arith.constant 0 : i32
        %dma_start3A_293 = tpu.memref_slice %arg13[%add3A_279, %dma_start3A_292] : memref<128x64xf32, #tpu.memory_space<vmem>> -> memref<1x64xf32, #tpu.memory_space<vmem>>
        %dma_start3A_294 = arith.constant 0 : i32
        %dma_start3A_295 = tpu.memref_slice %arg6[%reduce_sum3A_269, %dma_start3A_294] : memref<1000000x64xf32, #tpu.memory_space<hbm>> -> memref<1x64xf32, #tpu.memory_space<hbm>>
        tpu.enqueue_dma source(%dma_start3A_295 : memref<1x64xf32, #tpu.memory_space<hbm>>) target(%dma_start3A_293 : memref<1x64xf32, #tpu.memory_space<vmem>>) target_semaphore(%arg18 : memref<!tpu.dma_semaphore, #tpu.memory_space<semaphore_mem>>)
        %dma_start3A_296 = arith.constant 0 : i32
        %dma_start3A_297 = tpu.memref_slice %arg14[%add3A_279, %dma_start3A_296] : memref<128x64xf32, #tpu.memory_space<vmem>> -> memref<1x64xf32, #tpu.memory_space<vmem>>
        %dma_start3A_298 = arith.constant 0 : i32
        %dma_start3A_299 = tpu.memref_slice %arg6[%reduce_sum3A_277, %dma_start3A_298] : memref<1000000x64xf32, #tpu.memory_space<hbm>> -> memref<1x64xf32, #tpu.memory_space<hbm>>
        %dma_start3A_300 = arith.constant 0 : i32
        %dma_start3A_301 = tpu.memref_slice %arg14[%add3A_279, %dma_start3A_300] : memref<128x64xf32, #tpu.memory_space<vmem>> -> memref<1x64xf32, #tpu.memory_space<vmem>>
        %dma_start3A_302 = arith.constant 0 : i32
        %dma_start3A_303 = tpu.memref_slice %arg6[%reduce_sum3A_277, %dma_start3A_302] : memref<1000000x64xf32, #tpu.memory_space<hbm>> -> memref<1x64xf32, #tpu.memory_space<hbm>>
        tpu.enqueue_dma source(%dma_start3A_303 : memref<1x64xf32, #tpu.memory_space<hbm>>) target(%dma_start3A_301 : memref<1x64xf32, #tpu.memory_space<vmem>>) target_semaphore(%arg19 : memref<!tpu.dma_semaphore, #tpu.memory_space<semaphore_mem>>)
        %eq3A_304 = arith.constant 5 : i32
        %eq3A_305 = vector.broadcast %eq3A_304 : i32 to vector<16xi32>
        %eq3A_306 = arith.cmpi eq, %iota3A, %eq3A_305 : vector<16xi32>
        %select_n3A_307 = arith.select %eq3A_306, %get3A_51, %broadcast_in_dim3A_57 : vector<16xi1>, vector<16xi32>
        %reduce_sum3A_308 = arith.constant true
        %reduce_sum3A_309 = vector.broadcast %reduce_sum3A_308 : i1 to vector<16xi1>
        %reduce_sum3A_310 = tpu.scan <sum>, %select_n3A_307 masked %reduce_sum3A_309 : vector<16xi32>, vector<16xi1> -> vector<16xi32>
        %reduce_sum3A_311 = vector.extract %reduce_sum3A_310[15] : i32 from vector<16xi32>
        %eq3A_312 = arith.constant 5 : i32
        %eq3A_313 = vector.broadcast %eq3A_312 : i32 to vector<16xi32>
        %eq3A_314 = arith.cmpi eq, %iota3A, %eq3A_313 : vector<16xi32>
        %select_n3A_315 = arith.select %eq3A_314, %get3A_53, %broadcast_in_dim3A_57 : vector<16xi1>, vector<16xi32>
        %reduce_sum3A_316 = arith.constant true
        %reduce_sum3A_317 = vector.broadcast %reduce_sum3A_316 : i1 to vector<16xi1>
        %reduce_sum3A_318 = tpu.scan <sum>, %select_n3A_315 masked %reduce_sum3A_317 : vector<16xi32>, vector<16xi1> -> vector<16xi32>
        %reduce_sum3A_319 = vector.extract %reduce_sum3A_318[15] : i32 from vector<16xi32>
        %eq3A_320 = arith.constant 5 : i32
        %eq3A_321 = vector.broadcast %eq3A_320 : i32 to vector<16xi32>
        %eq3A_322 = arith.cmpi eq, %iota3A, %eq3A_321 : vector<16xi32>
        %select_n3A_323 = arith.select %eq3A_322, %get3A_55, %broadcast_in_dim3A_57 : vector<16xi1>, vector<16xi32>
        %reduce_sum3A_324 = arith.constant true
        %reduce_sum3A_325 = vector.broadcast %reduce_sum3A_324 : i1 to vector<16xi1>
        %reduce_sum3A_326 = tpu.scan <sum>, %select_n3A_323 masked %reduce_sum3A_325 : vector<16xi32>, vector<16xi1> -> vector<16xi32>
        %reduce_sum3A_327 = vector.extract %reduce_sum3A_326[15] : i32 from vector<16xi32>
        %add3A_328 = arith.constant 5 : i32
        %add3A_329 = arith.addi %mul3A_50, %add3A_328 : i32
        %dma_start3A_330 = arith.constant 0 : i32
        %dma_start3A_331 = tpu.memref_slice %arg12[%add3A_329, %dma_start3A_330] : memref<128x64xf32, #tpu.memory_space<vmem>> -> memref<1x64xf32, #tpu.memory_space<vmem>>
        %dma_start3A_332 = arith.constant 0 : i32
        %dma_start3A_333 = tpu.memref_slice %arg5[%reduce_sum3A_311, %dma_start3A_332] : memref<100000x64xf32, #tpu.memory_space<hbm>> -> memref<1x64xf32, #tpu.memory_space<hbm>>
        %dma_start3A_334 = arith.constant 0 : i32
        %dma_start3A_335 = tpu.memref_slice %arg12[%add3A_329, %dma_start3A_334] : memref<128x64xf32, #tpu.memory_space<vmem>> -> memref<1x64xf32, #tpu.memory_space<vmem>>
        %dma_start3A_336 = arith.constant 0 : i32
        %dma_start3A_337 = tpu.memref_slice %arg5[%reduce_sum3A_311, %dma_start3A_336] : memref<100000x64xf32, #tpu.memory_space<hbm>> -> memref<1x64xf32, #tpu.memory_space<hbm>>
        tpu.enqueue_dma source(%dma_start3A_337 : memref<1x64xf32, #tpu.memory_space<hbm>>) target(%dma_start3A_335 : memref<1x64xf32, #tpu.memory_space<vmem>>) target_semaphore(%arg17 : memref<!tpu.dma_semaphore, #tpu.memory_space<semaphore_mem>>)
        %dma_start3A_338 = arith.constant 0 : i32
        %dma_start3A_339 = tpu.memref_slice %arg13[%add3A_329, %dma_start3A_338] : memref<128x64xf32, #tpu.memory_space<vmem>> -> memref<1x64xf32, #tpu.memory_space<vmem>>
        %dma_start3A_340 = arith.constant 0 : i32
        %dma_start3A_341 = tpu.memref_slice %arg6[%reduce_sum3A_319, %dma_start3A_340] : memref<1000000x64xf32, #tpu.memory_space<hbm>> -> memref<1x64xf32, #tpu.memory_space<hbm>>
        %dma_start3A_342 = arith.constant 0 : i32
        %dma_start3A_343 = tpu.memref_slice %arg13[%add3A_329, %dma_start3A_342] : memref<128x64xf32, #tpu.memory_space<vmem>> -> memref<1x64xf32, #tpu.memory_space<vmem>>
        %dma_start3A_344 = arith.constant 0 : i32
        %dma_start3A_345 = tpu.memref_slice %arg6[%reduce_sum3A_319, %dma_start3A_344] : memref<1000000x64xf32, #tpu.memory_space<hbm>> -> memref<1x64xf32, #tpu.memory_space<hbm>>
        tpu.enqueue_dma source(%dma_start3A_345 : memref<1x64xf32, #tpu.memory_space<hbm>>) target(%dma_start3A_343 : memref<1x64xf32, #tpu.memory_space<vmem>>) target_semaphore(%arg18 : memref<!tpu.dma_semaphore, #tpu.memory_space<semaphore_mem>>)
        %dma_start3A_346 = arith.constant 0 : i32
        %dma_start3A_347 = tpu.memref_slice %arg14[%add3A_329, %dma_start3A_346] : memref<128x64xf32, #tpu.memory_space<vmem>> -> memref<1x64xf32, #tpu.memory_space<vmem>>
        %dma_start3A_348 = arith.constant 0 : i32
        %dma_start3A_349 = tpu.memref_slice %arg6[%reduce_sum3A_327, %dma_start3A_348] : memref<1000000x64xf32, #tpu.memory_space<hbm>> -> memref<1x64xf32, #tpu.memory_space<hbm>>
        %dma_start3A_350 = arith.constant 0 : i32
        %dma_start3A_351 = tpu.memref_slice %arg14[%add3A_329, %dma_start3A_350] : memref<128x64xf32, #tpu.memory_space<vmem>> -> memref<1x64xf32, #tpu.memory_space<vmem>>
        %dma_start3A_352 = arith.constant 0 : i32
        %dma_start3A_353 = tpu.memref_slice %arg6[%reduce_sum3A_327, %dma_start3A_352] : memref<1000000x64xf32, #tpu.memory_space<hbm>> -> memref<1x64xf32, #tpu.memory_space<hbm>>
        tpu.enqueue_dma source(%dma_start3A_353 : memref<1x64xf32, #tpu.memory_space<hbm>>) target(%dma_start3A_351 : memref<1x64xf32, #tpu.memory_space<vmem>>) target_semaphore(%arg19 : memref<!tpu.dma_semaphore, #tpu.memory_space<semaphore_mem>>)
        %eq3A_354 = arith.constant 6 : i32
        %eq3A_355 = vector.broadcast %eq3A_354 : i32 to vector<16xi32>
        %eq3A_356 = arith.cmpi eq, %iota3A, %eq3A_355 : vector<16xi32>
        %select_n3A_357 = arith.select %eq3A_356, %get3A_51, %broadcast_in_dim3A_57 : vector<16xi1>, vector<16xi32>
        %reduce_sum3A_358 = arith.constant true
        %reduce_sum3A_359 = vector.broadcast %reduce_sum3A_358 : i1 to vector<16xi1>
        %reduce_sum3A_360 = tpu.scan <sum>, %select_n3A_357 masked %reduce_sum3A_359 : vector<16xi32>, vector<16xi1> -> vector<16xi32>
        %reduce_sum3A_361 = vector.extract %reduce_sum3A_360[15] : i32 from vector<16xi32>
        %eq3A_362 = arith.constant 6 : i32
        %eq3A_363 = vector.broadcast %eq3A_362 : i32 to vector<16xi32>
        %eq3A_364 = arith.cmpi eq, %iota3A, %eq3A_363 : vector<16xi32>
        %select_n3A_365 = arith.select %eq3A_364, %get3A_53, %broadcast_in_dim3A_57 : vector<16xi1>, vector<16xi32>
        %reduce_sum3A_366 = arith.constant true
        %reduce_sum3A_367 = vector.broadcast %reduce_sum3A_366 : i1 to vector<16xi1>
        %reduce_sum3A_368 = tpu.scan <sum>, %select_n3A_365 masked %reduce_sum3A_367 : vector<16xi32>, vector<16xi1> -> vector<16xi32>
        %reduce_sum3A_369 = vector.extract %reduce_sum3A_368[15] : i32 from vector<16xi32>
        %eq3A_370 = arith.constant 6 : i32
        %eq3A_371 = vector.broadcast %eq3A_370 : i32 to vector<16xi32>
        %eq3A_372 = arith.cmpi eq, %iota3A, %eq3A_371 : vector<16xi32>
        %select_n3A_373 = arith.select %eq3A_372, %get3A_55, %broadcast_in_dim3A_57 : vector<16xi1>, vector<16xi32>
        %reduce_sum3A_374 = arith.constant true
        %reduce_sum3A_375 = vector.broadcast %reduce_sum3A_374 : i1 to vector<16xi1>
        %reduce_sum3A_376 = tpu.scan <sum>, %select_n3A_373 masked %reduce_sum3A_375 : vector<16xi32>, vector<16xi1> -> vector<16xi32>
        %reduce_sum3A_377 = vector.extract %reduce_sum3A_376[15] : i32 from vector<16xi32>
        %add3A_378 = arith.constant 6 : i32
        %add3A_379 = arith.addi %mul3A_50, %add3A_378 : i32
        %dma_start3A_380 = arith.constant 0 : i32
        %dma_start3A_381 = tpu.memref_slice %arg12[%add3A_379, %dma_start3A_380] : memref<128x64xf32, #tpu.memory_space<vmem>> -> memref<1x64xf32, #tpu.memory_space<vmem>>
        %dma_start3A_382 = arith.constant 0 : i32
        %dma_start3A_383 = tpu.memref_slice %arg5[%reduce_sum3A_361, %dma_start3A_382] : memref<100000x64xf32, #tpu.memory_space<hbm>> -> memref<1x64xf32, #tpu.memory_space<hbm>>
        %dma_start3A_384 = arith.constant 0 : i32
        %dma_start3A_385 = tpu.memref_slice %arg12[%add3A_379, %dma_start3A_384] : memref<128x64xf32, #tpu.memory_space<vmem>> -> memref<1x64xf32, #tpu.memory_space<vmem>>
        %dma_start3A_386 = arith.constant 0 : i32
        %dma_start3A_387 = tpu.memref_slice %arg5[%reduce_sum3A_361, %dma_start3A_386] : memref<100000x64xf32, #tpu.memory_space<hbm>> -> memref<1x64xf32, #tpu.memory_space<hbm>>
        tpu.enqueue_dma source(%dma_start3A_387 : memref<1x64xf32, #tpu.memory_space<hbm>>) target(%dma_start3A_385 : memref<1x64xf32, #tpu.memory_space<vmem>>) target_semaphore(%arg17 : memref<!tpu.dma_semaphore, #tpu.memory_space<semaphore_mem>>)
        %dma_start3A_388 = arith.constant 0 : i32
        %dma_start3A_389 = tpu.memref_slice %arg13[%add3A_379, %dma_start3A_388] : memref<128x64xf32, #tpu.memory_space<vmem>> -> memref<1x64xf32, #tpu.memory_space<vmem>>
        %dma_start3A_390 = arith.constant 0 : i32
        %dma_start3A_391 = tpu.memref_slice %arg6[%reduce_sum3A_369, %dma_start3A_390] : memref<1000000x64xf32, #tpu.memory_space<hbm>> -> memref<1x64xf32, #tpu.memory_space<hbm>>
        %dma_start3A_392 = arith.constant 0 : i32
        %dma_start3A_393 = tpu.memref_slice %arg13[%add3A_379, %dma_start3A_392] : memref<128x64xf32, #tpu.memory_space<vmem>> -> memref<1x64xf32, #tpu.memory_space<vmem>>
        %dma_start3A_394 = arith.constant 0 : i32
        %dma_start3A_395 = tpu.memref_slice %arg6[%reduce_sum3A_369, %dma_start3A_394] : memref<1000000x64xf32, #tpu.memory_space<hbm>> -> memref<1x64xf32, #tpu.memory_space<hbm>>
        tpu.enqueue_dma source(%dma_start3A_395 : memref<1x64xf32, #tpu.memory_space<hbm>>) target(%dma_start3A_393 : memref<1x64xf32, #tpu.memory_space<vmem>>) target_semaphore(%arg18 : memref<!tpu.dma_semaphore, #tpu.memory_space<semaphore_mem>>)
        %dma_start3A_396 = arith.constant 0 : i32
        %dma_start3A_397 = tpu.memref_slice %arg14[%add3A_379, %dma_start3A_396] : memref<128x64xf32, #tpu.memory_space<vmem>> -> memref<1x64xf32, #tpu.memory_space<vmem>>
        %dma_start3A_398 = arith.constant 0 : i32
        %dma_start3A_399 = tpu.memref_slice %arg6[%reduce_sum3A_377, %dma_start3A_398] : memref<1000000x64xf32, #tpu.memory_space<hbm>> -> memref<1x64xf32, #tpu.memory_space<hbm>>
        %dma_start3A_400 = arith.constant 0 : i32
        %dma_start3A_401 = tpu.memref_slice %arg14[%add3A_379, %dma_start3A_400] : memref<128x64xf32, #tpu.memory_space<vmem>> -> memref<1x64xf32, #tpu.memory_space<vmem>>
        %dma_start3A_402 = arith.constant 0 : i32
        %dma_start3A_403 = tpu.memref_slice %arg6[%reduce_sum3A_377, %dma_start3A_402] : memref<1000000x64xf32, #tpu.memory_space<hbm>> -> memref<1x64xf32, #tpu.memory_space<hbm>>
        tpu.enqueue_dma source(%dma_start3A_403 : memref<1x64xf32, #tpu.memory_space<hbm>>) target(%dma_start3A_401 : memref<1x64xf32, #tpu.memory_space<vmem>>) target_semaphore(%arg19 : memref<!tpu.dma_semaphore, #tpu.memory_space<semaphore_mem>>)
        %eq3A_404 = arith.constant 7 : i32
        %eq3A_405 = vector.broadcast %eq3A_404 : i32 to vector<16xi32>
        %eq3A_406 = arith.cmpi eq, %iota3A, %eq3A_405 : vector<16xi32>
        %select_n3A_407 = arith.select %eq3A_406, %get3A_51, %broadcast_in_dim3A_57 : vector<16xi1>, vector<16xi32>
        %reduce_sum3A_408 = arith.constant true
        %reduce_sum3A_409 = vector.broadcast %reduce_sum3A_408 : i1 to vector<16xi1>
        %reduce_sum3A_410 = tpu.scan <sum>, %select_n3A_407 masked %reduce_sum3A_409 : vector<16xi32>, vector<16xi1> -> vector<16xi32>
        %reduce_sum3A_411 = vector.extract %reduce_sum3A_410[15] : i32 from vector<16xi32>
        %eq3A_412 = arith.constant 7 : i32
        %eq3A_413 = vector.broadcast %eq3A_412 : i32 to vector<16xi32>
        %eq3A_414 = arith.cmpi eq, %iota3A, %eq3A_413 : vector<16xi32>
        %select_n3A_415 = arith.select %eq3A_414, %get3A_53, %broadcast_in_dim3A_57 : vector<16xi1>, vector<16xi32>
        %reduce_sum3A_416 = arith.constant true
        %reduce_sum3A_417 = vector.broadcast %reduce_sum3A_416 : i1 to vector<16xi1>
        %reduce_sum3A_418 = tpu.scan <sum>, %select_n3A_415 masked %reduce_sum3A_417 : vector<16xi32>, vector<16xi1> -> vector<16xi32>
        %reduce_sum3A_419 = vector.extract %reduce_sum3A_418[15] : i32 from vector<16xi32>
        %eq3A_420 = arith.constant 7 : i32
        %eq3A_421 = vector.broadcast %eq3A_420 : i32 to vector<16xi32>
        %eq3A_422 = arith.cmpi eq, %iota3A, %eq3A_421 : vector<16xi32>
        %select_n3A_423 = arith.select %eq3A_422, %get3A_55, %broadcast_in_dim3A_57 : vector<16xi1>, vector<16xi32>
        %reduce_sum3A_424 = arith.constant true
        %reduce_sum3A_425 = vector.broadcast %reduce_sum3A_424 : i1 to vector<16xi1>
        %reduce_sum3A_426 = tpu.scan <sum>, %select_n3A_423 masked %reduce_sum3A_425 : vector<16xi32>, vector<16xi1> -> vector<16xi32>
        %reduce_sum3A_427 = vector.extract %reduce_sum3A_426[15] : i32 from vector<16xi32>
        %add3A_428 = arith.constant 7 : i32
        %add3A_429 = arith.addi %mul3A_50, %add3A_428 : i32
        %dma_start3A_430 = arith.constant 0 : i32
        %dma_start3A_431 = tpu.memref_slice %arg12[%add3A_429, %dma_start3A_430] : memref<128x64xf32, #tpu.memory_space<vmem>> -> memref<1x64xf32, #tpu.memory_space<vmem>>
        %dma_start3A_432 = arith.constant 0 : i32
        %dma_start3A_433 = tpu.memref_slice %arg5[%reduce_sum3A_411, %dma_start3A_432] : memref<100000x64xf32, #tpu.memory_space<hbm>> -> memref<1x64xf32, #tpu.memory_space<hbm>>
        %dma_start3A_434 = arith.constant 0 : i32
        %dma_start3A_435 = tpu.memref_slice %arg12[%add3A_429, %dma_start3A_434] : memref<128x64xf32, #tpu.memory_space<vmem>> -> memref<1x64xf32, #tpu.memory_space<vmem>>
        %dma_start3A_436 = arith.constant 0 : i32
        %dma_start3A_437 = tpu.memref_slice %arg5[%reduce_sum3A_411, %dma_start3A_436] : memref<100000x64xf32, #tpu.memory_space<hbm>> -> memref<1x64xf32, #tpu.memory_space<hbm>>
        tpu.enqueue_dma source(%dma_start3A_437 : memref<1x64xf32, #tpu.memory_space<hbm>>) target(%dma_start3A_435 : memref<1x64xf32, #tpu.memory_space<vmem>>) target_semaphore(%arg17 : memref<!tpu.dma_semaphore, #tpu.memory_space<semaphore_mem>>)
        %dma_start3A_438 = arith.constant 0 : i32
        %dma_start3A_439 = tpu.memref_slice %arg13[%add3A_429, %dma_start3A_438] : memref<128x64xf32, #tpu.memory_space<vmem>> -> memref<1x64xf32, #tpu.memory_space<vmem>>
        %dma_start3A_440 = arith.constant 0 : i32
        %dma_start3A_441 = tpu.memref_slice %arg6[%reduce_sum3A_419, %dma_start3A_440] : memref<1000000x64xf32, #tpu.memory_space<hbm>> -> memref<1x64xf32, #tpu.memory_space<hbm>>
        %dma_start3A_442 = arith.constant 0 : i32
        %dma_start3A_443 = tpu.memref_slice %arg13[%add3A_429, %dma_start3A_442] : memref<128x64xf32, #tpu.memory_space<vmem>> -> memref<1x64xf32, #tpu.memory_space<vmem>>
        %dma_start3A_444 = arith.constant 0 : i32
        %dma_start3A_445 = tpu.memref_slice %arg6[%reduce_sum3A_419, %dma_start3A_444] : memref<1000000x64xf32, #tpu.memory_space<hbm>> -> memref<1x64xf32, #tpu.memory_space<hbm>>
        tpu.enqueue_dma source(%dma_start3A_445 : memref<1x64xf32, #tpu.memory_space<hbm>>) target(%dma_start3A_443 : memref<1x64xf32, #tpu.memory_space<vmem>>) target_semaphore(%arg18 : memref<!tpu.dma_semaphore, #tpu.memory_space<semaphore_mem>>)
        %dma_start3A_446 = arith.constant 0 : i32
        %dma_start3A_447 = tpu.memref_slice %arg14[%add3A_429, %dma_start3A_446] : memref<128x64xf32, #tpu.memory_space<vmem>> -> memref<1x64xf32, #tpu.memory_space<vmem>>
        %dma_start3A_448 = arith.constant 0 : i32
        %dma_start3A_449 = tpu.memref_slice %arg6[%reduce_sum3A_427, %dma_start3A_448] : memref<1000000x64xf32, #tpu.memory_space<hbm>> -> memref<1x64xf32, #tpu.memory_space<hbm>>
        %dma_start3A_450 = arith.constant 0 : i32
        %dma_start3A_451 = tpu.memref_slice %arg14[%add3A_429, %dma_start3A_450] : memref<128x64xf32, #tpu.memory_space<vmem>> -> memref<1x64xf32, #tpu.memory_space<vmem>>
        %dma_start3A_452 = arith.constant 0 : i32
        %dma_start3A_453 = tpu.memref_slice %arg6[%reduce_sum3A_427, %dma_start3A_452] : memref<1000000x64xf32, #tpu.memory_space<hbm>> -> memref<1x64xf32, #tpu.memory_space<hbm>>
        tpu.enqueue_dma source(%dma_start3A_453 : memref<1x64xf32, #tpu.memory_space<hbm>>) target(%dma_start3A_451 : memref<1x64xf32, #tpu.memory_space<vmem>>) target_semaphore(%arg19 : memref<!tpu.dma_semaphore, #tpu.memory_space<semaphore_mem>>)
        %eq3A_454 = arith.constant 8 : i32
        %eq3A_455 = vector.broadcast %eq3A_454 : i32 to vector<16xi32>
        %eq3A_456 = arith.cmpi eq, %iota3A, %eq3A_455 : vector<16xi32>
        %select_n3A_457 = arith.select %eq3A_456, %get3A_51, %broadcast_in_dim3A_57 : vector<16xi1>, vector<16xi32>
        %reduce_sum3A_458 = arith.constant true
        %reduce_sum3A_459 = vector.broadcast %reduce_sum3A_458 : i1 to vector<16xi1>
        %reduce_sum3A_460 = tpu.scan <sum>, %select_n3A_457 masked %reduce_sum3A_459 : vector<16xi32>, vector<16xi1> -> vector<16xi32>
        %reduce_sum3A_461 = vector.extract %reduce_sum3A_460[15] : i32 from vector<16xi32>
        %eq3A_462 = arith.constant 8 : i32
        %eq3A_463 = vector.broadcast %eq3A_462 : i32 to vector<16xi32>
        %eq3A_464 = arith.cmpi eq, %iota3A, %eq3A_463 : vector<16xi32>
        %select_n3A_465 = arith.select %eq3A_464, %get3A_53, %broadcast_in_dim3A_57 : vector<16xi1>, vector<16xi32>
        %reduce_sum3A_466 = arith.constant true
        %reduce_sum3A_467 = vector.broadcast %reduce_sum3A_466 : i1 to vector<16xi1>
        %reduce_sum3A_468 = tpu.scan <sum>, %select_n3A_465 masked %reduce_sum3A_467 : vector<16xi32>, vector<16xi1> -> vector<16xi32>
        %reduce_sum3A_469 = vector.extract %reduce_sum3A_468[15] : i32 from vector<16xi32>
        %eq3A_470 = arith.constant 8 : i32
        %eq3A_471 = vector.broadcast %eq3A_470 : i32 to vector<16xi32>
        %eq3A_472 = arith.cmpi eq, %iota3A, %eq3A_471 : vector<16xi32>
        %select_n3A_473 = arith.select %eq3A_472, %get3A_55, %broadcast_in_dim3A_57 : vector<16xi1>, vector<16xi32>
        %reduce_sum3A_474 = arith.constant true
        %reduce_sum3A_475 = vector.broadcast %reduce_sum3A_474 : i1 to vector<16xi1>
        %reduce_sum3A_476 = tpu.scan <sum>, %select_n3A_473 masked %reduce_sum3A_475 : vector<16xi32>, vector<16xi1> -> vector<16xi32>
        %reduce_sum3A_477 = vector.extract %reduce_sum3A_476[15] : i32 from vector<16xi32>
        %add3A_478 = arith.constant 8 : i32
        %add3A_479 = arith.addi %mul3A_50, %add3A_478 : i32
        %dma_start3A_480 = arith.constant 0 : i32
        %dma_start3A_481 = tpu.memref_slice %arg12[%add3A_479, %dma_start3A_480] : memref<128x64xf32, #tpu.memory_space<vmem>> -> memref<1x64xf32, #tpu.memory_space<vmem>>
        %dma_start3A_482 = arith.constant 0 : i32
        %dma_start3A_483 = tpu.memref_slice %arg5[%reduce_sum3A_461, %dma_start3A_482] : memref<100000x64xf32, #tpu.memory_space<hbm>> -> memref<1x64xf32, #tpu.memory_space<hbm>>
        %dma_start3A_484 = arith.constant 0 : i32
        %dma_start3A_485 = tpu.memref_slice %arg12[%add3A_479, %dma_start3A_484] : memref<128x64xf32, #tpu.memory_space<vmem>> -> memref<1x64xf32, #tpu.memory_space<vmem>>
        %dma_start3A_486 = arith.constant 0 : i32
        %dma_start3A_487 = tpu.memref_slice %arg5[%reduce_sum3A_461, %dma_start3A_486] : memref<100000x64xf32, #tpu.memory_space<hbm>> -> memref<1x64xf32, #tpu.memory_space<hbm>>
        tpu.enqueue_dma source(%dma_start3A_487 : memref<1x64xf32, #tpu.memory_space<hbm>>) target(%dma_start3A_485 : memref<1x64xf32, #tpu.memory_space<vmem>>) target_semaphore(%arg17 : memref<!tpu.dma_semaphore, #tpu.memory_space<semaphore_mem>>)
        %dma_start3A_488 = arith.constant 0 : i32
        %dma_start3A_489 = tpu.memref_slice %arg13[%add3A_479, %dma_start3A_488] : memref<128x64xf32, #tpu.memory_space<vmem>> -> memref<1x64xf32, #tpu.memory_space<vmem>>
        %dma_start3A_490 = arith.constant 0 : i32
        %dma_start3A_491 = tpu.memref_slice %arg6[%reduce_sum3A_469, %dma_start3A_490] : memref<1000000x64xf32, #tpu.memory_space<hbm>> -> memref<1x64xf32, #tpu.memory_space<hbm>>
        %dma_start3A_492 = arith.constant 0 : i32
        %dma_start3A_493 = tpu.memref_slice %arg13[%add3A_479, %dma_start3A_492] : memref<128x64xf32, #tpu.memory_space<vmem>> -> memref<1x64xf32, #tpu.memory_space<vmem>>
        %dma_start3A_494 = arith.constant 0 : i32
        %dma_start3A_495 = tpu.memref_slice %arg6[%reduce_sum3A_469, %dma_start3A_494] : memref<1000000x64xf32, #tpu.memory_space<hbm>> -> memref<1x64xf32, #tpu.memory_space<hbm>>
        tpu.enqueue_dma source(%dma_start3A_495 : memref<1x64xf32, #tpu.memory_space<hbm>>) target(%dma_start3A_493 : memref<1x64xf32, #tpu.memory_space<vmem>>) target_semaphore(%arg18 : memref<!tpu.dma_semaphore, #tpu.memory_space<semaphore_mem>>)
        %dma_start3A_496 = arith.constant 0 : i32
        %dma_start3A_497 = tpu.memref_slice %arg14[%add3A_479, %dma_start3A_496] : memref<128x64xf32, #tpu.memory_space<vmem>> -> memref<1x64xf32, #tpu.memory_space<vmem>>
        %dma_start3A_498 = arith.constant 0 : i32
        %dma_start3A_499 = tpu.memref_slice %arg6[%reduce_sum3A_477, %dma_start3A_498] : memref<1000000x64xf32, #tpu.memory_space<hbm>> -> memref<1x64xf32, #tpu.memory_space<hbm>>
        %dma_start3A_500 = arith.constant 0 : i32
        %dma_start3A_501 = tpu.memref_slice %arg14[%add3A_479, %dma_start3A_500] : memref<128x64xf32, #tpu.memory_space<vmem>> -> memref<1x64xf32, #tpu.memory_space<vmem>>
        %dma_start3A_502 = arith.constant 0 : i32
        %dma_start3A_503 = tpu.memref_slice %arg6[%reduce_sum3A_477, %dma_start3A_502] : memref<1000000x64xf32, #tpu.memory_space<hbm>> -> memref<1x64xf32, #tpu.memory_space<hbm>>
        tpu.enqueue_dma source(%dma_start3A_503 : memref<1x64xf32, #tpu.memory_space<hbm>>) target(%dma_start3A_501 : memref<1x64xf32, #tpu.memory_space<vmem>>) target_semaphore(%arg19 : memref<!tpu.dma_semaphore, #tpu.memory_space<semaphore_mem>>)
        %eq3A_504 = arith.constant 9 : i32
        %eq3A_505 = vector.broadcast %eq3A_504 : i32 to vector<16xi32>
        %eq3A_506 = arith.cmpi eq, %iota3A, %eq3A_505 : vector<16xi32>
        %select_n3A_507 = arith.select %eq3A_506, %get3A_51, %broadcast_in_dim3A_57 : vector<16xi1>, vector<16xi32>
        %reduce_sum3A_508 = arith.constant true
        %reduce_sum3A_509 = vector.broadcast %reduce_sum3A_508 : i1 to vector<16xi1>
        %reduce_sum3A_510 = tpu.scan <sum>, %select_n3A_507 masked %reduce_sum3A_509 : vector<16xi32>, vector<16xi1> -> vector<16xi32>
        %reduce_sum3A_511 = vector.extract %reduce_sum3A_510[15] : i32 from vector<16xi32>
        %eq3A_512 = arith.constant 9 : i32
        %eq3A_513 = vector.broadcast %eq3A_512 : i32 to vector<16xi32>
        %eq3A_514 = arith.cmpi eq, %iota3A, %eq3A_513 : vector<16xi32>
        %select_n3A_515 = arith.select %eq3A_514, %get3A_53, %broadcast_in_dim3A_57 : vector<16xi1>, vector<16xi32>
        %reduce_sum3A_516 = arith.constant true
        %reduce_sum3A_517 = vector.broadcast %reduce_sum3A_516 : i1 to vector<16xi1>
        %reduce_sum3A_518 = tpu.scan <sum>, %select_n3A_515 masked %reduce_sum3A_517 : vector<16xi32>, vector<16xi1> -> vector<16xi32>
        %reduce_sum3A_519 = vector.extract %reduce_sum3A_518[15] : i32 from vector<16xi32>
        %eq3A_520 = arith.constant 9 : i32
        %eq3A_521 = vector.broadcast %eq3A_520 : i32 to vector<16xi32>
        %eq3A_522 = arith.cmpi eq, %iota3A, %eq3A_521 : vector<16xi32>
        %select_n3A_523 = arith.select %eq3A_522, %get3A_55, %broadcast_in_dim3A_57 : vector<16xi1>, vector<16xi32>
        %reduce_sum3A_524 = arith.constant true
        %reduce_sum3A_525 = vector.broadcast %reduce_sum3A_524 : i1 to vector<16xi1>
        %reduce_sum3A_526 = tpu.scan <sum>, %select_n3A_523 masked %reduce_sum3A_525 : vector<16xi32>, vector<16xi1> -> vector<16xi32>
        %reduce_sum3A_527 = vector.extract %reduce_sum3A_526[15] : i32 from vector<16xi32>
        %add3A_528 = arith.constant 9 : i32
        %add3A_529 = arith.addi %mul3A_50, %add3A_528 : i32
        %dma_start3A_530 = arith.constant 0 : i32
        %dma_start3A_531 = tpu.memref_slice %arg12[%add3A_529, %dma_start3A_530] : memref<128x64xf32, #tpu.memory_space<vmem>> -> memref<1x64xf32, #tpu.memory_space<vmem>>
        %dma_start3A_532 = arith.constant 0 : i32
        %dma_start3A_533 = tpu.memref_slice %arg5[%reduce_sum3A_511, %dma_start3A_532] : memref<100000x64xf32, #tpu.memory_space<hbm>> -> memref<1x64xf32, #tpu.memory_space<hbm>>
        %dma_start3A_534 = arith.constant 0 : i32
        %dma_start3A_535 = tpu.memref_slice %arg12[%add3A_529, %dma_start3A_534] : memref<128x64xf32, #tpu.memory_space<vmem>> -> memref<1x64xf32, #tpu.memory_space<vmem>>
        %dma_start3A_536 = arith.constant 0 : i32
        %dma_start3A_537 = tpu.memref_slice %arg5[%reduce_sum3A_511, %dma_start3A_536] : memref<100000x64xf32, #tpu.memory_space<hbm>> -> memref<1x64xf32, #tpu.memory_space<hbm>>
        tpu.enqueue_dma source(%dma_start3A_537 : memref<1x64xf32, #tpu.memory_space<hbm>>) target(%dma_start3A_535 : memref<1x64xf32, #tpu.memory_space<vmem>>) target_semaphore(%arg17 : memref<!tpu.dma_semaphore, #tpu.memory_space<semaphore_mem>>)
        %dma_start3A_538 = arith.constant 0 : i32
        %dma_start3A_539 = tpu.memref_slice %arg13[%add3A_529, %dma_start3A_538] : memref<128x64xf32, #tpu.memory_space<vmem>> -> memref<1x64xf32, #tpu.memory_space<vmem>>
        %dma_start3A_540 = arith.constant 0 : i32
        %dma_start3A_541 = tpu.memref_slice %arg6[%reduce_sum3A_519, %dma_start3A_540] : memref<1000000x64xf32, #tpu.memory_space<hbm>> -> memref<1x64xf32, #tpu.memory_space<hbm>>
        %dma_start3A_542 = arith.constant 0 : i32
        %dma_start3A_543 = tpu.memref_slice %arg13[%add3A_529, %dma_start3A_542] : memref<128x64xf32, #tpu.memory_space<vmem>> -> memref<1x64xf32, #tpu.memory_space<vmem>>
        %dma_start3A_544 = arith.constant 0 : i32
        %dma_start3A_545 = tpu.memref_slice %arg6[%reduce_sum3A_519, %dma_start3A_544] : memref<1000000x64xf32, #tpu.memory_space<hbm>> -> memref<1x64xf32, #tpu.memory_space<hbm>>
        tpu.enqueue_dma source(%dma_start3A_545 : memref<1x64xf32, #tpu.memory_space<hbm>>) target(%dma_start3A_543 : memref<1x64xf32, #tpu.memory_space<vmem>>) target_semaphore(%arg18 : memref<!tpu.dma_semaphore, #tpu.memory_space<semaphore_mem>>)
        %dma_start3A_546 = arith.constant 0 : i32
        %dma_start3A_547 = tpu.memref_slice %arg14[%add3A_529, %dma_start3A_546] : memref<128x64xf32, #tpu.memory_space<vmem>> -> memref<1x64xf32, #tpu.memory_space<vmem>>
        %dma_start3A_548 = arith.constant 0 : i32
        %dma_start3A_549 = tpu.memref_slice %arg6[%reduce_sum3A_527, %dma_start3A_548] : memref<1000000x64xf32, #tpu.memory_space<hbm>> -> memref<1x64xf32, #tpu.memory_space<hbm>>
        %dma_start3A_550 = arith.constant 0 : i32
        %dma_start3A_551 = tpu.memref_slice %arg14[%add3A_529, %dma_start3A_550] : memref<128x64xf32, #tpu.memory_space<vmem>> -> memref<1x64xf32, #tpu.memory_space<vmem>>
        %dma_start3A_552 = arith.constant 0 : i32
        %dma_start3A_553 = tpu.memref_slice %arg6[%reduce_sum3A_527, %dma_start3A_552] : memref<1000000x64xf32, #tpu.memory_space<hbm>> -> memref<1x64xf32, #tpu.memory_space<hbm>>
        tpu.enqueue_dma source(%dma_start3A_553 : memref<1x64xf32, #tpu.memory_space<hbm>>) target(%dma_start3A_551 : memref<1x64xf32, #tpu.memory_space<vmem>>) target_semaphore(%arg19 : memref<!tpu.dma_semaphore, #tpu.memory_space<semaphore_mem>>)
        %eq3A_554 = arith.constant 10 : i32
        %eq3A_555 = vector.broadcast %eq3A_554 : i32 to vector<16xi32>
        %eq3A_556 = arith.cmpi eq, %iota3A, %eq3A_555 : vector<16xi32>
        %select_n3A_557 = arith.select %eq3A_556, %get3A_51, %broadcast_in_dim3A_57 : vector<16xi1>, vector<16xi32>
        %reduce_sum3A_558 = arith.constant true
        %reduce_sum3A_559 = vector.broadcast %reduce_sum3A_558 : i1 to vector<16xi1>
        %reduce_sum3A_560 = tpu.scan <sum>, %select_n3A_557 masked %reduce_sum3A_559 : vector<16xi32>, vector<16xi1> -> vector<16xi32>
        %reduce_sum3A_561 = vector.extract %reduce_sum3A_560[15] : i32 from vector<16xi32>
        %eq3A_562 = arith.constant 10 : i32
        %eq3A_563 = vector.broadcast %eq3A_562 : i32 to vector<16xi32>
        %eq3A_564 = arith.cmpi eq, %iota3A, %eq3A_563 : vector<16xi32>
        %select_n3A_565 = arith.select %eq3A_564, %get3A_53, %broadcast_in_dim3A_57 : vector<16xi1>, vector<16xi32>
        %reduce_sum3A_566 = arith.constant true
        %reduce_sum3A_567 = vector.broadcast %reduce_sum3A_566 : i1 to vector<16xi1>
        %reduce_sum3A_568 = tpu.scan <sum>, %select_n3A_565 masked %reduce_sum3A_567 : vector<16xi32>, vector<16xi1> -> vector<16xi32>
        %reduce_sum3A_569 = vector.extract %reduce_sum3A_568[15] : i32 from vector<16xi32>
        %eq3A_570 = arith.constant 10 : i32
        %eq3A_571 = vector.broadcast %eq3A_570 : i32 to vector<16xi32>
        %eq3A_572 = arith.cmpi eq, %iota3A, %eq3A_571 : vector<16xi32>
        %select_n3A_573 = arith.select %eq3A_572, %get3A_55, %broadcast_in_dim3A_57 : vector<16xi1>, vector<16xi32>
        %reduce_sum3A_574 = arith.constant true
        %reduce_sum3A_575 = vector.broadcast %reduce_sum3A_574 : i1 to vector<16xi1>
        %reduce_sum3A_576 = tpu.scan <sum>, %select_n3A_573 masked %reduce_sum3A_575 : vector<16xi32>, vector<16xi1> -> vector<16xi32>
        %reduce_sum3A_577 = vector.extract %reduce_sum3A_576[15] : i32 from vector<16xi32>
        %add3A_578 = arith.constant 10 : i32
        %add3A_579 = arith.addi %mul3A_50, %add3A_578 : i32
        %dma_start3A_580 = arith.constant 0 : i32
        %dma_start3A_581 = tpu.memref_slice %arg12[%add3A_579, %dma_start3A_580] : memref<128x64xf32, #tpu.memory_space<vmem>> -> memref<1x64xf32, #tpu.memory_space<vmem>>
        %dma_start3A_582 = arith.constant 0 : i32
        %dma_start3A_583 = tpu.memref_slice %arg5[%reduce_sum3A_561, %dma_start3A_582] : memref<100000x64xf32, #tpu.memory_space<hbm>> -> memref<1x64xf32, #tpu.memory_space<hbm>>
        %dma_start3A_584 = arith.constant 0 : i32
        %dma_start3A_585 = tpu.memref_slice %arg12[%add3A_579, %dma_start3A_584] : memref<128x64xf32, #tpu.memory_space<vmem>> -> memref<1x64xf32, #tpu.memory_space<vmem>>
        %dma_start3A_586 = arith.constant 0 : i32
        %dma_start3A_587 = tpu.memref_slice %arg5[%reduce_sum3A_561, %dma_start3A_586] : memref<100000x64xf32, #tpu.memory_space<hbm>> -> memref<1x64xf32, #tpu.memory_space<hbm>>
        tpu.enqueue_dma source(%dma_start3A_587 : memref<1x64xf32, #tpu.memory_space<hbm>>) target(%dma_start3A_585 : memref<1x64xf32, #tpu.memory_space<vmem>>) target_semaphore(%arg17 : memref<!tpu.dma_semaphore, #tpu.memory_space<semaphore_mem>>)
        %dma_start3A_588 = arith.constant 0 : i32
        %dma_start3A_589 = tpu.memref_slice %arg13[%add3A_579, %dma_start3A_588] : memref<128x64xf32, #tpu.memory_space<vmem>> -> memref<1x64xf32, #tpu.memory_space<vmem>>
        %dma_start3A_590 = arith.constant 0 : i32
        %dma_start3A_591 = tpu.memref_slice %arg6[%reduce_sum3A_569, %dma_start3A_590] : memref<1000000x64xf32, #tpu.memory_space<hbm>> -> memref<1x64xf32, #tpu.memory_space<hbm>>
        %dma_start3A_592 = arith.constant 0 : i32
        %dma_start3A_593 = tpu.memref_slice %arg13[%add3A_579, %dma_start3A_592] : memref<128x64xf32, #tpu.memory_space<vmem>> -> memref<1x64xf32, #tpu.memory_space<vmem>>
        %dma_start3A_594 = arith.constant 0 : i32
        %dma_start3A_595 = tpu.memref_slice %arg6[%reduce_sum3A_569, %dma_start3A_594] : memref<1000000x64xf32, #tpu.memory_space<hbm>> -> memref<1x64xf32, #tpu.memory_space<hbm>>
        tpu.enqueue_dma source(%dma_start3A_595 : memref<1x64xf32, #tpu.memory_space<hbm>>) target(%dma_start3A_593 : memref<1x64xf32, #tpu.memory_space<vmem>>) target_semaphore(%arg18 : memref<!tpu.dma_semaphore, #tpu.memory_space<semaphore_mem>>)
        %dma_start3A_596 = arith.constant 0 : i32
        %dma_start3A_597 = tpu.memref_slice %arg14[%add3A_579, %dma_start3A_596] : memref<128x64xf32, #tpu.memory_space<vmem>> -> memref<1x64xf32, #tpu.memory_space<vmem>>
        %dma_start3A_598 = arith.constant 0 : i32
        %dma_start3A_599 = tpu.memref_slice %arg6[%reduce_sum3A_577, %dma_start3A_598] : memref<1000000x64xf32, #tpu.memory_space<hbm>> -> memref<1x64xf32, #tpu.memory_space<hbm>>
        %dma_start3A_600 = arith.constant 0 : i32
        %dma_start3A_601 = tpu.memref_slice %arg14[%add3A_579, %dma_start3A_600] : memref<128x64xf32, #tpu.memory_space<vmem>> -> memref<1x64xf32, #tpu.memory_space<vmem>>
        %dma_start3A_602 = arith.constant 0 : i32
        %dma_start3A_603 = tpu.memref_slice %arg6[%reduce_sum3A_577, %dma_start3A_602] : memref<1000000x64xf32, #tpu.memory_space<hbm>> -> memref<1x64xf32, #tpu.memory_space<hbm>>
        tpu.enqueue_dma source(%dma_start3A_603 : memref<1x64xf32, #tpu.memory_space<hbm>>) target(%dma_start3A_601 : memref<1x64xf32, #tpu.memory_space<vmem>>) target_semaphore(%arg19 : memref<!tpu.dma_semaphore, #tpu.memory_space<semaphore_mem>>)
        %eq3A_604 = arith.constant 11 : i32
        %eq3A_605 = vector.broadcast %eq3A_604 : i32 to vector<16xi32>
        %eq3A_606 = arith.cmpi eq, %iota3A, %eq3A_605 : vector<16xi32>
        %select_n3A_607 = arith.select %eq3A_606, %get3A_51, %broadcast_in_dim3A_57 : vector<16xi1>, vector<16xi32>
        %reduce_sum3A_608 = arith.constant true
        %reduce_sum3A_609 = vector.broadcast %reduce_sum3A_608 : i1 to vector<16xi1>
        %reduce_sum3A_610 = tpu.scan <sum>, %select_n3A_607 masked %reduce_sum3A_609 : vector<16xi32>, vector<16xi1> -> vector<16xi32>
        %reduce_sum3A_611 = vector.extract %reduce_sum3A_610[15] : i32 from vector<16xi32>
        %eq3A_612 = arith.constant 11 : i32
        %eq3A_613 = vector.broadcast %eq3A_612 : i32 to vector<16xi32>
        %eq3A_614 = arith.cmpi eq, %iota3A, %eq3A_613 : vector<16xi32>
        %select_n3A_615 = arith.select %eq3A_614, %get3A_53, %broadcast_in_dim3A_57 : vector<16xi1>, vector<16xi32>
        %reduce_sum3A_616 = arith.constant true
        %reduce_sum3A_617 = vector.broadcast %reduce_sum3A_616 : i1 to vector<16xi1>
        %reduce_sum3A_618 = tpu.scan <sum>, %select_n3A_615 masked %reduce_sum3A_617 : vector<16xi32>, vector<16xi1> -> vector<16xi32>
        %reduce_sum3A_619 = vector.extract %reduce_sum3A_618[15] : i32 from vector<16xi32>
        %eq3A_620 = arith.constant 11 : i32
        %eq3A_621 = vector.broadcast %eq3A_620 : i32 to vector<16xi32>
        %eq3A_622 = arith.cmpi eq, %iota3A, %eq3A_621 : vector<16xi32>
        %select_n3A_623 = arith.select %eq3A_622, %get3A_55, %broadcast_in_dim3A_57 : vector<16xi1>, vector<16xi32>
        %reduce_sum3A_624 = arith.constant true
        %reduce_sum3A_625 = vector.broadcast %reduce_sum3A_624 : i1 to vector<16xi1>
        %reduce_sum3A_626 = tpu.scan <sum>, %select_n3A_623 masked %reduce_sum3A_625 : vector<16xi32>, vector<16xi1> -> vector<16xi32>
        %reduce_sum3A_627 = vector.extract %reduce_sum3A_626[15] : i32 from vector<16xi32>
        %add3A_628 = arith.constant 11 : i32
        %add3A_629 = arith.addi %mul3A_50, %add3A_628 : i32
        %dma_start3A_630 = arith.constant 0 : i32
        %dma_start3A_631 = tpu.memref_slice %arg12[%add3A_629, %dma_start3A_630] : memref<128x64xf32, #tpu.memory_space<vmem>> -> memref<1x64xf32, #tpu.memory_space<vmem>>
        %dma_start3A_632 = arith.constant 0 : i32
        %dma_start3A_633 = tpu.memref_slice %arg5[%reduce_sum3A_611, %dma_start3A_632] : memref<100000x64xf32, #tpu.memory_space<hbm>> -> memref<1x64xf32, #tpu.memory_space<hbm>>
        %dma_start3A_634 = arith.constant 0 : i32
        %dma_start3A_635 = tpu.memref_slice %arg12[%add3A_629, %dma_start3A_634] : memref<128x64xf32, #tpu.memory_space<vmem>> -> memref<1x64xf32, #tpu.memory_space<vmem>>
        %dma_start3A_636 = arith.constant 0 : i32
        %dma_start3A_637 = tpu.memref_slice %arg5[%reduce_sum3A_611, %dma_start3A_636] : memref<100000x64xf32, #tpu.memory_space<hbm>> -> memref<1x64xf32, #tpu.memory_space<hbm>>
        tpu.enqueue_dma source(%dma_start3A_637 : memref<1x64xf32, #tpu.memory_space<hbm>>) target(%dma_start3A_635 : memref<1x64xf32, #tpu.memory_space<vmem>>) target_semaphore(%arg17 : memref<!tpu.dma_semaphore, #tpu.memory_space<semaphore_mem>>)
        %dma_start3A_638 = arith.constant 0 : i32
        %dma_start3A_639 = tpu.memref_slice %arg13[%add3A_629, %dma_start3A_638] : memref<128x64xf32, #tpu.memory_space<vmem>> -> memref<1x64xf32, #tpu.memory_space<vmem>>
        %dma_start3A_640 = arith.constant 0 : i32
        %dma_start3A_641 = tpu.memref_slice %arg6[%reduce_sum3A_619, %dma_start3A_640] : memref<1000000x64xf32, #tpu.memory_space<hbm>> -> memref<1x64xf32, #tpu.memory_space<hbm>>
        %dma_start3A_642 = arith.constant 0 : i32
        %dma_start3A_643 = tpu.memref_slice %arg13[%add3A_629, %dma_start3A_642] : memref<128x64xf32, #tpu.memory_space<vmem>> -> memref<1x64xf32, #tpu.memory_space<vmem>>
        %dma_start3A_644 = arith.constant 0 : i32
        %dma_start3A_645 = tpu.memref_slice %arg6[%reduce_sum3A_619, %dma_start3A_644] : memref<1000000x64xf32, #tpu.memory_space<hbm>> -> memref<1x64xf32, #tpu.memory_space<hbm>>
        tpu.enqueue_dma source(%dma_start3A_645 : memref<1x64xf32, #tpu.memory_space<hbm>>) target(%dma_start3A_643 : memref<1x64xf32, #tpu.memory_space<vmem>>) target_semaphore(%arg18 : memref<!tpu.dma_semaphore, #tpu.memory_space<semaphore_mem>>)
        %dma_start3A_646 = arith.constant 0 : i32
        %dma_start3A_647 = tpu.memref_slice %arg14[%add3A_629, %dma_start3A_646] : memref<128x64xf32, #tpu.memory_space<vmem>> -> memref<1x64xf32, #tpu.memory_space<vmem>>
        %dma_start3A_648 = arith.constant 0 : i32
        %dma_start3A_649 = tpu.memref_slice %arg6[%reduce_sum3A_627, %dma_start3A_648] : memref<1000000x64xf32, #tpu.memory_space<hbm>> -> memref<1x64xf32, #tpu.memory_space<hbm>>
        %dma_start3A_650 = arith.constant 0 : i32
        %dma_start3A_651 = tpu.memref_slice %arg14[%add3A_629, %dma_start3A_650] : memref<128x64xf32, #tpu.memory_space<vmem>> -> memref<1x64xf32, #tpu.memory_space<vmem>>
        %dma_start3A_652 = arith.constant 0 : i32
        %dma_start3A_653 = tpu.memref_slice %arg6[%reduce_sum3A_627, %dma_start3A_652] : memref<1000000x64xf32, #tpu.memory_space<hbm>> -> memref<1x64xf32, #tpu.memory_space<hbm>>
        tpu.enqueue_dma source(%dma_start3A_653 : memref<1x64xf32, #tpu.memory_space<hbm>>) target(%dma_start3A_651 : memref<1x64xf32, #tpu.memory_space<vmem>>) target_semaphore(%arg19 : memref<!tpu.dma_semaphore, #tpu.memory_space<semaphore_mem>>)
        %eq3A_654 = arith.constant 12 : i32
        %eq3A_655 = vector.broadcast %eq3A_654 : i32 to vector<16xi32>
        %eq3A_656 = arith.cmpi eq, %iota3A, %eq3A_655 : vector<16xi32>
        %select_n3A_657 = arith.select %eq3A_656, %get3A_51, %broadcast_in_dim3A_57 : vector<16xi1>, vector<16xi32>
        %reduce_sum3A_658 = arith.constant true
        %reduce_sum3A_659 = vector.broadcast %reduce_sum3A_658 : i1 to vector<16xi1>
        %reduce_sum3A_660 = tpu.scan <sum>, %select_n3A_657 masked %reduce_sum3A_659 : vector<16xi32>, vector<16xi1> -> vector<16xi32>
        %reduce_sum3A_661 = vector.extract %reduce_sum3A_660[15] : i32 from vector<16xi32>
        %eq3A_662 = arith.constant 12 : i32
        %eq3A_663 = vector.broadcast %eq3A_662 : i32 to vector<16xi32>
        %eq3A_664 = arith.cmpi eq, %iota3A, %eq3A_663 : vector<16xi32>
        %select_n3A_665 = arith.select %eq3A_664, %get3A_53, %broadcast_in_dim3A_57 : vector<16xi1>, vector<16xi32>
        %reduce_sum3A_666 = arith.constant true
        %reduce_sum3A_667 = vector.broadcast %reduce_sum3A_666 : i1 to vector<16xi1>
        %reduce_sum3A_668 = tpu.scan <sum>, %select_n3A_665 masked %reduce_sum3A_667 : vector<16xi32>, vector<16xi1> -> vector<16xi32>
        %reduce_sum3A_669 = vector.extract %reduce_sum3A_668[15] : i32 from vector<16xi32>
        %eq3A_670 = arith.constant 12 : i32
        %eq3A_671 = vector.broadcast %eq3A_670 : i32 to vector<16xi32>
        %eq3A_672 = arith.cmpi eq, %iota3A, %eq3A_671 : vector<16xi32>
        %select_n3A_673 = arith.select %eq3A_672, %get3A_55, %broadcast_in_dim3A_57 : vector<16xi1>, vector<16xi32>
        %reduce_sum3A_674 = arith.constant true
        %reduce_sum3A_675 = vector.broadcast %reduce_sum3A_674 : i1 to vector<16xi1>
        %reduce_sum3A_676 = tpu.scan <sum>, %select_n3A_673 masked %reduce_sum3A_675 : vector<16xi32>, vector<16xi1> -> vector<16xi32>
        %reduce_sum3A_677 = vector.extract %reduce_sum3A_676[15] : i32 from vector<16xi32>
        %add3A_678 = arith.constant 12 : i32
        %add3A_679 = arith.addi %mul3A_50, %add3A_678 : i32
        %dma_start3A_680 = arith.constant 0 : i32
        %dma_start3A_681 = tpu.memref_slice %arg12[%add3A_679, %dma_start3A_680] : memref<128x64xf32, #tpu.memory_space<vmem>> -> memref<1x64xf32, #tpu.memory_space<vmem>>
        %dma_start3A_682 = arith.constant 0 : i32
        %dma_start3A_683 = tpu.memref_slice %arg5[%reduce_sum3A_661, %dma_start3A_682] : memref<100000x64xf32, #tpu.memory_space<hbm>> -> memref<1x64xf32, #tpu.memory_space<hbm>>
        %dma_start3A_684 = arith.constant 0 : i32
        %dma_start3A_685 = tpu.memref_slice %arg12[%add3A_679, %dma_start3A_684] : memref<128x64xf32, #tpu.memory_space<vmem>> -> memref<1x64xf32, #tpu.memory_space<vmem>>
        %dma_start3A_686 = arith.constant 0 : i32
        %dma_start3A_687 = tpu.memref_slice %arg5[%reduce_sum3A_661, %dma_start3A_686] : memref<100000x64xf32, #tpu.memory_space<hbm>> -> memref<1x64xf32, #tpu.memory_space<hbm>>
        tpu.enqueue_dma source(%dma_start3A_687 : memref<1x64xf32, #tpu.memory_space<hbm>>) target(%dma_start3A_685 : memref<1x64xf32, #tpu.memory_space<vmem>>) target_semaphore(%arg17 : memref<!tpu.dma_semaphore, #tpu.memory_space<semaphore_mem>>)
        %dma_start3A_688 = arith.constant 0 : i32
        %dma_start3A_689 = tpu.memref_slice %arg13[%add3A_679, %dma_start3A_688] : memref<128x64xf32, #tpu.memory_space<vmem>> -> memref<1x64xf32, #tpu.memory_space<vmem>>
        %dma_start3A_690 = arith.constant 0 : i32
        %dma_start3A_691 = tpu.memref_slice %arg6[%reduce_sum3A_669, %dma_start3A_690] : memref<1000000x64xf32, #tpu.memory_space<hbm>> -> memref<1x64xf32, #tpu.memory_space<hbm>>
        %dma_start3A_692 = arith.constant 0 : i32
        %dma_start3A_693 = tpu.memref_slice %arg13[%add3A_679, %dma_start3A_692] : memref<128x64xf32, #tpu.memory_space<vmem>> -> memref<1x64xf32, #tpu.memory_space<vmem>>
        %dma_start3A_694 = arith.constant 0 : i32
        %dma_start3A_695 = tpu.memref_slice %arg6[%reduce_sum3A_669, %dma_start3A_694] : memref<1000000x64xf32, #tpu.memory_space<hbm>> -> memref<1x64xf32, #tpu.memory_space<hbm>>
        tpu.enqueue_dma source(%dma_start3A_695 : memref<1x64xf32, #tpu.memory_space<hbm>>) target(%dma_start3A_693 : memref<1x64xf32, #tpu.memory_space<vmem>>) target_semaphore(%arg18 : memref<!tpu.dma_semaphore, #tpu.memory_space<semaphore_mem>>)
        %dma_start3A_696 = arith.constant 0 : i32
        %dma_start3A_697 = tpu.memref_slice %arg14[%add3A_679, %dma_start3A_696] : memref<128x64xf32, #tpu.memory_space<vmem>> -> memref<1x64xf32, #tpu.memory_space<vmem>>
        %dma_start3A_698 = arith.constant 0 : i32
        %dma_start3A_699 = tpu.memref_slice %arg6[%reduce_sum3A_677, %dma_start3A_698] : memref<1000000x64xf32, #tpu.memory_space<hbm>> -> memref<1x64xf32, #tpu.memory_space<hbm>>
        %dma_start3A_700 = arith.constant 0 : i32
        %dma_start3A_701 = tpu.memref_slice %arg14[%add3A_679, %dma_start3A_700] : memref<128x64xf32, #tpu.memory_space<vmem>> -> memref<1x64xf32, #tpu.memory_space<vmem>>
        %dma_start3A_702 = arith.constant 0 : i32
        %dma_start3A_703 = tpu.memref_slice %arg6[%reduce_sum3A_677, %dma_start3A_702] : memref<1000000x64xf32, #tpu.memory_space<hbm>> -> memref<1x64xf32, #tpu.memory_space<hbm>>
        tpu.enqueue_dma source(%dma_start3A_703 : memref<1x64xf32, #tpu.memory_space<hbm>>) target(%dma_start3A_701 : memref<1x64xf32, #tpu.memory_space<vmem>>) target_semaphore(%arg19 : memref<!tpu.dma_semaphore, #tpu.memory_space<semaphore_mem>>)
        %eq3A_704 = arith.constant 13 : i32
        %eq3A_705 = vector.broadcast %eq3A_704 : i32 to vector<16xi32>
        %eq3A_706 = arith.cmpi eq, %iota3A, %eq3A_705 : vector<16xi32>
        %select_n3A_707 = arith.select %eq3A_706, %get3A_51, %broadcast_in_dim3A_57 : vector<16xi1>, vector<16xi32>
        %reduce_sum3A_708 = arith.constant true
        %reduce_sum3A_709 = vector.broadcast %reduce_sum3A_708 : i1 to vector<16xi1>
        %reduce_sum3A_710 = tpu.scan <sum>, %select_n3A_707 masked %reduce_sum3A_709 : vector<16xi32>, vector<16xi1> -> vector<16xi32>
        %reduce_sum3A_711 = vector.extract %reduce_sum3A_710[15] : i32 from vector<16xi32>
        %eq3A_712 = arith.constant 13 : i32
        %eq3A_713 = vector.broadcast %eq3A_712 : i32 to vector<16xi32>
        %eq3A_714 = arith.cmpi eq, %iota3A, %eq3A_713 : vector<16xi32>
        %select_n3A_715 = arith.select %eq3A_714, %get3A_53, %broadcast_in_dim3A_57 : vector<16xi1>, vector<16xi32>
        %reduce_sum3A_716 = arith.constant true
        %reduce_sum3A_717 = vector.broadcast %reduce_sum3A_716 : i1 to vector<16xi1>
        %reduce_sum3A_718 = tpu.scan <sum>, %select_n3A_715 masked %reduce_sum3A_717 : vector<16xi32>, vector<16xi1> -> vector<16xi32>
        %reduce_sum3A_719 = vector.extract %reduce_sum3A_718[15] : i32 from vector<16xi32>
        %eq3A_720 = arith.constant 13 : i32
        %eq3A_721 = vector.broadcast %eq3A_720 : i32 to vector<16xi32>
        %eq3A_722 = arith.cmpi eq, %iota3A, %eq3A_721 : vector<16xi32>
        %select_n3A_723 = arith.select %eq3A_722, %get3A_55, %broadcast_in_dim3A_57 : vector<16xi1>, vector<16xi32>
        %reduce_sum3A_724 = arith.constant true
        %reduce_sum3A_725 = vector.broadcast %reduce_sum3A_724 : i1 to vector<16xi1>
        %reduce_sum3A_726 = tpu.scan <sum>, %select_n3A_723 masked %reduce_sum3A_725 : vector<16xi32>, vector<16xi1> -> vector<16xi32>
        %reduce_sum3A_727 = vector.extract %reduce_sum3A_726[15] : i32 from vector<16xi32>
        %add3A_728 = arith.constant 13 : i32
        %add3A_729 = arith.addi %mul3A_50, %add3A_728 : i32
        %dma_start3A_730 = arith.constant 0 : i32
        %dma_start3A_731 = tpu.memref_slice %arg12[%add3A_729, %dma_start3A_730] : memref<128x64xf32, #tpu.memory_space<vmem>> -> memref<1x64xf32, #tpu.memory_space<vmem>>
        %dma_start3A_732 = arith.constant 0 : i32
        %dma_start3A_733 = tpu.memref_slice %arg5[%reduce_sum3A_711, %dma_start3A_732] : memref<100000x64xf32, #tpu.memory_space<hbm>> -> memref<1x64xf32, #tpu.memory_space<hbm>>
        %dma_start3A_734 = arith.constant 0 : i32
        %dma_start3A_735 = tpu.memref_slice %arg12[%add3A_729, %dma_start3A_734] : memref<128x64xf32, #tpu.memory_space<vmem>> -> memref<1x64xf32, #tpu.memory_space<vmem>>
        %dma_start3A_736 = arith.constant 0 : i32
        %dma_start3A_737 = tpu.memref_slice %arg5[%reduce_sum3A_711, %dma_start3A_736] : memref<100000x64xf32, #tpu.memory_space<hbm>> -> memref<1x64xf32, #tpu.memory_space<hbm>>
        tpu.enqueue_dma source(%dma_start3A_737 : memref<1x64xf32, #tpu.memory_space<hbm>>) target(%dma_start3A_735 : memref<1x64xf32, #tpu.memory_space<vmem>>) target_semaphore(%arg17 : memref<!tpu.dma_semaphore, #tpu.memory_space<semaphore_mem>>)
        %dma_start3A_738 = arith.constant 0 : i32
        %dma_start3A_739 = tpu.memref_slice %arg13[%add3A_729, %dma_start3A_738] : memref<128x64xf32, #tpu.memory_space<vmem>> -> memref<1x64xf32, #tpu.memory_space<vmem>>
        %dma_start3A_740 = arith.constant 0 : i32
        %dma_start3A_741 = tpu.memref_slice %arg6[%reduce_sum3A_719, %dma_start3A_740] : memref<1000000x64xf32, #tpu.memory_space<hbm>> -> memref<1x64xf32, #tpu.memory_space<hbm>>
        %dma_start3A_742 = arith.constant 0 : i32
        %dma_start3A_743 = tpu.memref_slice %arg13[%add3A_729, %dma_start3A_742] : memref<128x64xf32, #tpu.memory_space<vmem>> -> memref<1x64xf32, #tpu.memory_space<vmem>>
        %dma_start3A_744 = arith.constant 0 : i32
        %dma_start3A_745 = tpu.memref_slice %arg6[%reduce_sum3A_719, %dma_start3A_744] : memref<1000000x64xf32, #tpu.memory_space<hbm>> -> memref<1x64xf32, #tpu.memory_space<hbm>>
        tpu.enqueue_dma source(%dma_start3A_745 : memref<1x64xf32, #tpu.memory_space<hbm>>) target(%dma_start3A_743 : memref<1x64xf32, #tpu.memory_space<vmem>>) target_semaphore(%arg18 : memref<!tpu.dma_semaphore, #tpu.memory_space<semaphore_mem>>)
        %dma_start3A_746 = arith.constant 0 : i32
        %dma_start3A_747 = tpu.memref_slice %arg14[%add3A_729, %dma_start3A_746] : memref<128x64xf32, #tpu.memory_space<vmem>> -> memref<1x64xf32, #tpu.memory_space<vmem>>
        %dma_start3A_748 = arith.constant 0 : i32
        %dma_start3A_749 = tpu.memref_slice %arg6[%reduce_sum3A_727, %dma_start3A_748] : memref<1000000x64xf32, #tpu.memory_space<hbm>> -> memref<1x64xf32, #tpu.memory_space<hbm>>
        %dma_start3A_750 = arith.constant 0 : i32
        %dma_start3A_751 = tpu.memref_slice %arg14[%add3A_729, %dma_start3A_750] : memref<128x64xf32, #tpu.memory_space<vmem>> -> memref<1x64xf32, #tpu.memory_space<vmem>>
        %dma_start3A_752 = arith.constant 0 : i32
        %dma_start3A_753 = tpu.memref_slice %arg6[%reduce_sum3A_727, %dma_start3A_752] : memref<1000000x64xf32, #tpu.memory_space<hbm>> -> memref<1x64xf32, #tpu.memory_space<hbm>>
        tpu.enqueue_dma source(%dma_start3A_753 : memref<1x64xf32, #tpu.memory_space<hbm>>) target(%dma_start3A_751 : memref<1x64xf32, #tpu.memory_space<vmem>>) target_semaphore(%arg19 : memref<!tpu.dma_semaphore, #tpu.memory_space<semaphore_mem>>)
        %eq3A_754 = arith.constant 14 : i32
        %eq3A_755 = vector.broadcast %eq3A_754 : i32 to vector<16xi32>
        %eq3A_756 = arith.cmpi eq, %iota3A, %eq3A_755 : vector<16xi32>
        %select_n3A_757 = arith.select %eq3A_756, %get3A_51, %broadcast_in_dim3A_57 : vector<16xi1>, vector<16xi32>
        %reduce_sum3A_758 = arith.constant true
        %reduce_sum3A_759 = vector.broadcast %reduce_sum3A_758 : i1 to vector<16xi1>
        %reduce_sum3A_760 = tpu.scan <sum>, %select_n3A_757 masked %reduce_sum3A_759 : vector<16xi32>, vector<16xi1> -> vector<16xi32>
        %reduce_sum3A_761 = vector.extract %reduce_sum3A_760[15] : i32 from vector<16xi32>
        %eq3A_762 = arith.constant 14 : i32
        %eq3A_763 = vector.broadcast %eq3A_762 : i32 to vector<16xi32>
        %eq3A_764 = arith.cmpi eq, %iota3A, %eq3A_763 : vector<16xi32>
        %select_n3A_765 = arith.select %eq3A_764, %get3A_53, %broadcast_in_dim3A_57 : vector<16xi1>, vector<16xi32>
        %reduce_sum3A_766 = arith.constant true
        %reduce_sum3A_767 = vector.broadcast %reduce_sum3A_766 : i1 to vector<16xi1>
        %reduce_sum3A_768 = tpu.scan <sum>, %select_n3A_765 masked %reduce_sum3A_767 : vector<16xi32>, vector<16xi1> -> vector<16xi32>
        %reduce_sum3A_769 = vector.extract %reduce_sum3A_768[15] : i32 from vector<16xi32>
        %eq3A_770 = arith.constant 14 : i32
        %eq3A_771 = vector.broadcast %eq3A_770 : i32 to vector<16xi32>
        %eq3A_772 = arith.cmpi eq, %iota3A, %eq3A_771 : vector<16xi32>
        %select_n3A_773 = arith.select %eq3A_772, %get3A_55, %broadcast_in_dim3A_57 : vector<16xi1>, vector<16xi32>
        %reduce_sum3A_774 = arith.constant true
        %reduce_sum3A_775 = vector.broadcast %reduce_sum3A_774 : i1 to vector<16xi1>
        %reduce_sum3A_776 = tpu.scan <sum>, %select_n3A_773 masked %reduce_sum3A_775 : vector<16xi32>, vector<16xi1> -> vector<16xi32>
        %reduce_sum3A_777 = vector.extract %reduce_sum3A_776[15] : i32 from vector<16xi32>
        %add3A_778 = arith.constant 14 : i32
        %add3A_779 = arith.addi %mul3A_50, %add3A_778 : i32
        %dma_start3A_780 = arith.constant 0 : i32
        %dma_start3A_781 = tpu.memref_slice %arg12[%add3A_779, %dma_start3A_780] : memref<128x64xf32, #tpu.memory_space<vmem>> -> memref<1x64xf32, #tpu.memory_space<vmem>>
        %dma_start3A_782 = arith.constant 0 : i32
        %dma_start3A_783 = tpu.memref_slice %arg5[%reduce_sum3A_761, %dma_start3A_782] : memref<100000x64xf32, #tpu.memory_space<hbm>> -> memref<1x64xf32, #tpu.memory_space<hbm>>
        %dma_start3A_784 = arith.constant 0 : i32
        %dma_start3A_785 = tpu.memref_slice %arg12[%add3A_779, %dma_start3A_784] : memref<128x64xf32, #tpu.memory_space<vmem>> -> memref<1x64xf32, #tpu.memory_space<vmem>>
        %dma_start3A_786 = arith.constant 0 : i32
        %dma_start3A_787 = tpu.memref_slice %arg5[%reduce_sum3A_761, %dma_start3A_786] : memref<100000x64xf32, #tpu.memory_space<hbm>> -> memref<1x64xf32, #tpu.memory_space<hbm>>
        tpu.enqueue_dma source(%dma_start3A_787 : memref<1x64xf32, #tpu.memory_space<hbm>>) target(%dma_start3A_785 : memref<1x64xf32, #tpu.memory_space<vmem>>) target_semaphore(%arg17 : memref<!tpu.dma_semaphore, #tpu.memory_space<semaphore_mem>>)
        %dma_start3A_788 = arith.constant 0 : i32
        %dma_start3A_789 = tpu.memref_slice %arg13[%add3A_779, %dma_start3A_788] : memref<128x64xf32, #tpu.memory_space<vmem>> -> memref<1x64xf32, #tpu.memory_space<vmem>>
        %dma_start3A_790 = arith.constant 0 : i32
        %dma_start3A_791 = tpu.memref_slice %arg6[%reduce_sum3A_769, %dma_start3A_790] : memref<1000000x64xf32, #tpu.memory_space<hbm>> -> memref<1x64xf32, #tpu.memory_space<hbm>>
        %dma_start3A_792 = arith.constant 0 : i32
        %dma_start3A_793 = tpu.memref_slice %arg13[%add3A_779, %dma_start3A_792] : memref<128x64xf32, #tpu.memory_space<vmem>> -> memref<1x64xf32, #tpu.memory_space<vmem>>
        %dma_start3A_794 = arith.constant 0 : i32
        %dma_start3A_795 = tpu.memref_slice %arg6[%reduce_sum3A_769, %dma_start3A_794] : memref<1000000x64xf32, #tpu.memory_space<hbm>> -> memref<1x64xf32, #tpu.memory_space<hbm>>
        tpu.enqueue_dma source(%dma_start3A_795 : memref<1x64xf32, #tpu.memory_space<hbm>>) target(%dma_start3A_793 : memref<1x64xf32, #tpu.memory_space<vmem>>) target_semaphore(%arg18 : memref<!tpu.dma_semaphore, #tpu.memory_space<semaphore_mem>>)
        %dma_start3A_796 = arith.constant 0 : i32
        %dma_start3A_797 = tpu.memref_slice %arg14[%add3A_779, %dma_start3A_796] : memref<128x64xf32, #tpu.memory_space<vmem>> -> memref<1x64xf32, #tpu.memory_space<vmem>>
        %dma_start3A_798 = arith.constant 0 : i32
        %dma_start3A_799 = tpu.memref_slice %arg6[%reduce_sum3A_777, %dma_start3A_798] : memref<1000000x64xf32, #tpu.memory_space<hbm>> -> memref<1x64xf32, #tpu.memory_space<hbm>>
        %dma_start3A_800 = arith.constant 0 : i32
        %dma_start3A_801 = tpu.memref_slice %arg14[%add3A_779, %dma_start3A_800] : memref<128x64xf32, #tpu.memory_space<vmem>> -> memref<1x64xf32, #tpu.memory_space<vmem>>
        %dma_start3A_802 = arith.constant 0 : i32
        %dma_start3A_803 = tpu.memref_slice %arg6[%reduce_sum3A_777, %dma_start3A_802] : memref<1000000x64xf32, #tpu.memory_space<hbm>> -> memref<1x64xf32, #tpu.memory_space<hbm>>
        tpu.enqueue_dma source(%dma_start3A_803 : memref<1x64xf32, #tpu.memory_space<hbm>>) target(%dma_start3A_801 : memref<1x64xf32, #tpu.memory_space<vmem>>) target_semaphore(%arg19 : memref<!tpu.dma_semaphore, #tpu.memory_space<semaphore_mem>>)
        %eq3A_804 = arith.constant 15 : i32
        %eq3A_805 = vector.broadcast %eq3A_804 : i32 to vector<16xi32>
        %eq3A_806 = arith.cmpi eq, %iota3A, %eq3A_805 : vector<16xi32>
        %select_n3A_807 = arith.select %eq3A_806, %get3A_51, %broadcast_in_dim3A_57 : vector<16xi1>, vector<16xi32>
        %reduce_sum3A_808 = arith.constant true
        %reduce_sum3A_809 = vector.broadcast %reduce_sum3A_808 : i1 to vector<16xi1>
        %reduce_sum3A_810 = tpu.scan <sum>, %select_n3A_807 masked %reduce_sum3A_809 : vector<16xi32>, vector<16xi1> -> vector<16xi32>
        %reduce_sum3A_811 = vector.extract %reduce_sum3A_810[15] : i32 from vector<16xi32>
        %eq3A_812 = arith.constant 15 : i32
        %eq3A_813 = vector.broadcast %eq3A_812 : i32 to vector<16xi32>
        %eq3A_814 = arith.cmpi eq, %iota3A, %eq3A_813 : vector<16xi32>
        %select_n3A_815 = arith.select %eq3A_814, %get3A_53, %broadcast_in_dim3A_57 : vector<16xi1>, vector<16xi32>
        %reduce_sum3A_816 = arith.constant true
        %reduce_sum3A_817 = vector.broadcast %reduce_sum3A_816 : i1 to vector<16xi1>
        %reduce_sum3A_818 = tpu.scan <sum>, %select_n3A_815 masked %reduce_sum3A_817 : vector<16xi32>, vector<16xi1> -> vector<16xi32>
        %reduce_sum3A_819 = vector.extract %reduce_sum3A_818[15] : i32 from vector<16xi32>
        %eq3A_820 = arith.constant 15 : i32
        %eq3A_821 = vector.broadcast %eq3A_820 : i32 to vector<16xi32>
        %eq3A_822 = arith.cmpi eq, %iota3A, %eq3A_821 : vector<16xi32>
        %select_n3A_823 = arith.select %eq3A_822, %get3A_55, %broadcast_in_dim3A_57 : vector<16xi1>, vector<16xi32>
        %reduce_sum3A_824 = arith.constant true
        %reduce_sum3A_825 = vector.broadcast %reduce_sum3A_824 : i1 to vector<16xi1>
        %reduce_sum3A_826 = tpu.scan <sum>, %select_n3A_823 masked %reduce_sum3A_825 : vector<16xi32>, vector<16xi1> -> vector<16xi32>
        %reduce_sum3A_827 = vector.extract %reduce_sum3A_826[15] : i32 from vector<16xi32>
        %add3A_828 = arith.constant 15 : i32
        %add3A_829 = arith.addi %mul3A_50, %add3A_828 : i32
        %dma_start3A_830 = arith.constant 0 : i32
        %dma_start3A_831 = tpu.memref_slice %arg12[%add3A_829, %dma_start3A_830] : memref<128x64xf32, #tpu.memory_space<vmem>> -> memref<1x64xf32, #tpu.memory_space<vmem>>
        %dma_start3A_832 = arith.constant 0 : i32
        %dma_start3A_833 = tpu.memref_slice %arg5[%reduce_sum3A_811, %dma_start3A_832] : memref<100000x64xf32, #tpu.memory_space<hbm>> -> memref<1x64xf32, #tpu.memory_space<hbm>>
        %dma_start3A_834 = arith.constant 0 : i32
        %dma_start3A_835 = tpu.memref_slice %arg12[%add3A_829, %dma_start3A_834] : memref<128x64xf32, #tpu.memory_space<vmem>> -> memref<1x64xf32, #tpu.memory_space<vmem>>
        %dma_start3A_836 = arith.constant 0 : i32
        %dma_start3A_837 = tpu.memref_slice %arg5[%reduce_sum3A_811, %dma_start3A_836] : memref<100000x64xf32, #tpu.memory_space<hbm>> -> memref<1x64xf32, #tpu.memory_space<hbm>>
        tpu.enqueue_dma source(%dma_start3A_837 : memref<1x64xf32, #tpu.memory_space<hbm>>) target(%dma_start3A_835 : memref<1x64xf32, #tpu.memory_space<vmem>>) target_semaphore(%arg17 : memref<!tpu.dma_semaphore, #tpu.memory_space<semaphore_mem>>)
        %dma_start3A_838 = arith.constant 0 : i32
        %dma_start3A_839 = tpu.memref_slice %arg13[%add3A_829, %dma_start3A_838] : memref<128x64xf32, #tpu.memory_space<vmem>> -> memref<1x64xf32, #tpu.memory_space<vmem>>
        %dma_start3A_840 = arith.constant 0 : i32
        %dma_start3A_841 = tpu.memref_slice %arg6[%reduce_sum3A_819, %dma_start3A_840] : memref<1000000x64xf32, #tpu.memory_space<hbm>> -> memref<1x64xf32, #tpu.memory_space<hbm>>
        %dma_start3A_842 = arith.constant 0 : i32
        %dma_start3A_843 = tpu.memref_slice %arg13[%add3A_829, %dma_start3A_842] : memref<128x64xf32, #tpu.memory_space<vmem>> -> memref<1x64xf32, #tpu.memory_space<vmem>>
        %dma_start3A_844 = arith.constant 0 : i32
        %dma_start3A_845 = tpu.memref_slice %arg6[%reduce_sum3A_819, %dma_start3A_844] : memref<1000000x64xf32, #tpu.memory_space<hbm>> -> memref<1x64xf32, #tpu.memory_space<hbm>>
        tpu.enqueue_dma source(%dma_start3A_845 : memref<1x64xf32, #tpu.memory_space<hbm>>) target(%dma_start3A_843 : memref<1x64xf32, #tpu.memory_space<vmem>>) target_semaphore(%arg18 : memref<!tpu.dma_semaphore, #tpu.memory_space<semaphore_mem>>)
        %dma_start3A_846 = arith.constant 0 : i32
        %dma_start3A_847 = tpu.memref_slice %arg14[%add3A_829, %dma_start3A_846] : memref<128x64xf32, #tpu.memory_space<vmem>> -> memref<1x64xf32, #tpu.memory_space<vmem>>
        %dma_start3A_848 = arith.constant 0 : i32
        %dma_start3A_849 = tpu.memref_slice %arg6[%reduce_sum3A_827, %dma_start3A_848] : memref<1000000x64xf32, #tpu.memory_space<hbm>> -> memref<1x64xf32, #tpu.memory_space<hbm>>
        %dma_start3A_850 = arith.constant 0 : i32
        %dma_start3A_851 = tpu.memref_slice %arg14[%add3A_829, %dma_start3A_850] : memref<128x64xf32, #tpu.memory_space<vmem>> -> memref<1x64xf32, #tpu.memory_space<vmem>>
        %dma_start3A_852 = arith.constant 0 : i32
        %dma_start3A_853 = tpu.memref_slice %arg6[%reduce_sum3A_827, %dma_start3A_852] : memref<1000000x64xf32, #tpu.memory_space<hbm>> -> memref<1x64xf32, #tpu.memory_space<hbm>>
        tpu.enqueue_dma source(%dma_start3A_853 : memref<1x64xf32, #tpu.memory_space<hbm>>) target(%dma_start3A_851 : memref<1x64xf32, #tpu.memory_space<vmem>>) target_semaphore(%arg19 : memref<!tpu.dma_semaphore, #tpu.memory_space<semaphore_mem>>)
        %scan3A_854 = arith.constant 0 : i32
        scf.yield %scan3A_854 : i32
      }
      %scan3A_23 = arith.constant 8 : i32
      %dma_wait3A = arith.constant 0 : i32
      %dma_wait3A_24 = arith.constant 0 : i32
      %dma_wait3A_25 = tpu.memref_slice %arg5[%dma_wait3A, %dma_wait3A_24] : memref<100000x64xf32, #tpu.memory_space<hbm>> -> memref<128x64xf32, #tpu.memory_space<hbm>>
      %dma_wait3A_26 = arith.constant 0 : i32
      %dma_wait3A_27 = arith.constant 0 : i32
      %dma_wait3A_28 = tpu.memref_slice %arg5[%dma_wait3A_26, %dma_wait3A_27] : memref<100000x64xf32, #tpu.memory_space<hbm>> -> memref<128x64xf32, #tpu.memory_space<hbm>>
      tpu.wait_dma2 semaphore(%arg17 : memref<!tpu.dma_semaphore, #tpu.memory_space<semaphore_mem>>) src(%dma_wait3A_28 : memref<128x64xf32, #tpu.memory_space<hbm>>) dst(%arg12 : memref<128x64xf32, #tpu.memory_space<vmem>>)
      %dma_wait3A_29 = arith.constant 0 : i32
      %dma_wait3A_30 = arith.constant 0 : i32
      %dma_wait3A_31 = tpu.memref_slice %arg6[%dma_wait3A_29, %dma_wait3A_30] : memref<1000000x64xf32, #tpu.memory_space<hbm>> -> memref<128x64xf32, #tpu.memory_space<hbm>>
      %dma_wait3A_32 = arith.constant 0 : i32
      %dma_wait3A_33 = arith.constant 0 : i32
      %dma_wait3A_34 = tpu.memref_slice %arg6[%dma_wait3A_32, %dma_wait3A_33] : memref<1000000x64xf32, #tpu.memory_space<hbm>> -> memref<128x64xf32, #tpu.memory_space<hbm>>
      tpu.wait_dma2 semaphore(%arg18 : memref<!tpu.dma_semaphore, #tpu.memory_space<semaphore_mem>>) src(%dma_wait3A_34 : memref<128x64xf32, #tpu.memory_space<hbm>>) dst(%arg13 : memref<128x64xf32, #tpu.memory_space<vmem>>)
      %dma_wait3A_35 = arith.constant 0 : i32
      %dma_wait3A_36 = arith.constant 0 : i32
      %dma_wait3A_37 = tpu.memref_slice %arg6[%dma_wait3A_35, %dma_wait3A_36] : memref<1000000x64xf32, #tpu.memory_space<hbm>> -> memref<128x64xf32, #tpu.memory_space<hbm>>
      %dma_wait3A_38 = arith.constant 0 : i32
      %dma_wait3A_39 = arith.constant 0 : i32
      %dma_wait3A_40 = tpu.memref_slice %arg6[%dma_wait3A_38, %dma_wait3A_39] : memref<1000000x64xf32, #tpu.memory_space<hbm>> -> memref<128x64xf32, #tpu.memory_space<hbm>>
      tpu.wait_dma2 semaphore(%arg19 : memref<!tpu.dma_semaphore, #tpu.memory_space<semaphore_mem>>) src(%dma_wait3A_40 : memref<128x64xf32, #tpu.memory_space<hbm>>) dst(%arg14 : memref<128x64xf32, #tpu.memory_space<vmem>>)
      %scan3A_41 = arith.constant 0 : i32
      %scan3A_42 = arith.constant 8 : i32
      %scan3A_43 = arith.addi %scan3A_41, %scan3A_42 : i32
      %scan3A_44 = arith.constant 1 : i32
      %scan3A_45 = scf.for %scan3A_47 = %scan3A_41 to %scan3A_43 step %scan3A_44 iter_args(%scan3A_48 = %scan3A_13) -> (vector<16xf32>)  : i32 {
        %broadcast_in_dim3A_49 = arith.constant 0.000000e+00 : f32
        %broadcast_in_dim3A_50 = vector.broadcast %broadcast_in_dim3A_49 : f32 to vector<16xf32>
        %mul3A_51 = arith.constant 16 : i32
        %mul3A_52 = arith.muli %scan3A_47, %mul3A_51 : i32
        %add3A_53 = arith.constant 0 : i32
        %add3A_54 = arith.addi %mul3A_52, %add3A_53 : i32
        %broadcast_in_dim3A_55 = arith.constant 0.000000e+00 : f32
        %broadcast_in_dim3A_56 = vector.broadcast %broadcast_in_dim3A_55 : f32 to vector<16xf32>
        %get3A = arith.index_cast %add3A_54 : i32 to index
        %get3A_57 = arith.constant 0 : index
        %get3A_58 = tpu.vector_load %arg12[%get3A, %get3A_57] {strides = array<i32>} : memref<128x64xf32, #tpu.memory_space<vmem>>, vector<16xf32>,
        %get3A_59 = arith.index_cast %add3A_54 : i32 to index
        %get3A_60 = arith.constant 0 : index
        %get3A_61 = tpu.vector_load %arg13[%get3A_59, %get3A_60] {strides = array<i32>} : memref<128x64xf32, #tpu.memory_space<vmem>>, vector<16xf32>,
        %get3A_62 = arith.index_cast %add3A_54 : i32 to index
        %get3A_63 = arith.constant 0 : index
        %get3A_64 = tpu.vector_load %arg14[%get3A_62, %get3A_63] {strides = array<i32>} : memref<128x64xf32, #tpu.memory_space<vmem>>, vector<16xf32>,
        %sub3A = arith.subf %get3A_61, %get3A_64 : vector<16xf32>
        %mul3A_65 = arith.mulf %get3A_58, %sub3A : vector<16xf32>
        %add3A_66 = arith.addf %broadcast_in_dim3A_56, %mul3A_65 : vector<16xf32>
        %mul3A_67 = arith.mulf %get3A_58, %get3A_58 : vector<16xf32>
        %mul3A_68 = arith.mulf %get3A_61, %get3A_61 : vector<16xf32>
        %mul3A_69 = arith.mulf %get3A_64, %get3A_64 : vector<16xf32>
        %add3A_70 = arith.addf %mul3A_68, %mul3A_69 : vector<16xf32>
        %add3A_71 = arith.addf %mul3A_67, %add3A_70 : vector<16xf32>
        %add3A_72 = arith.addf %scan3A_48, %add3A_71 : vector<16xf32>
        %get3A_73 = arith.index_cast %add3A_54 : i32 to index
        %get3A_74 = arith.constant 16 : index
        %get3A_75 = tpu.vector_load %arg12[%get3A_73, %get3A_74] {strides = array<i32>} : memref<128x64xf32, #tpu.memory_space<vmem>>, vector<16xf32>,
        %get3A_76 = arith.index_cast %add3A_54 : i32 to index
        %get3A_77 = arith.constant 16 : index
        %get3A_78 = tpu.vector_load %arg13[%get3A_76, %get3A_77] {strides = array<i32>} : memref<128x64xf32, #tpu.memory_space<vmem>>, vector<16xf32>,
        %get3A_79 = arith.index_cast %add3A_54 : i32 to index
        %get3A_80 = arith.constant 16 : index
        %get3A_81 = tpu.vector_load %arg14[%get3A_79, %get3A_80] {strides = array<i32>} : memref<128x64xf32, #tpu.memory_space<vmem>>, vector<16xf32>,
        %sub3A_82 = arith.subf %get3A_78, %get3A_81 : vector<16xf32>
        %mul3A_83 = arith.mulf %get3A_75, %sub3A_82 : vector<16xf32>
        %add3A_84 = arith.addf %add3A_66, %mul3A_83 : vector<16xf32>
        %mul3A_85 = arith.mulf %get3A_75, %get3A_75 : vector<16xf32>
        %mul3A_86 = arith.mulf %get3A_78, %get3A_78 : vector<16xf32>
        %mul3A_87 = arith.mulf %get3A_81, %get3A_81 : vector<16xf32>
        %add3A_88 = arith.addf %mul3A_86, %mul3A_87 : vector<16xf32>
        %add3A_89 = arith.addf %mul3A_85, %add3A_88 : vector<16xf32>
        %add3A_90 = arith.addf %add3A_72, %add3A_89 : vector<16xf32>
        %get3A_91 = arith.index_cast %add3A_54 : i32 to index
        %get3A_92 = arith.constant 32 : index
        %get3A_93 = tpu.vector_load %arg12[%get3A_91, %get3A_92] {strides = array<i32>} : memref<128x64xf32, #tpu.memory_space<vmem>>, vector<16xf32>,
        %get3A_94 = arith.index_cast %add3A_54 : i32 to index
        %get3A_95 = arith.constant 32 : index
        %get3A_96 = tpu.vector_load %arg13[%get3A_94, %get3A_95] {strides = array<i32>} : memref<128x64xf32, #tpu.memory_space<vmem>>, vector<16xf32>,
        %get3A_97 = arith.index_cast %add3A_54 : i32 to index
        %get3A_98 = arith.constant 32 : index
        %get3A_99 = tpu.vector_load %arg14[%get3A_97, %get3A_98] {strides = array<i32>} : memref<128x64xf32, #tpu.memory_space<vmem>>, vector<16xf32>,
        %sub3A_100 = arith.subf %get3A_96, %get3A_99 : vector<16xf32>
        %mul3A_101 = arith.mulf %get3A_93, %sub3A_100 : vector<16xf32>
        %add3A_102 = arith.addf %add3A_84, %mul3A_101 : vector<16xf32>
        %mul3A_103 = arith.mulf %get3A_93, %get3A_93 : vector<16xf32>
        %mul3A_104 = arith.mulf %get3A_96, %get3A_96 : vector<16xf32>
        %mul3A_105 = arith.mulf %get3A_99, %get3A_99 : vector<16xf32>
        %add3A_106 = arith.addf %mul3A_104, %mul3A_105 : vector<16xf32>
        %add3A_107 = arith.addf %mul3A_103, %add3A_106 : vector<16xf32>
        %add3A_108 = arith.addf %add3A_90, %add3A_107 : vector<16xf32>
        %get3A_109 = arith.index_cast %add3A_54 : i32 to index
        %get3A_110 = arith.constant 48 : index
        %get3A_111 = tpu.vector_load %arg12[%get3A_109, %get3A_110] {strides = array<i32>} : memref<128x64xf32, #tpu.memory_space<vmem>>, vector<16xf32>,
        %get3A_112 = arith.index_cast %add3A_54 : i32 to index
        %get3A_113 = arith.constant 48 : index
        %get3A_114 = tpu.vector_load %arg13[%get3A_112, %get3A_113] {strides = array<i32>} : memref<128x64xf32, #tpu.memory_space<vmem>>, vector<16xf32>,
        %get3A_115 = arith.index_cast %add3A_54 : i32 to index
        %get3A_116 = arith.constant 48 : index
        %get3A_117 = tpu.vector_load %arg14[%get3A_115, %get3A_116] {strides = array<i32>} : memref<128x64xf32, #tpu.memory_space<vmem>>, vector<16xf32>,
        %sub3A_118 = arith.subf %get3A_114, %get3A_117 : vector<16xf32>
        %mul3A_119 = arith.mulf %get3A_111, %sub3A_118 : vector<16xf32>
        %add3A_120 = arith.addf %add3A_102, %mul3A_119 : vector<16xf32>
        %mul3A_121 = arith.mulf %get3A_111, %get3A_111 : vector<16xf32>
        %mul3A_122 = arith.mulf %get3A_114, %get3A_114 : vector<16xf32>
        %mul3A_123 = arith.mulf %get3A_117, %get3A_117 : vector<16xf32>
        %add3A_124 = arith.addf %mul3A_122, %mul3A_123 : vector<16xf32>
        %add3A_125 = arith.addf %mul3A_121, %add3A_124 : vector<16xf32>
        %add3A_126 = arith.addf %add3A_108, %add3A_125 : vector<16xf32>
        %reduce_sum3A = arith.constant true
        %reduce_sum3A_127 = vector.broadcast %reduce_sum3A : i1 to vector<16xi1>
        %reduce_sum3A_128 = tpu.scan <sum>, %add3A_120 masked %reduce_sum3A_127 : vector<16xf32>, vector<16xi1> -> vector<16xf32>
        %reduce_sum3A_129 = vector.extract %reduce_sum3A_128[15] : f32 from vector<16xf32>
        %eq3A = arith.constant 0 : i32
        %eq3A_130 = vector.broadcast %eq3A : i32 to vector<16xi32>
        %eq3A_131 = arith.cmpi eq, %iota3A, %eq3A_130 : vector<16xi32>
        %broadcast_in_dim3A_132 = vector.broadcast %reduce_sum3A_129 : f32 to vector<16xf32>
        %select_n3A = arith.select %eq3A_131, %broadcast_in_dim3A_132, %broadcast_in_dim3A_50 : vector<16xi1>, vector<16xf32>
        %mul3A_133 = arith.constant 16 : i32
        %mul3A_134 = arith.muli %scan3A_47, %mul3A_133 : i32
        %add3A_135 = arith.constant 1 : i32
        %add3A_136 = arith.addi %mul3A_134, %add3A_135 : i32
        %broadcast_in_dim3A_137 = arith.constant 0.000000e+00 : f32
        %broadcast_in_dim3A_138 = vector.broadcast %broadcast_in_dim3A_137 : f32 to vector<16xf32>
        %get3A_139 = arith.index_cast %add3A_136 : i32 to index
        %get3A_140 = arith.constant 0 : index
        %get3A_141 = tpu.vector_load %arg12[%get3A_139, %get3A_140] {strides = array<i32>} : memref<128x64xf32, #tpu.memory_space<vmem>>, vector<16xf32>,
        %get3A_142 = arith.index_cast %add3A_136 : i32 to index
        %get3A_143 = arith.constant 0 : index
        %get3A_144 = tpu.vector_load %arg13[%get3A_142, %get3A_143] {strides = array<i32>} : memref<128x64xf32, #tpu.memory_space<vmem>>, vector<16xf32>,
        %get3A_145 = arith.index_cast %add3A_136 : i32 to index
        %get3A_146 = arith.constant 0 : index
        %get3A_147 = tpu.vector_load %arg14[%get3A_145, %get3A_146] {strides = array<i32>} : memref<128x64xf32, #tpu.memory_space<vmem>>, vector<16xf32>,
        %sub3A_148 = arith.subf %get3A_144, %get3A_147 : vector<16xf32>
        %mul3A_149 = arith.mulf %get3A_141, %sub3A_148 : vector<16xf32>
        %add3A_150 = arith.addf %broadcast_in_dim3A_138, %mul3A_149 : vector<16xf32>
        %mul3A_151 = arith.mulf %get3A_141, %get3A_141 : vector<16xf32>
        %mul3A_152 = arith.mulf %get3A_144, %get3A_144 : vector<16xf32>
        %mul3A_153 = arith.mulf %get3A_147, %get3A_147 : vector<16xf32>
        %add3A_154 = arith.addf %mul3A_152, %mul3A_153 : vector<16xf32>
        %add3A_155 = arith.addf %mul3A_151, %add3A_154 : vector<16xf32>
        %add3A_156 = arith.addf %add3A_126, %add3A_155 : vector<16xf32>
        %get3A_157 = arith.index_cast %add3A_136 : i32 to index
        %get3A_158 = arith.constant 16 : index
        %get3A_159 = tpu.vector_load %arg12[%get3A_157, %get3A_158] {strides = array<i32>} : memref<128x64xf32, #tpu.memory_space<vmem>>, vector<16xf32>,
        %get3A_160 = arith.index_cast %add3A_136 : i32 to index
        %get3A_161 = arith.constant 16 : index
        %get3A_162 = tpu.vector_load %arg13[%get3A_160, %get3A_161] {strides = array<i32>} : memref<128x64xf32, #tpu.memory_space<vmem>>, vector<16xf32>,
        %get3A_163 = arith.index_cast %add3A_136 : i32 to index
        %get3A_164 = arith.constant 16 : index
        %get3A_165 = tpu.vector_load %arg14[%get3A_163, %get3A_164] {strides = array<i32>} : memref<128x64xf32, #tpu.memory_space<vmem>>, vector<16xf32>,
        %sub3A_166 = arith.subf %get3A_162, %get3A_165 : vector<16xf32>
        %mul3A_167 = arith.mulf %get3A_159, %sub3A_166 : vector<16xf32>
        %add3A_168 = arith.addf %add3A_150, %mul3A_167 : vector<16xf32>
        %mul3A_169 = arith.mulf %get3A_159, %get3A_159 : vector<16xf32>
        %mul3A_170 = arith.mulf %get3A_162, %get3A_162 : vector<16xf32>
        %mul3A_171 = arith.mulf %get3A_165, %get3A_165 : vector<16xf32>
        %add3A_172 = arith.addf %mul3A_170, %mul3A_171 : vector<16xf32>
        %add3A_173 = arith.addf %mul3A_169, %add3A_172 : vector<16xf32>
        %add3A_174 = arith.addf %add3A_156, %add3A_173 : vector<16xf32>
        %get3A_175 = arith.index_cast %add3A_136 : i32 to index
        %get3A_176 = arith.constant 32 : index
        %get3A_177 = tpu.vector_load %arg12[%get3A_175, %get3A_176] {strides = array<i32>} : memref<128x64xf32, #tpu.memory_space<vmem>>, vector<16xf32>,
        %get3A_178 = arith.index_cast %add3A_136 : i32 to index
        %get3A_179 = arith.constant 32 : index
        %get3A_180 = tpu.vector_load %arg13[%get3A_178, %get3A_179] {strides = array<i32>} : memref<128x64xf32, #tpu.memory_space<vmem>>, vector<16xf32>,
        %get3A_181 = arith.index_cast %add3A_136 : i32 to index
        %get3A_182 = arith.constant 32 : index
        %get3A_183 = tpu.vector_load %arg14[%get3A_181, %get3A_182] {strides = array<i32>} : memref<128x64xf32, #tpu.memory_space<vmem>>, vector<16xf32>,
        %sub3A_184 = arith.subf %get3A_180, %get3A_183 : vector<16xf32>
        %mul3A_185 = arith.mulf %get3A_177, %sub3A_184 : vector<16xf32>
        %add3A_186 = arith.addf %add3A_168, %mul3A_185 : vector<16xf32>
        %mul3A_187 = arith.mulf %get3A_177, %get3A_177 : vector<16xf32>
        %mul3A_188 = arith.mulf %get3A_180, %get3A_180 : vector<16xf32>
        %mul3A_189 = arith.mulf %get3A_183, %get3A_183 : vector<16xf32>
        %add3A_190 = arith.addf %mul3A_188, %mul3A_189 : vector<16xf32>
        %add3A_191 = arith.addf %mul3A_187, %add3A_190 : vector<16xf32>
        %add3A_192 = arith.addf %add3A_174, %add3A_191 : vector<16xf32>
        %get3A_193 = arith.index_cast %add3A_136 : i32 to index
        %get3A_194 = arith.constant 48 : index
        %get3A_195 = tpu.vector_load %arg12[%get3A_193, %get3A_194] {strides = array<i32>} : memref<128x64xf32, #tpu.memory_space<vmem>>, vector<16xf32>,
        %get3A_196 = arith.index_cast %add3A_136 : i32 to index
        %get3A_197 = arith.constant 48 : index
        %get3A_198 = tpu.vector_load %arg13[%get3A_196, %get3A_197] {strides = array<i32>} : memref<128x64xf32, #tpu.memory_space<vmem>>, vector<16xf32>,
        %get3A_199 = arith.index_cast %add3A_136 : i32 to index
        %get3A_200 = arith.constant 48 : index
        %get3A_201 = tpu.vector_load %arg14[%get3A_199, %get3A_200] {strides = array<i32>} : memref<128x64xf32, #tpu.memory_space<vmem>>, vector<16xf32>,
        %sub3A_202 = arith.subf %get3A_198, %get3A_201 : vector<16xf32>
        %mul3A_203 = arith.mulf %get3A_195, %sub3A_202 : vector<16xf32>
        %add3A_204 = arith.addf %add3A_186, %mul3A_203 : vector<16xf32>
        %mul3A_205 = arith.mulf %get3A_195, %get3A_195 : vector<16xf32>
        %mul3A_206 = arith.mulf %get3A_198, %get3A_198 : vector<16xf32>
        %mul3A_207 = arith.mulf %get3A_201, %get3A_201 : vector<16xf32>
        %add3A_208 = arith.addf %mul3A_206, %mul3A_207 : vector<16xf32>
        %add3A_209 = arith.addf %mul3A_205, %add3A_208 : vector<16xf32>
        %add3A_210 = arith.addf %add3A_192, %add3A_209 : vector<16xf32>
        %reduce_sum3A_211 = arith.constant true
        %reduce_sum3A_212 = vector.broadcast %reduce_sum3A_211 : i1 to vector<16xi1>
        %reduce_sum3A_213 = tpu.scan <sum>, %add3A_204 masked %reduce_sum3A_212 : vector<16xf32>, vector<16xi1> -> vector<16xf32>
        %reduce_sum3A_214 = vector.extract %reduce_sum3A_213[15] : f32 from vector<16xf32>
        %eq3A_215 = arith.constant 1 : i32
        %eq3A_216 = vector.broadcast %eq3A_215 : i32 to vector<16xi32>
        %eq3A_217 = arith.cmpi eq, %iota3A, %eq3A_216 : vector<16xi32>
        %broadcast_in_dim3A_218 = vector.broadcast %reduce_sum3A_214 : f32 to vector<16xf32>
        %select_n3A_219 = arith.select %eq3A_217, %broadcast_in_dim3A_218, %select_n3A : vector<16xi1>, vector<16xf32>
        %mul3A_220 = arith.constant 16 : i32
        %mul3A_221 = arith.muli %scan3A_47, %mul3A_220 : i32
        %add3A_222 = arith.constant 2 : i32
        %add3A_223 = arith.addi %mul3A_221, %add3A_222 : i32
        %broadcast_in_dim3A_224 = arith.constant 0.000000e+00 : f32
        %broadcast_in_dim3A_225 = vector.broadcast %broadcast_in_dim3A_224 : f32 to vector<16xf32>
        %get3A_226 = arith.index_cast %add3A_223 : i32 to index
        %get3A_227 = arith.constant 0 : index
        %get3A_228 = tpu.vector_load %arg12[%get3A_226, %get3A_227] {strides = array<i32>} : memref<128x64xf32, #tpu.memory_space<vmem>>, vector<16xf32>,
        %get3A_229 = arith.index_cast %add3A_223 : i32 to index
        %get3A_230 = arith.constant 0 : index
        %get3A_231 = tpu.vector_load %arg13[%get3A_229, %get3A_230] {strides = array<i32>} : memref<128x64xf32, #tpu.memory_space<vmem>>, vector<16xf32>,
        %get3A_232 = arith.index_cast %add3A_223 : i32 to index
        %get3A_233 = arith.constant 0 : index
        %get3A_234 = tpu.vector_load %arg14[%get3A_232, %get3A_233] {strides = array<i32>} : memref<128x64xf32, #tpu.memory_space<vmem>>, vector<16xf32>,
        %sub3A_235 = arith.subf %get3A_231, %get3A_234 : vector<16xf32>
        %mul3A_236 = arith.mulf %get3A_228, %sub3A_235 : vector<16xf32>
        %add3A_237 = arith.addf %broadcast_in_dim3A_225, %mul3A_236 : vector<16xf32>
        %mul3A_238 = arith.mulf %get3A_228, %get3A_228 : vector<16xf32>
        %mul3A_239 = arith.mulf %get3A_231, %get3A_231 : vector<16xf32>
        %mul3A_240 = arith.mulf %get3A_234, %get3A_234 : vector<16xf32>
        %add3A_241 = arith.addf %mul3A_239, %mul3A_240 : vector<16xf32>
        %add3A_242 = arith.addf %mul3A_238, %add3A_241 : vector<16xf32>
        %add3A_243 = arith.addf %add3A_210, %add3A_242 : vector<16xf32>
        %get3A_244 = arith.index_cast %add3A_223 : i32 to index
        %get3A_245 = arith.constant 16 : index
        %get3A_246 = tpu.vector_load %arg12[%get3A_244, %get3A_245] {strides = array<i32>} : memref<128x64xf32, #tpu.memory_space<vmem>>, vector<16xf32>,
        %get3A_247 = arith.index_cast %add3A_223 : i32 to index
        %get3A_248 = arith.constant 16 : index
        %get3A_249 = tpu.vector_load %arg13[%get3A_247, %get3A_248] {strides = array<i32>} : memref<128x64xf32, #tpu.memory_space<vmem>>, vector<16xf32>,
        %get3A_250 = arith.index_cast %add3A_223 : i32 to index
        %get3A_251 = arith.constant 16 : index
        %get3A_252 = tpu.vector_load %arg14[%get3A_250, %get3A_251] {strides = array<i32>} : memref<128x64xf32, #tpu.memory_space<vmem>>, vector<16xf32>,
        %sub3A_253 = arith.subf %get3A_249, %get3A_252 : vector<16xf32>
        %mul3A_254 = arith.mulf %get3A_246, %sub3A_253 : vector<16xf32>
        %add3A_255 = arith.addf %add3A_237, %mul3A_254 : vector<16xf32>
        %mul3A_256 = arith.mulf %get3A_246, %get3A_246 : vector<16xf32>
        %mul3A_257 = arith.mulf %get3A_249, %get3A_249 : vector<16xf32>
        %mul3A_258 = arith.mulf %get3A_252, %get3A_252 : vector<16xf32>
        %add3A_259 = arith.addf %mul3A_257, %mul3A_258 : vector<16xf32>
        %add3A_260 = arith.addf %mul3A_256, %add3A_259 : vector<16xf32>
        %add3A_261 = arith.addf %add3A_243, %add3A_260 : vector<16xf32>
        %get3A_262 = arith.index_cast %add3A_223 : i32 to index
        %get3A_263 = arith.constant 32 : index
        %get3A_264 = tpu.vector_load %arg12[%get3A_262, %get3A_263] {strides = array<i32>} : memref<128x64xf32, #tpu.memory_space<vmem>>, vector<16xf32>,
        %get3A_265 = arith.index_cast %add3A_223 : i32 to index
        %get3A_266 = arith.constant 32 : index
        %get3A_267 = tpu.vector_load %arg13[%get3A_265, %get3A_266] {strides = array<i32>} : memref<128x64xf32, #tpu.memory_space<vmem>>, vector<16xf32>,
        %get3A_268 = arith.index_cast %add3A_223 : i32 to index
        %get3A_269 = arith.constant 32 : index
        %get3A_270 = tpu.vector_load %arg14[%get3A_268, %get3A_269] {strides = array<i32>} : memref<128x64xf32, #tpu.memory_space<vmem>>, vector<16xf32>,
        %sub3A_271 = arith.subf %get3A_267, %get3A_270 : vector<16xf32>
        %mul3A_272 = arith.mulf %get3A_264, %sub3A_271 : vector<16xf32>
        %add3A_273 = arith.addf %add3A_255, %mul3A_272 : vector<16xf32>
        %mul3A_274 = arith.mulf %get3A_264, %get3A_264 : vector<16xf32>
        %mul3A_275 = arith.mulf %get3A_267, %get3A_267 : vector<16xf32>
        %mul3A_276 = arith.mulf %get3A_270, %get3A_270 : vector<16xf32>
        %add3A_277 = arith.addf %mul3A_275, %mul3A_276 : vector<16xf32>
        %add3A_278 = arith.addf %mul3A_274, %add3A_277 : vector<16xf32>
        %add3A_279 = arith.addf %add3A_261, %add3A_278 : vector<16xf32>
        %get3A_280 = arith.index_cast %add3A_223 : i32 to index
        %get3A_281 = arith.constant 48 : index
        %get3A_282 = tpu.vector_load %arg12[%get3A_280, %get3A_281] {strides = array<i32>} : memref<128x64xf32, #tpu.memory_space<vmem>>, vector<16xf32>,
        %get3A_283 = arith.index_cast %add3A_223 : i32 to index
        %get3A_284 = arith.constant 48 : index
        %get3A_285 = tpu.vector_load %arg13[%get3A_283, %get3A_284] {strides = array<i32>} : memref<128x64xf32, #tpu.memory_space<vmem>>, vector<16xf32>,
        %get3A_286 = arith.index_cast %add3A_223 : i32 to index
        %get3A_287 = arith.constant 48 : index
        %get3A_288 = tpu.vector_load %arg14[%get3A_286, %get3A_287] {strides = array<i32>} : memref<128x64xf32, #tpu.memory_space<vmem>>, vector<16xf32>,
        %sub3A_289 = arith.subf %get3A_285, %get3A_288 : vector<16xf32>
        %mul3A_290 = arith.mulf %get3A_282, %sub3A_289 : vector<16xf32>
        %add3A_291 = arith.addf %add3A_273, %mul3A_290 : vector<16xf32>
        %mul3A_292 = arith.mulf %get3A_282, %get3A_282 : vector<16xf32>
        %mul3A_293 = arith.mulf %get3A_285, %get3A_285 : vector<16xf32>
        %mul3A_294 = arith.mulf %get3A_288, %get3A_288 : vector<16xf32>
        %add3A_295 = arith.addf %mul3A_293, %mul3A_294 : vector<16xf32>
        %add3A_296 = arith.addf %mul3A_292, %add3A_295 : vector<16xf32>
        %add3A_297 = arith.addf %add3A_279, %add3A_296 : vector<16xf32>
        %reduce_sum3A_298 = arith.constant true
        %reduce_sum3A_299 = vector.broadcast %reduce_sum3A_298 : i1 to vector<16xi1>
        %reduce_sum3A_300 = tpu.scan <sum>, %add3A_291 masked %reduce_sum3A_299 : vector<16xf32>, vector<16xi1> -> vector<16xf32>
        %reduce_sum3A_301 = vector.extract %reduce_sum3A_300[15] : f32 from vector<16xf32>
        %eq3A_302 = arith.constant 2 : i32
        %eq3A_303 = vector.broadcast %eq3A_302 : i32 to vector<16xi32>
        %eq3A_304 = arith.cmpi eq, %iota3A, %eq3A_303 : vector<16xi32>
        %broadcast_in_dim3A_305 = vector.broadcast %reduce_sum3A_301 : f32 to vector<16xf32>
        %select_n3A_306 = arith.select %eq3A_304, %broadcast_in_dim3A_305, %select_n3A_219 : vector<16xi1>, vector<16xf32>
        %mul3A_307 = arith.constant 16 : i32
        %mul3A_308 = arith.muli %scan3A_47, %mul3A_307 : i32
        %add3A_309 = arith.constant 3 : i32
        %add3A_310 = arith.addi %mul3A_308, %add3A_309 : i32
        %broadcast_in_dim3A_311 = arith.constant 0.000000e+00 : f32
        %broadcast_in_dim3A_312 = vector.broadcast %broadcast_in_dim3A_311 : f32 to vector<16xf32>
        %get3A_313 = arith.index_cast %add3A_310 : i32 to index
        %get3A_314 = arith.constant 0 : index
        %get3A_315 = tpu.vector_load %arg12[%get3A_313, %get3A_314] {strides = array<i32>} : memref<128x64xf32, #tpu.memory_space<vmem>>, vector<16xf32>,
        %get3A_316 = arith.index_cast %add3A_310 : i32 to index
        %get3A_317 = arith.constant 0 : index
        %get3A_318 = tpu.vector_load %arg13[%get3A_316, %get3A_317] {strides = array<i32>} : memref<128x64xf32, #tpu.memory_space<vmem>>, vector<16xf32>,
        %get3A_319 = arith.index_cast %add3A_310 : i32 to index
        %get3A_320 = arith.constant 0 : index
        %get3A_321 = tpu.vector_load %arg14[%get3A_319, %get3A_320] {strides = array<i32>} : memref<128x64xf32, #tpu.memory_space<vmem>>, vector<16xf32>,
        %sub3A_322 = arith.subf %get3A_318, %get3A_321 : vector<16xf32>
        %mul3A_323 = arith.mulf %get3A_315, %sub3A_322 : vector<16xf32>
        %add3A_324 = arith.addf %broadcast_in_dim3A_312, %mul3A_323 : vector<16xf32>
        %mul3A_325 = arith.mulf %get3A_315, %get3A_315 : vector<16xf32>
        %mul3A_326 = arith.mulf %get3A_318, %get3A_318 : vector<16xf32>
        %mul3A_327 = arith.mulf %get3A_321, %get3A_321 : vector<16xf32>
        %add3A_328 = arith.addf %mul3A_326, %mul3A_327 : vector<16xf32>
        %add3A_329 = arith.addf %mul3A_325, %add3A_328 : vector<16xf32>
        %add3A_330 = arith.addf %add3A_297, %add3A_329 : vector<16xf32>
        %get3A_331 = arith.index_cast %add3A_310 : i32 to index
        %get3A_332 = arith.constant 16 : index
        %get3A_333 = tpu.vector_load %arg12[%get3A_331, %get3A_332] {strides = array<i32>} : memref<128x64xf32, #tpu.memory_space<vmem>>, vector<16xf32>,
        %get3A_334 = arith.index_cast %add3A_310 : i32 to index
        %get3A_335 = arith.constant 16 : index
        %get3A_336 = tpu.vector_load %arg13[%get3A_334, %get3A_335] {strides = array<i32>} : memref<128x64xf32, #tpu.memory_space<vmem>>, vector<16xf32>,
        %get3A_337 = arith.index_cast %add3A_310 : i32 to index
        %get3A_338 = arith.constant 16 : index
        %get3A_339 = tpu.vector_load %arg14[%get3A_337, %get3A_338] {strides = array<i32>} : memref<128x64xf32, #tpu.memory_space<vmem>>, vector<16xf32>,
        %sub3A_340 = arith.subf %get3A_336, %get3A_339 : vector<16xf32>
        %mul3A_341 = arith.mulf %get3A_333, %sub3A_340 : vector<16xf32>
        %add3A_342 = arith.addf %add3A_324, %mul3A_341 : vector<16xf32>
        %mul3A_343 = arith.mulf %get3A_333, %get3A_333 : vector<16xf32>
        %mul3A_344 = arith.mulf %get3A_336, %get3A_336 : vector<16xf32>
        %mul3A_345 = arith.mulf %get3A_339, %get3A_339 : vector<16xf32>
        %add3A_346 = arith.addf %mul3A_344, %mul3A_345 : vector<16xf32>
        %add3A_347 = arith.addf %mul3A_343, %add3A_346 : vector<16xf32>
        %add3A_348 = arith.addf %add3A_330, %add3A_347 : vector<16xf32>
        %get3A_349 = arith.index_cast %add3A_310 : i32 to index
        %get3A_350 = arith.constant 32 : index
        %get3A_351 = tpu.vector_load %arg12[%get3A_349, %get3A_350] {strides = array<i32>} : memref<128x64xf32, #tpu.memory_space<vmem>>, vector<16xf32>,
        %get3A_352 = arith.index_cast %add3A_310 : i32 to index
        %get3A_353 = arith.constant 32 : index
        %get3A_354 = tpu.vector_load %arg13[%get3A_352, %get3A_353] {strides = array<i32>} : memref<128x64xf32, #tpu.memory_space<vmem>>, vector<16xf32>,
        %get3A_355 = arith.index_cast %add3A_310 : i32 to index
        %get3A_356 = arith.constant 32 : index
        %get3A_357 = tpu.vector_load %arg14[%get3A_355, %get3A_356] {strides = array<i32>} : memref<128x64xf32, #tpu.memory_space<vmem>>, vector<16xf32>,
        %sub3A_358 = arith.subf %get3A_354, %get3A_357 : vector<16xf32>
        %mul3A_359 = arith.mulf %get3A_351, %sub3A_358 : vector<16xf32>
        %add3A_360 = arith.addf %add3A_342, %mul3A_359 : vector<16xf32>
        %mul3A_361 = arith.mulf %get3A_351, %get3A_351 : vector<16xf32>
        %mul3A_362 = arith.mulf %get3A_354, %get3A_354 : vector<16xf32>
        %mul3A_363 = arith.mulf %get3A_357, %get3A_357 : vector<16xf32>
        %add3A_364 = arith.addf %mul3A_362, %mul3A_363 : vector<16xf32>
        %add3A_365 = arith.addf %mul3A_361, %add3A_364 : vector<16xf32>
        %add3A_366 = arith.addf %add3A_348, %add3A_365 : vector<16xf32>
        %get3A_367 = arith.index_cast %add3A_310 : i32 to index
        %get3A_368 = arith.constant 48 : index
        %get3A_369 = tpu.vector_load %arg12[%get3A_367, %get3A_368] {strides = array<i32>} : memref<128x64xf32, #tpu.memory_space<vmem>>, vector<16xf32>,
        %get3A_370 = arith.index_cast %add3A_310 : i32 to index
        %get3A_371 = arith.constant 48 : index
        %get3A_372 = tpu.vector_load %arg13[%get3A_370, %get3A_371] {strides = array<i32>} : memref<128x64xf32, #tpu.memory_space<vmem>>, vector<16xf32>,
        %get3A_373 = arith.index_cast %add3A_310 : i32 to index
        %get3A_374 = arith.constant 48 : index
        %get3A_375 = tpu.vector_load %arg14[%get3A_373, %get3A_374] {strides = array<i32>} : memref<128x64xf32, #tpu.memory_space<vmem>>, vector<16xf32>,
        %sub3A_376 = arith.subf %get3A_372, %get3A_375 : vector<16xf32>
        %mul3A_377 = arith.mulf %get3A_369, %sub3A_376 : vector<16xf32>
        %add3A_378 = arith.addf %add3A_360, %mul3A_377 : vector<16xf32>
        %mul3A_379 = arith.mulf %get3A_369, %get3A_369 : vector<16xf32>
        %mul3A_380 = arith.mulf %get3A_372, %get3A_372 : vector<16xf32>
        %mul3A_381 = arith.mulf %get3A_375, %get3A_375 : vector<16xf32>
        %add3A_382 = arith.addf %mul3A_380, %mul3A_381 : vector<16xf32>
        %add3A_383 = arith.addf %mul3A_379, %add3A_382 : vector<16xf32>
        %add3A_384 = arith.addf %add3A_366, %add3A_383 : vector<16xf32>
        %reduce_sum3A_385 = arith.constant true
        %reduce_sum3A_386 = vector.broadcast %reduce_sum3A_385 : i1 to vector<16xi1>
        %reduce_sum3A_387 = tpu.scan <sum>, %add3A_378 masked %reduce_sum3A_386 : vector<16xf32>, vector<16xi1> -> vector<16xf32>
        %reduce_sum3A_388 = vector.extract %reduce_sum3A_387[15] : f32 from vector<16xf32>
        %eq3A_389 = arith.constant 3 : i32
        %eq3A_390 = vector.broadcast %eq3A_389 : i32 to vector<16xi32>
        %eq3A_391 = arith.cmpi eq, %iota3A, %eq3A_390 : vector<16xi32>
        %broadcast_in_dim3A_392 = vector.broadcast %reduce_sum3A_388 : f32 to vector<16xf32>
        %select_n3A_393 = arith.select %eq3A_391, %broadcast_in_dim3A_392, %select_n3A_306 : vector<16xi1>, vector<16xf32>
        %mul3A_394 = arith.constant 16 : i32
        %mul3A_395 = arith.muli %scan3A_47, %mul3A_394 : i32
        %add3A_396 = arith.constant 4 : i32
        %add3A_397 = arith.addi %mul3A_395, %add3A_396 : i32
        %broadcast_in_dim3A_398 = arith.constant 0.000000e+00 : f32
        %broadcast_in_dim3A_399 = vector.broadcast %broadcast_in_dim3A_398 : f32 to vector<16xf32>
        %get3A_400 = arith.index_cast %add3A_397 : i32 to index
        %get3A_401 = arith.constant 0 : index
        %get3A_402 = tpu.vector_load %arg12[%get3A_400, %get3A_401] {strides = array<i32>} : memref<128x64xf32, #tpu.memory_space<vmem>>, vector<16xf32>,
        %get3A_403 = arith.index_cast %add3A_397 : i32 to index
        %get3A_404 = arith.constant 0 : index
        %get3A_405 = tpu.vector_load %arg13[%get3A_403, %get3A_404] {strides = array<i32>} : memref<128x64xf32, #tpu.memory_space<vmem>>, vector<16xf32>,
        %get3A_406 = arith.index_cast %add3A_397 : i32 to index
        %get3A_407 = arith.constant 0 : index
        %get3A_408 = tpu.vector_load %arg14[%get3A_406, %get3A_407] {strides = array<i32>} : memref<128x64xf32, #tpu.memory_space<vmem>>, vector<16xf32>,
        %sub3A_409 = arith.subf %get3A_405, %get3A_408 : vector<16xf32>
        %mul3A_410 = arith.mulf %get3A_402, %sub3A_409 : vector<16xf32>
        %add3A_411 = arith.addf %broadcast_in_dim3A_399, %mul3A_410 : vector<16xf32>
        %mul3A_412 = arith.mulf %get3A_402, %get3A_402 : vector<16xf32>
        %mul3A_413 = arith.mulf %get3A_405, %get3A_405 : vector<16xf32>
        %mul3A_414 = arith.mulf %get3A_408, %get3A_408 : vector<16xf32>
        %add3A_415 = arith.addf %mul3A_413, %mul3A_414 : vector<16xf32>
        %add3A_416 = arith.addf %mul3A_412, %add3A_415 : vector<16xf32>
        %add3A_417 = arith.addf %add3A_384, %add3A_416 : vector<16xf32>
        %get3A_418 = arith.index_cast %add3A_397 : i32 to index
        %get3A_419 = arith.constant 16 : index
        %get3A_420 = tpu.vector_load %arg12[%get3A_418, %get3A_419] {strides = array<i32>} : memref<128x64xf32, #tpu.memory_space<vmem>>, vector<16xf32>,
        %get3A_421 = arith.index_cast %add3A_397 : i32 to index
        %get3A_422 = arith.constant 16 : index
        %get3A_423 = tpu.vector_load %arg13[%get3A_421, %get3A_422] {strides = array<i32>} : memref<128x64xf32, #tpu.memory_space<vmem>>, vector<16xf32>,
        %get3A_424 = arith.index_cast %add3A_397 : i32 to index
        %get3A_425 = arith.constant 16 : index
        %get3A_426 = tpu.vector_load %arg14[%get3A_424, %get3A_425] {strides = array<i32>} : memref<128x64xf32, #tpu.memory_space<vmem>>, vector<16xf32>,
        %sub3A_427 = arith.subf %get3A_423, %get3A_426 : vector<16xf32>
        %mul3A_428 = arith.mulf %get3A_420, %sub3A_427 : vector<16xf32>
        %add3A_429 = arith.addf %add3A_411, %mul3A_428 : vector<16xf32>
        %mul3A_430 = arith.mulf %get3A_420, %get3A_420 : vector<16xf32>
        %mul3A_431 = arith.mulf %get3A_423, %get3A_423 : vector<16xf32>
        %mul3A_432 = arith.mulf %get3A_426, %get3A_426 : vector<16xf32>
        %add3A_433 = arith.addf %mul3A_431, %mul3A_432 : vector<16xf32>
        %add3A_434 = arith.addf %mul3A_430, %add3A_433 : vector<16xf32>
        %add3A_435 = arith.addf %add3A_417, %add3A_434 : vector<16xf32>
        %get3A_436 = arith.index_cast %add3A_397 : i32 to index
        %get3A_437 = arith.constant 32 : index
        %get3A_438 = tpu.vector_load %arg12[%get3A_436, %get3A_437] {strides = array<i32>} : memref<128x64xf32, #tpu.memory_space<vmem>>, vector<16xf32>,
        %get3A_439 = arith.index_cast %add3A_397 : i32 to index
        %get3A_440 = arith.constant 32 : index
        %get3A_441 = tpu.vector_load %arg13[%get3A_439, %get3A_440] {strides = array<i32>} : memref<128x64xf32, #tpu.memory_space<vmem>>, vector<16xf32>,
        %get3A_442 = arith.index_cast %add3A_397 : i32 to index
        %get3A_443 = arith.constant 32 : index
        %get3A_444 = tpu.vector_load %arg14[%get3A_442, %get3A_443] {strides = array<i32>} : memref<128x64xf32, #tpu.memory_space<vmem>>, vector<16xf32>,
        %sub3A_445 = arith.subf %get3A_441, %get3A_444 : vector<16xf32>
        %mul3A_446 = arith.mulf %get3A_438, %sub3A_445 : vector<16xf32>
        %add3A_447 = arith.addf %add3A_429, %mul3A_446 : vector<16xf32>
        %mul3A_448 = arith.mulf %get3A_438, %get3A_438 : vector<16xf32>
        %mul3A_449 = arith.mulf %get3A_441, %get3A_441 : vector<16xf32>
        %mul3A_450 = arith.mulf %get3A_444, %get3A_444 : vector<16xf32>
        %add3A_451 = arith.addf %mul3A_449, %mul3A_450 : vector<16xf32>
        %add3A_452 = arith.addf %mul3A_448, %add3A_451 : vector<16xf32>
        %add3A_453 = arith.addf %add3A_435, %add3A_452 : vector<16xf32>
        %get3A_454 = arith.index_cast %add3A_397 : i32 to index
        %get3A_455 = arith.constant 48 : index
        %get3A_456 = tpu.vector_load %arg12[%get3A_454, %get3A_455] {strides = array<i32>} : memref<128x64xf32, #tpu.memory_space<vmem>>, vector<16xf32>,
        %get3A_457 = arith.index_cast %add3A_397 : i32 to index
        %get3A_458 = arith.constant 48 : index
        %get3A_459 = tpu.vector_load %arg13[%get3A_457, %get3A_458] {strides = array<i32>} : memref<128x64xf32, #tpu.memory_space<vmem>>, vector<16xf32>,
        %get3A_460 = arith.index_cast %add3A_397 : i32 to index
        %get3A_461 = arith.constant 48 : index
        %get3A_462 = tpu.vector_load %arg14[%get3A_460, %get3A_461] {strides = array<i32>} : memref<128x64xf32, #tpu.memory_space<vmem>>, vector<16xf32>,
        %sub3A_463 = arith.subf %get3A_459, %get3A_462 : vector<16xf32>
        %mul3A_464 = arith.mulf %get3A_456, %sub3A_463 : vector<16xf32>
        %add3A_465 = arith.addf %add3A_447, %mul3A_464 : vector<16xf32>
        %mul3A_466 = arith.mulf %get3A_456, %get3A_456 : vector<16xf32>
        %mul3A_467 = arith.mulf %get3A_459, %get3A_459 : vector<16xf32>
        %mul3A_468 = arith.mulf %get3A_462, %get3A_462 : vector<16xf32>
        %add3A_469 = arith.addf %mul3A_467, %mul3A_468 : vector<16xf32>
        %add3A_470 = arith.addf %mul3A_466, %add3A_469 : vector<16xf32>
        %add3A_471 = arith.addf %add3A_453, %add3A_470 : vector<16xf32>
        %reduce_sum3A_472 = arith.constant true
        %reduce_sum3A_473 = vector.broadcast %reduce_sum3A_472 : i1 to vector<16xi1>
        %reduce_sum3A_474 = tpu.scan <sum>, %add3A_465 masked %reduce_sum3A_473 : vector<16xf32>, vector<16xi1> -> vector<16xf32>
        %reduce_sum3A_475 = vector.extract %reduce_sum3A_474[15] : f32 from vector<16xf32>
        %eq3A_476 = arith.constant 4 : i32
        %eq3A_477 = vector.broadcast %eq3A_476 : i32 to vector<16xi32>
        %eq3A_478 = arith.cmpi eq, %iota3A, %eq3A_477 : vector<16xi32>
        %broadcast_in_dim3A_479 = vector.broadcast %reduce_sum3A_475 : f32 to vector<16xf32>
        %select_n3A_480 = arith.select %eq3A_478, %broadcast_in_dim3A_479, %select_n3A_393 : vector<16xi1>, vector<16xf32>
        %mul3A_481 = arith.constant 16 : i32
        %mul3A_482 = arith.muli %scan3A_47, %mul3A_481 : i32
        %add3A_483 = arith.constant 5 : i32
        %add3A_484 = arith.addi %mul3A_482, %add3A_483 : i32
        %broadcast_in_dim3A_485 = arith.constant 0.000000e+00 : f32
        %broadcast_in_dim3A_486 = vector.broadcast %broadcast_in_dim3A_485 : f32 to vector<16xf32>
        %get3A_487 = arith.index_cast %add3A_484 : i32 to index
        %get3A_488 = arith.constant 0 : index
        %get3A_489 = tpu.vector_load %arg12[%get3A_487, %get3A_488] {strides = array<i32>} : memref<128x64xf32, #tpu.memory_space<vmem>>, vector<16xf32>,
        %get3A_490 = arith.index_cast %add3A_484 : i32 to index
        %get3A_491 = arith.constant 0 : index
        %get3A_492 = tpu.vector_load %arg13[%get3A_490, %get3A_491] {strides = array<i32>} : memref<128x64xf32, #tpu.memory_space<vmem>>, vector<16xf32>,
        %get3A_493 = arith.index_cast %add3A_484 : i32 to index
        %get3A_494 = arith.constant 0 : index
        %get3A_495 = tpu.vector_load %arg14[%get3A_493, %get3A_494] {strides = array<i32>} : memref<128x64xf32, #tpu.memory_space<vmem>>, vector<16xf32>,
        %sub3A_496 = arith.subf %get3A_492, %get3A_495 : vector<16xf32>
        %mul3A_497 = arith.mulf %get3A_489, %sub3A_496 : vector<16xf32>
        %add3A_498 = arith.addf %broadcast_in_dim3A_486, %mul3A_497 : vector<16xf32>
        %mul3A_499 = arith.mulf %get3A_489, %get3A_489 : vector<16xf32>
        %mul3A_500 = arith.mulf %get3A_492, %get3A_492 : vector<16xf32>
        %mul3A_501 = arith.mulf %get3A_495, %get3A_495 : vector<16xf32>
        %add3A_502 = arith.addf %mul3A_500, %mul3A_501 : vector<16xf32>
        %add3A_503 = arith.addf %mul3A_499, %add3A_502 : vector<16xf32>
        %add3A_504 = arith.addf %add3A_471, %add3A_503 : vector<16xf32>
        %get3A_505 = arith.index_cast %add3A_484 : i32 to index
        %get3A_506 = arith.constant 16 : index
        %get3A_507 = tpu.vector_load %arg12[%get3A_505, %get3A_506] {strides = array<i32>} : memref<128x64xf32, #tpu.memory_space<vmem>>, vector<16xf32>,
        %get3A_508 = arith.index_cast %add3A_484 : i32 to index
        %get3A_509 = arith.constant 16 : index
        %get3A_510 = tpu.vector_load %arg13[%get3A_508, %get3A_509] {strides = array<i32>} : memref<128x64xf32, #tpu.memory_space<vmem>>, vector<16xf32>,
        %get3A_511 = arith.index_cast %add3A_484 : i32 to index
        %get3A_512 = arith.constant 16 : index
        %get3A_513 = tpu.vector_load %arg14[%get3A_511, %get3A_512] {strides = array<i32>} : memref<128x64xf32, #tpu.memory_space<vmem>>, vector<16xf32>,
        %sub3A_514 = arith.subf %get3A_510, %get3A_513 : vector<16xf32>
        %mul3A_515 = arith.mulf %get3A_507, %sub3A_514 : vector<16xf32>
        %add3A_516 = arith.addf %add3A_498, %mul3A_515 : vector<16xf32>
        %mul3A_517 = arith.mulf %get3A_507, %get3A_507 : vector<16xf32>
        %mul3A_518 = arith.mulf %get3A_510, %get3A_510 : vector<16xf32>
        %mul3A_519 = arith.mulf %get3A_513, %get3A_513 : vector<16xf32>
        %add3A_520 = arith.addf %mul3A_518, %mul3A_519 : vector<16xf32>
        %add3A_521 = arith.addf %mul3A_517, %add3A_520 : vector<16xf32>
        %add3A_522 = arith.addf %add3A_504, %add3A_521 : vector<16xf32>
        %get3A_523 = arith.index_cast %add3A_484 : i32 to index
        %get3A_524 = arith.constant 32 : index
        %get3A_525 = tpu.vector_load %arg12[%get3A_523, %get3A_524] {strides = array<i32>} : memref<128x64xf32, #tpu.memory_space<vmem>>, vector<16xf32>,
        %get3A_526 = arith.index_cast %add3A_484 : i32 to index
        %get3A_527 = arith.constant 32 : index
        %get3A_528 = tpu.vector_load %arg13[%get3A_526, %get3A_527] {strides = array<i32>} : memref<128x64xf32, #tpu.memory_space<vmem>>, vector<16xf32>,
        %get3A_529 = arith.index_cast %add3A_484 : i32 to index
        %get3A_530 = arith.constant 32 : index
        %get3A_531 = tpu.vector_load %arg14[%get3A_529, %get3A_530] {strides = array<i32>} : memref<128x64xf32, #tpu.memory_space<vmem>>, vector<16xf32>,
        %sub3A_532 = arith.subf %get3A_528, %get3A_531 : vector<16xf32>
        %mul3A_533 = arith.mulf %get3A_525, %sub3A_532 : vector<16xf32>
        %add3A_534 = arith.addf %add3A_516, %mul3A_533 : vector<16xf32>
        %mul3A_535 = arith.mulf %get3A_525, %get3A_525 : vector<16xf32>
        %mul3A_536 = arith.mulf %get3A_528, %get3A_528 : vector<16xf32>
        %mul3A_537 = arith.mulf %get3A_531, %get3A_531 : vector<16xf32>
        %add3A_538 = arith.addf %mul3A_536, %mul3A_537 : vector<16xf32>
        %add3A_539 = arith.addf %mul3A_535, %add3A_538 : vector<16xf32>
        %add3A_540 = arith.addf %add3A_522, %add3A_539 : vector<16xf32>
        %get3A_541 = arith.index_cast %add3A_484 : i32 to index
        %get3A_542 = arith.constant 48 : index
        %get3A_543 = tpu.vector_load %arg12[%get3A_541, %get3A_542] {strides = array<i32>} : memref<128x64xf32, #tpu.memory_space<vmem>>, vector<16xf32>,
        %get3A_544 = arith.index_cast %add3A_484 : i32 to index
        %get3A_545 = arith.constant 48 : index
        %get3A_546 = tpu.vector_load %arg13[%get3A_544, %get3A_545] {strides = array<i32>} : memref<128x64xf32, #tpu.memory_space<vmem>>, vector<16xf32>,
        %get3A_547 = arith.index_cast %add3A_484 : i32 to index
        %get3A_548 = arith.constant 48 : index
        %get3A_549 = tpu.vector_load %arg14[%get3A_547, %get3A_548] {strides = array<i32>} : memref<128x64xf32, #tpu.memory_space<vmem>>, vector<16xf32>,
        %sub3A_550 = arith.subf %get3A_546, %get3A_549 : vector<16xf32>
        %mul3A_551 = arith.mulf %get3A_543, %sub3A_550 : vector<16xf32>
        %add3A_552 = arith.addf %add3A_534, %mul3A_551 : vector<16xf32>
        %mul3A_553 = arith.mulf %get3A_543, %get3A_543 : vector<16xf32>
        %mul3A_554 = arith.mulf %get3A_546, %get3A_546 : vector<16xf32>
        %mul3A_555 = arith.mulf %get3A_549, %get3A_549 : vector<16xf32>
        %add3A_556 = arith.addf %mul3A_554, %mul3A_555 : vector<16xf32>
        %add3A_557 = arith.addf %mul3A_553, %add3A_556 : vector<16xf32>
        %add3A_558 = arith.addf %add3A_540, %add3A_557 : vector<16xf32>
        %reduce_sum3A_559 = arith.constant true
        %reduce_sum3A_560 = vector.broadcast %reduce_sum3A_559 : i1 to vector<16xi1>
        %reduce_sum3A_561 = tpu.scan <sum>, %add3A_552 masked %reduce_sum3A_560 : vector<16xf32>, vector<16xi1> -> vector<16xf32>
        %reduce_sum3A_562 = vector.extract %reduce_sum3A_561[15] : f32 from vector<16xf32>
        %eq3A_563 = arith.constant 5 : i32
        %eq3A_564 = vector.broadcast %eq3A_563 : i32 to vector<16xi32>
        %eq3A_565 = arith.cmpi eq, %iota3A, %eq3A_564 : vector<16xi32>
        %broadcast_in_dim3A_566 = vector.broadcast %reduce_sum3A_562 : f32 to vector<16xf32>
        %select_n3A_567 = arith.select %eq3A_565, %broadcast_in_dim3A_566, %select_n3A_480 : vector<16xi1>, vector<16xf32>
        %mul3A_568 = arith.constant 16 : i32
        %mul3A_569 = arith.muli %scan3A_47, %mul3A_568 : i32
        %add3A_570 = arith.constant 6 : i32
        %add3A_571 = arith.addi %mul3A_569, %add3A_570 : i32
        %broadcast_in_dim3A_572 = arith.constant 0.000000e+00 : f32
        %broadcast_in_dim3A_573 = vector.broadcast %broadcast_in_dim3A_572 : f32 to vector<16xf32>
        %get3A_574 = arith.index_cast %add3A_571 : i32 to index
        %get3A_575 = arith.constant 0 : index
        %get3A_576 = tpu.vector_load %arg12[%get3A_574, %get3A_575] {strides = array<i32>} : memref<128x64xf32, #tpu.memory_space<vmem>>, vector<16xf32>,
        %get3A_577 = arith.index_cast %add3A_571 : i32 to index
        %get3A_578 = arith.constant 0 : index
        %get3A_579 = tpu.vector_load %arg13[%get3A_577, %get3A_578] {strides = array<i32>} : memref<128x64xf32, #tpu.memory_space<vmem>>, vector<16xf32>,
        %get3A_580 = arith.index_cast %add3A_571 : i32 to index
        %get3A_581 = arith.constant 0 : index
        %get3A_582 = tpu.vector_load %arg14[%get3A_580, %get3A_581] {strides = array<i32>} : memref<128x64xf32, #tpu.memory_space<vmem>>, vector<16xf32>,
        %sub3A_583 = arith.subf %get3A_579, %get3A_582 : vector<16xf32>
        %mul3A_584 = arith.mulf %get3A_576, %sub3A_583 : vector<16xf32>
        %add3A_585 = arith.addf %broadcast_in_dim3A_573, %mul3A_584 : vector<16xf32>
        %mul3A_586 = arith.mulf %get3A_576, %get3A_576 : vector<16xf32>
        %mul3A_587 = arith.mulf %get3A_579, %get3A_579 : vector<16xf32>
        %mul3A_588 = arith.mulf %get3A_582, %get3A_582 : vector<16xf32>
        %add3A_589 = arith.addf %mul3A_587, %mul3A_588 : vector<16xf32>
        %add3A_590 = arith.addf %mul3A_586, %add3A_589 : vector<16xf32>
        %add3A_591 = arith.addf %add3A_558, %add3A_590 : vector<16xf32>
        %get3A_592 = arith.index_cast %add3A_571 : i32 to index
        %get3A_593 = arith.constant 16 : index
        %get3A_594 = tpu.vector_load %arg12[%get3A_592, %get3A_593] {strides = array<i32>} : memref<128x64xf32, #tpu.memory_space<vmem>>, vector<16xf32>,
        %get3A_595 = arith.index_cast %add3A_571 : i32 to index
        %get3A_596 = arith.constant 16 : index
        %get3A_597 = tpu.vector_load %arg13[%get3A_595, %get3A_596] {strides = array<i32>} : memref<128x64xf32, #tpu.memory_space<vmem>>, vector<16xf32>,
        %get3A_598 = arith.index_cast %add3A_571 : i32 to index
        %get3A_599 = arith.constant 16 : index
        %get3A_600 = tpu.vector_load %arg14[%get3A_598, %get3A_599] {strides = array<i32>} : memref<128x64xf32, #tpu.memory_space<vmem>>, vector<16xf32>,
        %sub3A_601 = arith.subf %get3A_597, %get3A_600 : vector<16xf32>
        %mul3A_602 = arith.mulf %get3A_594, %sub3A_601 : vector<16xf32>
        %add3A_603 = arith.addf %add3A_585, %mul3A_602 : vector<16xf32>
        %mul3A_604 = arith.mulf %get3A_594, %get3A_594 : vector<16xf32>
        %mul3A_605 = arith.mulf %get3A_597, %get3A_597 : vector<16xf32>
        %mul3A_606 = arith.mulf %get3A_600, %get3A_600 : vector<16xf32>
        %add3A_607 = arith.addf %mul3A_605, %mul3A_606 : vector<16xf32>
        %add3A_608 = arith.addf %mul3A_604, %add3A_607 : vector<16xf32>
        %add3A_609 = arith.addf %add3A_591, %add3A_608 : vector<16xf32>
        %get3A_610 = arith.index_cast %add3A_571 : i32 to index
        %get3A_611 = arith.constant 32 : index
        %get3A_612 = tpu.vector_load %arg12[%get3A_610, %get3A_611] {strides = array<i32>} : memref<128x64xf32, #tpu.memory_space<vmem>>, vector<16xf32>,
        %get3A_613 = arith.index_cast %add3A_571 : i32 to index
        %get3A_614 = arith.constant 32 : index
        %get3A_615 = tpu.vector_load %arg13[%get3A_613, %get3A_614] {strides = array<i32>} : memref<128x64xf32, #tpu.memory_space<vmem>>, vector<16xf32>,
        %get3A_616 = arith.index_cast %add3A_571 : i32 to index
        %get3A_617 = arith.constant 32 : index
        %get3A_618 = tpu.vector_load %arg14[%get3A_616, %get3A_617] {strides = array<i32>} : memref<128x64xf32, #tpu.memory_space<vmem>>, vector<16xf32>,
        %sub3A_619 = arith.subf %get3A_615, %get3A_618 : vector<16xf32>
        %mul3A_620 = arith.mulf %get3A_612, %sub3A_619 : vector<16xf32>
        %add3A_621 = arith.addf %add3A_603, %mul3A_620 : vector<16xf32>
        %mul3A_622 = arith.mulf %get3A_612, %get3A_612 : vector<16xf32>
        %mul3A_623 = arith.mulf %get3A_615, %get3A_615 : vector<16xf32>
        %mul3A_624 = arith.mulf %get3A_618, %get3A_618 : vector<16xf32>
        %add3A_625 = arith.addf %mul3A_623, %mul3A_624 : vector<16xf32>
        %add3A_626 = arith.addf %mul3A_622, %add3A_625 : vector<16xf32>
        %add3A_627 = arith.addf %add3A_609, %add3A_626 : vector<16xf32>
        %get3A_628 = arith.index_cast %add3A_571 : i32 to index
        %get3A_629 = arith.constant 48 : index
        %get3A_630 = tpu.vector_load %arg12[%get3A_628, %get3A_629] {strides = array<i32>} : memref<128x64xf32, #tpu.memory_space<vmem>>, vector<16xf32>,
        %get3A_631 = arith.index_cast %add3A_571 : i32 to index
        %get3A_632 = arith.constant 48 : index
        %get3A_633 = tpu.vector_load %arg13[%get3A_631, %get3A_632] {strides = array<i32>} : memref<128x64xf32, #tpu.memory_space<vmem>>, vector<16xf32>,
        %get3A_634 = arith.index_cast %add3A_571 : i32 to index
        %get3A_635 = arith.constant 48 : index
        %get3A_636 = tpu.vector_load %arg14[%get3A_634, %get3A_635] {strides = array<i32>} : memref<128x64xf32, #tpu.memory_space<vmem>>, vector<16xf32>,
        %sub3A_637 = arith.subf %get3A_633, %get3A_636 : vector<16xf32>
        %mul3A_638 = arith.mulf %get3A_630, %sub3A_637 : vector<16xf32>
        %add3A_639 = arith.addf %add3A_621, %mul3A_638 : vector<16xf32>
        %mul3A_640 = arith.mulf %get3A_630, %get3A_630 : vector<16xf32>
        %mul3A_641 = arith.mulf %get3A_633, %get3A_633 : vector<16xf32>
        %mul3A_642 = arith.mulf %get3A_636, %get3A_636 : vector<16xf32>
        %add3A_643 = arith.addf %mul3A_641, %mul3A_642 : vector<16xf32>
        %add3A_644 = arith.addf %mul3A_640, %add3A_643 : vector<16xf32>
        %add3A_645 = arith.addf %add3A_627, %add3A_644 : vector<16xf32>
        %reduce_sum3A_646 = arith.constant true
        %reduce_sum3A_647 = vector.broadcast %reduce_sum3A_646 : i1 to vector<16xi1>
        %reduce_sum3A_648 = tpu.scan <sum>, %add3A_639 masked %reduce_sum3A_647 : vector<16xf32>, vector<16xi1> -> vector<16xf32>
        %reduce_sum3A_649 = vector.extract %reduce_sum3A_648[15] : f32 from vector<16xf32>
        %eq3A_650 = arith.constant 6 : i32
        %eq3A_651 = vector.broadcast %eq3A_650 : i32 to vector<16xi32>
        %eq3A_652 = arith.cmpi eq, %iota3A, %eq3A_651 : vector<16xi32>
        %broadcast_in_dim3A_653 = vector.broadcast %reduce_sum3A_649 : f32 to vector<16xf32>
        %select_n3A_654 = arith.select %eq3A_652, %broadcast_in_dim3A_653, %select_n3A_567 : vector<16xi1>, vector<16xf32>
        %mul3A_655 = arith.constant 16 : i32
        %mul3A_656 = arith.muli %scan3A_47, %mul3A_655 : i32
        %add3A_657 = arith.constant 7 : i32
        %add3A_658 = arith.addi %mul3A_656, %add3A_657 : i32
        %broadcast_in_dim3A_659 = arith.constant 0.000000e+00 : f32
        %broadcast_in_dim3A_660 = vector.broadcast %broadcast_in_dim3A_659 : f32 to vector<16xf32>
        %get3A_661 = arith.index_cast %add3A_658 : i32 to index
        %get3A_662 = arith.constant 0 : index
        %get3A_663 = tpu.vector_load %arg12[%get3A_661, %get3A_662] {strides = array<i32>} : memref<128x64xf32, #tpu.memory_space<vmem>>, vector<16xf32>,
        %get3A_664 = arith.index_cast %add3A_658 : i32 to index
        %get3A_665 = arith.constant 0 : index
        %get3A_666 = tpu.vector_load %arg13[%get3A_664, %get3A_665] {strides = array<i32>} : memref<128x64xf32, #tpu.memory_space<vmem>>, vector<16xf32>,
        %get3A_667 = arith.index_cast %add3A_658 : i32 to index
        %get3A_668 = arith.constant 0 : index
        %get3A_669 = tpu.vector_load %arg14[%get3A_667, %get3A_668] {strides = array<i32>} : memref<128x64xf32, #tpu.memory_space<vmem>>, vector<16xf32>,
        %sub3A_670 = arith.subf %get3A_666, %get3A_669 : vector<16xf32>
        %mul3A_671 = arith.mulf %get3A_663, %sub3A_670 : vector<16xf32>
        %add3A_672 = arith.addf %broadcast_in_dim3A_660, %mul3A_671 : vector<16xf32>
        %mul3A_673 = arith.mulf %get3A_663, %get3A_663 : vector<16xf32>
        %mul3A_674 = arith.mulf %get3A_666, %get3A_666 : vector<16xf32>
        %mul3A_675 = arith.mulf %get3A_669, %get3A_669 : vector<16xf32>
        %add3A_676 = arith.addf %mul3A_674, %mul3A_675 : vector<16xf32>
        %add3A_677 = arith.addf %mul3A_673, %add3A_676 : vector<16xf32>
        %add3A_678 = arith.addf %add3A_645, %add3A_677 : vector<16xf32>
        %get3A_679 = arith.index_cast %add3A_658 : i32 to index
        %get3A_680 = arith.constant 16 : index
        %get3A_681 = tpu.vector_load %arg12[%get3A_679, %get3A_680] {strides = array<i32>} : memref<128x64xf32, #tpu.memory_space<vmem>>, vector<16xf32>,
        %get3A_682 = arith.index_cast %add3A_658 : i32 to index
        %get3A_683 = arith.constant 16 : index
        %get3A_684 = tpu.vector_load %arg13[%get3A_682, %get3A_683] {strides = array<i32>} : memref<128x64xf32, #tpu.memory_space<vmem>>, vector<16xf32>,
        %get3A_685 = arith.index_cast %add3A_658 : i32 to index
        %get3A_686 = arith.constant 16 : index
        %get3A_687 = tpu.vector_load %arg14[%get3A_685, %get3A_686] {strides = array<i32>} : memref<128x64xf32, #tpu.memory_space<vmem>>, vector<16xf32>,
        %sub3A_688 = arith.subf %get3A_684, %get3A_687 : vector<16xf32>
        %mul3A_689 = arith.mulf %get3A_681, %sub3A_688 : vector<16xf32>
        %add3A_690 = arith.addf %add3A_672, %mul3A_689 : vector<16xf32>
        %mul3A_691 = arith.mulf %get3A_681, %get3A_681 : vector<16xf32>
        %mul3A_692 = arith.mulf %get3A_684, %get3A_684 : vector<16xf32>
        %mul3A_693 = arith.mulf %get3A_687, %get3A_687 : vector<16xf32>
        %add3A_694 = arith.addf %mul3A_692, %mul3A_693 : vector<16xf32>
        %add3A_695 = arith.addf %mul3A_691, %add3A_694 : vector<16xf32>
        %add3A_696 = arith.addf %add3A_678, %add3A_695 : vector<16xf32>
        %get3A_697 = arith.index_cast %add3A_658 : i32 to index
        %get3A_698 = arith.constant 32 : index
        %get3A_699 = tpu.vector_load %arg12[%get3A_697, %get3A_698] {strides = array<i32>} : memref<128x64xf32, #tpu.memory_space<vmem>>, vector<16xf32>,
        %get3A_700 = arith.index_cast %add3A_658 : i32 to index
        %get3A_701 = arith.constant 32 : index
        %get3A_702 = tpu.vector_load %arg13[%get3A_700, %get3A_701] {strides = array<i32>} : memref<128x64xf32, #tpu.memory_space<vmem>>, vector<16xf32>,
        %get3A_703 = arith.index_cast %add3A_658 : i32 to index
        %get3A_704 = arith.constant 32 : index
        %get3A_705 = tpu.vector_load %arg14[%get3A_703, %get3A_704] {strides = array<i32>} : memref<128x64xf32, #tpu.memory_space<vmem>>, vector<16xf32>,
        %sub3A_706 = arith.subf %get3A_702, %get3A_705 : vector<16xf32>
        %mul3A_707 = arith.mulf %get3A_699, %sub3A_706 : vector<16xf32>
        %add3A_708 = arith.addf %add3A_690, %mul3A_707 : vector<16xf32>
        %mul3A_709 = arith.mulf %get3A_699, %get3A_699 : vector<16xf32>
        %mul3A_710 = arith.mulf %get3A_702, %get3A_702 : vector<16xf32>
        %mul3A_711 = arith.mulf %get3A_705, %get3A_705 : vector<16xf32>
        %add3A_712 = arith.addf %mul3A_710, %mul3A_711 : vector<16xf32>
        %add3A_713 = arith.addf %mul3A_709, %add3A_712 : vector<16xf32>
        %add3A_714 = arith.addf %add3A_696, %add3A_713 : vector<16xf32>
        %get3A_715 = arith.index_cast %add3A_658 : i32 to index
        %get3A_716 = arith.constant 48 : index
        %get3A_717 = tpu.vector_load %arg12[%get3A_715, %get3A_716] {strides = array<i32>} : memref<128x64xf32, #tpu.memory_space<vmem>>, vector<16xf32>,
        %get3A_718 = arith.index_cast %add3A_658 : i32 to index
        %get3A_719 = arith.constant 48 : index
        %get3A_720 = tpu.vector_load %arg13[%get3A_718, %get3A_719] {strides = array<i32>} : memref<128x64xf32, #tpu.memory_space<vmem>>, vector<16xf32>,
        %get3A_721 = arith.index_cast %add3A_658 : i32 to index
        %get3A_722 = arith.constant 48 : index
        %get3A_723 = tpu.vector_load %arg14[%get3A_721, %get3A_722] {strides = array<i32>} : memref<128x64xf32, #tpu.memory_space<vmem>>, vector<16xf32>,
        %sub3A_724 = arith.subf %get3A_720, %get3A_723 : vector<16xf32>
        %mul3A_725 = arith.mulf %get3A_717, %sub3A_724 : vector<16xf32>
        %add3A_726 = arith.addf %add3A_708, %mul3A_725 : vector<16xf32>
        %mul3A_727 = arith.mulf %get3A_717, %get3A_717 : vector<16xf32>
        %mul3A_728 = arith.mulf %get3A_720, %get3A_720 : vector<16xf32>
        %mul3A_729 = arith.mulf %get3A_723, %get3A_723 : vector<16xf32>
        %add3A_730 = arith.addf %mul3A_728, %mul3A_729 : vector<16xf32>
        %add3A_731 = arith.addf %mul3A_727, %add3A_730 : vector<16xf32>
        %add3A_732 = arith.addf %add3A_714, %add3A_731 : vector<16xf32>
        %reduce_sum3A_733 = arith.constant true
        %reduce_sum3A_734 = vector.broadcast %reduce_sum3A_733 : i1 to vector<16xi1>
        %reduce_sum3A_735 = tpu.scan <sum>, %add3A_726 masked %reduce_sum3A_734 : vector<16xf32>, vector<16xi1> -> vector<16xf32>
        %reduce_sum3A_736 = vector.extract %reduce_sum3A_735[15] : f32 from vector<16xf32>
        %eq3A_737 = arith.constant 7 : i32
        %eq3A_738 = vector.broadcast %eq3A_737 : i32 to vector<16xi32>
        %eq3A_739 = arith.cmpi eq, %iota3A, %eq3A_738 : vector<16xi32>
        %broadcast_in_dim3A_740 = vector.broadcast %reduce_sum3A_736 : f32 to vector<16xf32>
        %select_n3A_741 = arith.select %eq3A_739, %broadcast_in_dim3A_740, %select_n3A_654 : vector<16xi1>, vector<16xf32>
        %mul3A_742 = arith.constant 16 : i32
        %mul3A_743 = arith.muli %scan3A_47, %mul3A_742 : i32
        %add3A_744 = arith.constant 8 : i32
        %add3A_745 = arith.addi %mul3A_743, %add3A_744 : i32
        %broadcast_in_dim3A_746 = arith.constant 0.000000e+00 : f32
        %broadcast_in_dim3A_747 = vector.broadcast %broadcast_in_dim3A_746 : f32 to vector<16xf32>
        %get3A_748 = arith.index_cast %add3A_745 : i32 to index
        %get3A_749 = arith.constant 0 : index
        %get3A_750 = tpu.vector_load %arg12[%get3A_748, %get3A_749] {strides = array<i32>} : memref<128x64xf32, #tpu.memory_space<vmem>>, vector<16xf32>,
        %get3A_751 = arith.index_cast %add3A_745 : i32 to index
        %get3A_752 = arith.constant 0 : index
        %get3A_753 = tpu.vector_load %arg13[%get3A_751, %get3A_752] {strides = array<i32>} : memref<128x64xf32, #tpu.memory_space<vmem>>, vector<16xf32>,
        %get3A_754 = arith.index_cast %add3A_745 : i32 to index
        %get3A_755 = arith.constant 0 : index
        %get3A_756 = tpu.vector_load %arg14[%get3A_754, %get3A_755] {strides = array<i32>} : memref<128x64xf32, #tpu.memory_space<vmem>>, vector<16xf32>,
        %sub3A_757 = arith.subf %get3A_753, %get3A_756 : vector<16xf32>
        %mul3A_758 = arith.mulf %get3A_750, %sub3A_757 : vector<16xf32>
        %add3A_759 = arith.addf %broadcast_in_dim3A_747, %mul3A_758 : vector<16xf32>
        %mul3A_760 = arith.mulf %get3A_750, %get3A_750 : vector<16xf32>
        %mul3A_761 = arith.mulf %get3A_753, %get3A_753 : vector<16xf32>
        %mul3A_762 = arith.mulf %get3A_756, %get3A_756 : vector<16xf32>
        %add3A_763 = arith.addf %mul3A_761, %mul3A_762 : vector<16xf32>
        %add3A_764 = arith.addf %mul3A_760, %add3A_763 : vector<16xf32>
        %add3A_765 = arith.addf %add3A_732, %add3A_764 : vector<16xf32>
        %get3A_766 = arith.index_cast %add3A_745 : i32 to index
        %get3A_767 = arith.constant 16 : index
        %get3A_768 = tpu.vector_load %arg12[%get3A_766, %get3A_767] {strides = array<i32>} : memref<128x64xf32, #tpu.memory_space<vmem>>, vector<16xf32>,
        %get3A_769 = arith.index_cast %add3A_745 : i32 to index
        %get3A_770 = arith.constant 16 : index
        %get3A_771 = tpu.vector_load %arg13[%get3A_769, %get3A_770] {strides = array<i32>} : memref<128x64xf32, #tpu.memory_space<vmem>>, vector<16xf32>,
        %get3A_772 = arith.index_cast %add3A_745 : i32 to index
        %get3A_773 = arith.constant 16 : index
        %get3A_774 = tpu.vector_load %arg14[%get3A_772, %get3A_773] {strides = array<i32>} : memref<128x64xf32, #tpu.memory_space<vmem>>, vector<16xf32>,
        %sub3A_775 = arith.subf %get3A_771, %get3A_774 : vector<16xf32>
        %mul3A_776 = arith.mulf %get3A_768, %sub3A_775 : vector<16xf32>
        %add3A_777 = arith.addf %add3A_759, %mul3A_776 : vector<16xf32>
        %mul3A_778 = arith.mulf %get3A_768, %get3A_768 : vector<16xf32>
        %mul3A_779 = arith.mulf %get3A_771, %get3A_771 : vector<16xf32>
        %mul3A_780 = arith.mulf %get3A_774, %get3A_774 : vector<16xf32>
        %add3A_781 = arith.addf %mul3A_779, %mul3A_780 : vector<16xf32>
        %add3A_782 = arith.addf %mul3A_778, %add3A_781 : vector<16xf32>
        %add3A_783 = arith.addf %add3A_765, %add3A_782 : vector<16xf32>
        %get3A_784 = arith.index_cast %add3A_745 : i32 to index
        %get3A_785 = arith.constant 32 : index
        %get3A_786 = tpu.vector_load %arg12[%get3A_784, %get3A_785] {strides = array<i32>} : memref<128x64xf32, #tpu.memory_space<vmem>>, vector<16xf32>,
        %get3A_787 = arith.index_cast %add3A_745 : i32 to index
        %get3A_788 = arith.constant 32 : index
        %get3A_789 = tpu.vector_load %arg13[%get3A_787, %get3A_788] {strides = array<i32>} : memref<128x64xf32, #tpu.memory_space<vmem>>, vector<16xf32>,
        %get3A_790 = arith.index_cast %add3A_745 : i32 to index
        %get3A_791 = arith.constant 32 : index
        %get3A_792 = tpu.vector_load %arg14[%get3A_790, %get3A_791] {strides = array<i32>} : memref<128x64xf32, #tpu.memory_space<vmem>>, vector<16xf32>,
        %sub3A_793 = arith.subf %get3A_789, %get3A_792 : vector<16xf32>
        %mul3A_794 = arith.mulf %get3A_786, %sub3A_793 : vector<16xf32>
        %add3A_795 = arith.addf %add3A_777, %mul3A_794 : vector<16xf32>
        %mul3A_796 = arith.mulf %get3A_786, %get3A_786 : vector<16xf32>
        %mul3A_797 = arith.mulf %get3A_789, %get3A_789 : vector<16xf32>
        %mul3A_798 = arith.mulf %get3A_792, %get3A_792 : vector<16xf32>
        %add3A_799 = arith.addf %mul3A_797, %mul3A_798 : vector<16xf32>
        %add3A_800 = arith.addf %mul3A_796, %add3A_799 : vector<16xf32>
        %add3A_801 = arith.addf %add3A_783, %add3A_800 : vector<16xf32>
        %get3A_802 = arith.index_cast %add3A_745 : i32 to index
        %get3A_803 = arith.constant 48 : index
        %get3A_804 = tpu.vector_load %arg12[%get3A_802, %get3A_803] {strides = array<i32>} : memref<128x64xf32, #tpu.memory_space<vmem>>, vector<16xf32>,
        %get3A_805 = arith.index_cast %add3A_745 : i32 to index
        %get3A_806 = arith.constant 48 : index
        %get3A_807 = tpu.vector_load %arg13[%get3A_805, %get3A_806] {strides = array<i32>} : memref<128x64xf32, #tpu.memory_space<vmem>>, vector<16xf32>,
        %get3A_808 = arith.index_cast %add3A_745 : i32 to index
        %get3A_809 = arith.constant 48 : index
        %get3A_810 = tpu.vector_load %arg14[%get3A_808, %get3A_809] {strides = array<i32>} : memref<128x64xf32, #tpu.memory_space<vmem>>, vector<16xf32>,
        %sub3A_811 = arith.subf %get3A_807, %get3A_810 : vector<16xf32>
        %mul3A_812 = arith.mulf %get3A_804, %sub3A_811 : vector<16xf32>
        %add3A_813 = arith.addf %add3A_795, %mul3A_812 : vector<16xf32>
        %mul3A_814 = arith.mulf %get3A_804, %get3A_804 : vector<16xf32>
        %mul3A_815 = arith.mulf %get3A_807, %get3A_807 : vector<16xf32>
        %mul3A_816 = arith.mulf %get3A_810, %get3A_810 : vector<16xf32>
        %add3A_817 = arith.addf %mul3A_815, %mul3A_816 : vector<16xf32>
        %add3A_818 = arith.addf %mul3A_814, %add3A_817 : vector<16xf32>
        %add3A_819 = arith.addf %add3A_801, %add3A_818 : vector<16xf32>
        %reduce_sum3A_820 = arith.constant true
        %reduce_sum3A_821 = vector.broadcast %reduce_sum3A_820 : i1 to vector<16xi1>
        %reduce_sum3A_822 = tpu.scan <sum>, %add3A_813 masked %reduce_sum3A_821 : vector<16xf32>, vector<16xi1> -> vector<16xf32>
        %reduce_sum3A_823 = vector.extract %reduce_sum3A_822[15] : f32 from vector<16xf32>
        %eq3A_824 = arith.constant 8 : i32
        %eq3A_825 = vector.broadcast %eq3A_824 : i32 to vector<16xi32>
        %eq3A_826 = arith.cmpi eq, %iota3A, %eq3A_825 : vector<16xi32>
        %broadcast_in_dim3A_827 = vector.broadcast %reduce_sum3A_823 : f32 to vector<16xf32>
        %select_n3A_828 = arith.select %eq3A_826, %broadcast_in_dim3A_827, %select_n3A_741 : vector<16xi1>, vector<16xf32>
        %mul3A_829 = arith.constant 16 : i32
        %mul3A_830 = arith.muli %scan3A_47, %mul3A_829 : i32
        %add3A_831 = arith.constant 9 : i32
        %add3A_832 = arith.addi %mul3A_830, %add3A_831 : i32
        %broadcast_in_dim3A_833 = arith.constant 0.000000e+00 : f32
        %broadcast_in_dim3A_834 = vector.broadcast %broadcast_in_dim3A_833 : f32 to vector<16xf32>
        %get3A_835 = arith.index_cast %add3A_832 : i32 to index
        %get3A_836 = arith.constant 0 : index
        %get3A_837 = tpu.vector_load %arg12[%get3A_835, %get3A_836] {strides = array<i32>} : memref<128x64xf32, #tpu.memory_space<vmem>>, vector<16xf32>,
        %get3A_838 = arith.index_cast %add3A_832 : i32 to index
        %get3A_839 = arith.constant 0 : index
        %get3A_840 = tpu.vector_load %arg13[%get3A_838, %get3A_839] {strides = array<i32>} : memref<128x64xf32, #tpu.memory_space<vmem>>, vector<16xf32>,
        %get3A_841 = arith.index_cast %add3A_832 : i32 to index
        %get3A_842 = arith.constant 0 : index
        %get3A_843 = tpu.vector_load %arg14[%get3A_841, %get3A_842] {strides = array<i32>} : memref<128x64xf32, #tpu.memory_space<vmem>>, vector<16xf32>,
        %sub3A_844 = arith.subf %get3A_840, %get3A_843 : vector<16xf32>
        %mul3A_845 = arith.mulf %get3A_837, %sub3A_844 : vector<16xf32>
        %add3A_846 = arith.addf %broadcast_in_dim3A_834, %mul3A_845 : vector<16xf32>
        %mul3A_847 = arith.mulf %get3A_837, %get3A_837 : vector<16xf32>
        %mul3A_848 = arith.mulf %get3A_840, %get3A_840 : vector<16xf32>
        %mul3A_849 = arith.mulf %get3A_843, %get3A_843 : vector<16xf32>
        %add3A_850 = arith.addf %mul3A_848, %mul3A_849 : vector<16xf32>
        %add3A_851 = arith.addf %mul3A_847, %add3A_850 : vector<16xf32>
        %add3A_852 = arith.addf %add3A_819, %add3A_851 : vector<16xf32>
        %get3A_853 = arith.index_cast %add3A_832 : i32 to index
        %get3A_854 = arith.constant 16 : index
        %get3A_855 = tpu.vector_load %arg12[%get3A_853, %get3A_854] {strides = array<i32>} : memref<128x64xf32, #tpu.memory_space<vmem>>, vector<16xf32>,
        %get3A_856 = arith.index_cast %add3A_832 : i32 to index
        %get3A_857 = arith.constant 16 : index
        %get3A_858 = tpu.vector_load %arg13[%get3A_856, %get3A_857] {strides = array<i32>} : memref<128x64xf32, #tpu.memory_space<vmem>>, vector<16xf32>,
        %get3A_859 = arith.index_cast %add3A_832 : i32 to index
        %get3A_860 = arith.constant 16 : index
        %get3A_861 = tpu.vector_load %arg14[%get3A_859, %get3A_860] {strides = array<i32>} : memref<128x64xf32, #tpu.memory_space<vmem>>, vector<16xf32>,
        %sub3A_862 = arith.subf %get3A_858, %get3A_861 : vector<16xf32>
        %mul3A_863 = arith.mulf %get3A_855, %sub3A_862 : vector<16xf32>
        %add3A_864 = arith.addf %add3A_846, %mul3A_863 : vector<16xf32>
        %mul3A_865 = arith.mulf %get3A_855, %get3A_855 : vector<16xf32>
        %mul3A_866 = arith.mulf %get3A_858, %get3A_858 : vector<16xf32>
        %mul3A_867 = arith.mulf %get3A_861, %get3A_861 : vector<16xf32>
        %add3A_868 = arith.addf %mul3A_866, %mul3A_867 : vector<16xf32>
        %add3A_869 = arith.addf %mul3A_865, %add3A_868 : vector<16xf32>
        %add3A_870 = arith.addf %add3A_852, %add3A_869 : vector<16xf32>
        %get3A_871 = arith.index_cast %add3A_832 : i32 to index
        %get3A_872 = arith.constant 32 : index
        %get3A_873 = tpu.vector_load %arg12[%get3A_871, %get3A_872] {strides = array<i32>} : memref<128x64xf32, #tpu.memory_space<vmem>>, vector<16xf32>,
        %get3A_874 = arith.index_cast %add3A_832 : i32 to index
        %get3A_875 = arith.constant 32 : index
        %get3A_876 = tpu.vector_load %arg13[%get3A_874, %get3A_875] {strides = array<i32>} : memref<128x64xf32, #tpu.memory_space<vmem>>, vector<16xf32>,
        %get3A_877 = arith.index_cast %add3A_832 : i32 to index
        %get3A_878 = arith.constant 32 : index
        %get3A_879 = tpu.vector_load %arg14[%get3A_877, %get3A_878] {strides = array<i32>} : memref<128x64xf32, #tpu.memory_space<vmem>>, vector<16xf32>,
        %sub3A_880 = arith.subf %get3A_876, %get3A_879 : vector<16xf32>
        %mul3A_881 = arith.mulf %get3A_873, %sub3A_880 : vector<16xf32>
        %add3A_882 = arith.addf %add3A_864, %mul3A_881 : vector<16xf32>
        %mul3A_883 = arith.mulf %get3A_873, %get3A_873 : vector<16xf32>
        %mul3A_884 = arith.mulf %get3A_876, %get3A_876 : vector<16xf32>
        %mul3A_885 = arith.mulf %get3A_879, %get3A_879 : vector<16xf32>
        %add3A_886 = arith.addf %mul3A_884, %mul3A_885 : vector<16xf32>
        %add3A_887 = arith.addf %mul3A_883, %add3A_886 : vector<16xf32>
        %add3A_888 = arith.addf %add3A_870, %add3A_887 : vector<16xf32>
        %get3A_889 = arith.index_cast %add3A_832 : i32 to index
        %get3A_890 = arith.constant 48 : index
        %get3A_891 = tpu.vector_load %arg12[%get3A_889, %get3A_890] {strides = array<i32>} : memref<128x64xf32, #tpu.memory_space<vmem>>, vector<16xf32>,
        %get3A_892 = arith.index_cast %add3A_832 : i32 to index
        %get3A_893 = arith.constant 48 : index
        %get3A_894 = tpu.vector_load %arg13[%get3A_892, %get3A_893] {strides = array<i32>} : memref<128x64xf32, #tpu.memory_space<vmem>>, vector<16xf32>,
        %get3A_895 = arith.index_cast %add3A_832 : i32 to index
        %get3A_896 = arith.constant 48 : index
        %get3A_897 = tpu.vector_load %arg14[%get3A_895, %get3A_896] {strides = array<i32>} : memref<128x64xf32, #tpu.memory_space<vmem>>, vector<16xf32>,
        %sub3A_898 = arith.subf %get3A_894, %get3A_897 : vector<16xf32>
        %mul3A_899 = arith.mulf %get3A_891, %sub3A_898 : vector<16xf32>
        %add3A_900 = arith.addf %add3A_882, %mul3A_899 : vector<16xf32>
        %mul3A_901 = arith.mulf %get3A_891, %get3A_891 : vector<16xf32>
        %mul3A_902 = arith.mulf %get3A_894, %get3A_894 : vector<16xf32>
        %mul3A_903 = arith.mulf %get3A_897, %get3A_897 : vector<16xf32>
        %add3A_904 = arith.addf %mul3A_902, %mul3A_903 : vector<16xf32>
        %add3A_905 = arith.addf %mul3A_901, %add3A_904 : vector<16xf32>
        %add3A_906 = arith.addf %add3A_888, %add3A_905 : vector<16xf32>
        %reduce_sum3A_907 = arith.constant true
        %reduce_sum3A_908 = vector.broadcast %reduce_sum3A_907 : i1 to vector<16xi1>
        %reduce_sum3A_909 = tpu.scan <sum>, %add3A_900 masked %reduce_sum3A_908 : vector<16xf32>, vector<16xi1> -> vector<16xf32>
        %reduce_sum3A_910 = vector.extract %reduce_sum3A_909[15] : f32 from vector<16xf32>
        %eq3A_911 = arith.constant 9 : i32
        %eq3A_912 = vector.broadcast %eq3A_911 : i32 to vector<16xi32>
        %eq3A_913 = arith.cmpi eq, %iota3A, %eq3A_912 : vector<16xi32>
        %broadcast_in_dim3A_914 = vector.broadcast %reduce_sum3A_910 : f32 to vector<16xf32>
        %select_n3A_915 = arith.select %eq3A_913, %broadcast_in_dim3A_914, %select_n3A_828 : vector<16xi1>, vector<16xf32>
        %mul3A_916 = arith.constant 16 : i32
        %mul3A_917 = arith.muli %scan3A_47, %mul3A_916 : i32
        %add3A_918 = arith.constant 10 : i32
        %add3A_919 = arith.addi %mul3A_917, %add3A_918 : i32
        %broadcast_in_dim3A_920 = arith.constant 0.000000e+00 : f32
        %broadcast_in_dim3A_921 = vector.broadcast %broadcast_in_dim3A_920 : f32 to vector<16xf32>
        %get3A_922 = arith.index_cast %add3A_919 : i32 to index
        %get3A_923 = arith.constant 0 : index
        %get3A_924 = tpu.vector_load %arg12[%get3A_922, %get3A_923] {strides = array<i32>} : memref<128x64xf32, #tpu.memory_space<vmem>>, vector<16xf32>,
        %get3A_925 = arith.index_cast %add3A_919 : i32 to index
        %get3A_926 = arith.constant 0 : index
        %get3A_927 = tpu.vector_load %arg13[%get3A_925, %get3A_926] {strides = array<i32>} : memref<128x64xf32, #tpu.memory_space<vmem>>, vector<16xf32>,
        %get3A_928 = arith.index_cast %add3A_919 : i32 to index
        %get3A_929 = arith.constant 0 : index
        %get3A_930 = tpu.vector_load %arg14[%get3A_928, %get3A_929] {strides = array<i32>} : memref<128x64xf32, #tpu.memory_space<vmem>>, vector<16xf32>,
        %sub3A_931 = arith.subf %get3A_927, %get3A_930 : vector<16xf32>
        %mul3A_932 = arith.mulf %get3A_924, %sub3A_931 : vector<16xf32>
        %add3A_933 = arith.addf %broadcast_in_dim3A_921, %mul3A_932 : vector<16xf32>
        %mul3A_934 = arith.mulf %get3A_924, %get3A_924 : vector<16xf32>
        %mul3A_935 = arith.mulf %get3A_927, %get3A_927 : vector<16xf32>
        %mul3A_936 = arith.mulf %get3A_930, %get3A_930 : vector<16xf32>
        %add3A_937 = arith.addf %mul3A_935, %mul3A_936 : vector<16xf32>
        %add3A_938 = arith.addf %mul3A_934, %add3A_937 : vector<16xf32>
        %add3A_939 = arith.addf %add3A_906, %add3A_938 : vector<16xf32>
        %get3A_940 = arith.index_cast %add3A_919 : i32 to index
        %get3A_941 = arith.constant 16 : index
        %get3A_942 = tpu.vector_load %arg12[%get3A_940, %get3A_941] {strides = array<i32>} : memref<128x64xf32, #tpu.memory_space<vmem>>, vector<16xf32>,
        %get3A_943 = arith.index_cast %add3A_919 : i32 to index
        %get3A_944 = arith.constant 16 : index
        %get3A_945 = tpu.vector_load %arg13[%get3A_943, %get3A_944] {strides = array<i32>} : memref<128x64xf32, #tpu.memory_space<vmem>>, vector<16xf32>,
        %get3A_946 = arith.index_cast %add3A_919 : i32 to index
        %get3A_947 = arith.constant 16 : index
        %get3A_948 = tpu.vector_load %arg14[%get3A_946, %get3A_947] {strides = array<i32>} : memref<128x64xf32, #tpu.memory_space<vmem>>, vector<16xf32>,
        %sub3A_949 = arith.subf %get3A_945, %get3A_948 : vector<16xf32>
        %mul3A_950 = arith.mulf %get3A_942, %sub3A_949 : vector<16xf32>
        %add3A_951 = arith.addf %add3A_933, %mul3A_950 : vector<16xf32>
        %mul3A_952 = arith.mulf %get3A_942, %get3A_942 : vector<16xf32>
        %mul3A_953 = arith.mulf %get3A_945, %get3A_945 : vector<16xf32>
        %mul3A_954 = arith.mulf %get3A_948, %get3A_948 : vector<16xf32>
        %add3A_955 = arith.addf %mul3A_953, %mul3A_954 : vector<16xf32>
        %add3A_956 = arith.addf %mul3A_952, %add3A_955 : vector<16xf32>
        %add3A_957 = arith.addf %add3A_939, %add3A_956 : vector<16xf32>
        %get3A_958 = arith.index_cast %add3A_919 : i32 to index
        %get3A_959 = arith.constant 32 : index
        %get3A_960 = tpu.vector_load %arg12[%get3A_958, %get3A_959] {strides = array<i32>} : memref<128x64xf32, #tpu.memory_space<vmem>>, vector<16xf32>,
        %get3A_961 = arith.index_cast %add3A_919 : i32 to index
        %get3A_962 = arith.constant 32 : index
        %get3A_963 = tpu.vector_load %arg13[%get3A_961, %get3A_962] {strides = array<i32>} : memref<128x64xf32, #tpu.memory_space<vmem>>, vector<16xf32>,
        %get3A_964 = arith.index_cast %add3A_919 : i32 to index
        %get3A_965 = arith.constant 32 : index
        %get3A_966 = tpu.vector_load %arg14[%get3A_964, %get3A_965] {strides = array<i32>} : memref<128x64xf32, #tpu.memory_space<vmem>>, vector<16xf32>,
        %sub3A_967 = arith.subf %get3A_963, %get3A_966 : vector<16xf32>
        %mul3A_968 = arith.mulf %get3A_960, %sub3A_967 : vector<16xf32>
        %add3A_969 = arith.addf %add3A_951, %mul3A_968 : vector<16xf32>
        %mul3A_970 = arith.mulf %get3A_960, %get3A_960 : vector<16xf32>
        %mul3A_971 = arith.mulf %get3A_963, %get3A_963 : vector<16xf32>
        %mul3A_972 = arith.mulf %get3A_966, %get3A_966 : vector<16xf32>
        %add3A_973 = arith.addf %mul3A_971, %mul3A_972 : vector<16xf32>
        %add3A_974 = arith.addf %mul3A_970, %add3A_973 : vector<16xf32>
        %add3A_975 = arith.addf %add3A_957, %add3A_974 : vector<16xf32>
        %get3A_976 = arith.index_cast %add3A_919 : i32 to index
        %get3A_977 = arith.constant 48 : index
        %get3A_978 = tpu.vector_load %arg12[%get3A_976, %get3A_977] {strides = array<i32>} : memref<128x64xf32, #tpu.memory_space<vmem>>, vector<16xf32>,
        %get3A_979 = arith.index_cast %add3A_919 : i32 to index
        %get3A_980 = arith.constant 48 : index
        %get3A_981 = tpu.vector_load %arg13[%get3A_979, %get3A_980] {strides = array<i32>} : memref<128x64xf32, #tpu.memory_space<vmem>>, vector<16xf32>,
        %get3A_982 = arith.index_cast %add3A_919 : i32 to index
        %get3A_983 = arith.constant 48 : index
        %get3A_984 = tpu.vector_load %arg14[%get3A_982, %get3A_983] {strides = array<i32>} : memref<128x64xf32, #tpu.memory_space<vmem>>, vector<16xf32>,
        %sub3A_985 = arith.subf %get3A_981, %get3A_984 : vector<16xf32>
        %mul3A_986 = arith.mulf %get3A_978, %sub3A_985 : vector<16xf32>
        %add3A_987 = arith.addf %add3A_969, %mul3A_986 : vector<16xf32>
        %mul3A_988 = arith.mulf %get3A_978, %get3A_978 : vector<16xf32>
        %mul3A_989 = arith.mulf %get3A_981, %get3A_981 : vector<16xf32>
        %mul3A_990 = arith.mulf %get3A_984, %get3A_984 : vector<16xf32>
        %add3A_991 = arith.addf %mul3A_989, %mul3A_990 : vector<16xf32>
        %add3A_992 = arith.addf %mul3A_988, %add3A_991 : vector<16xf32>
        %add3A_993 = arith.addf %add3A_975, %add3A_992 : vector<16xf32>
        %reduce_sum3A_994 = arith.constant true
        %reduce_sum3A_995 = vector.broadcast %reduce_sum3A_994 : i1 to vector<16xi1>
        %reduce_sum3A_996 = tpu.scan <sum>, %add3A_987 masked %reduce_sum3A_995 : vector<16xf32>, vector<16xi1> -> vector<16xf32>
        %reduce_sum3A_997 = vector.extract %reduce_sum3A_996[15] : f32 from vector<16xf32>
        %eq3A_998 = arith.constant 10 : i32
        %eq3A_999 = vector.broadcast %eq3A_998 : i32 to vector<16xi32>
        %eq3A_1000 = arith.cmpi eq, %iota3A, %eq3A_999 : vector<16xi32>
        %broadcast_in_dim3A_1001 = vector.broadcast %reduce_sum3A_997 : f32 to vector<16xf32>
        %select_n3A_1002 = arith.select %eq3A_1000, %broadcast_in_dim3A_1001, %select_n3A_915 : vector<16xi1>, vector<16xf32>
        %mul3A_1003 = arith.constant 16 : i32
        %mul3A_1004 = arith.muli %scan3A_47, %mul3A_1003 : i32
        %add3A_1005 = arith.constant 11 : i32
        %add3A_1006 = arith.addi %mul3A_1004, %add3A_1005 : i32
        %broadcast_in_dim3A_1007 = arith.constant 0.000000e+00 : f32
        %broadcast_in_dim3A_1008 = vector.broadcast %broadcast_in_dim3A_1007 : f32 to vector<16xf32>
        %get3A_1009 = arith.index_cast %add3A_1006 : i32 to index
        %get3A_1010 = arith.constant 0 : index
        %get3A_1011 = tpu.vector_load %arg12[%get3A_1009, %get3A_1010] {strides = array<i32>} : memref<128x64xf32, #tpu.memory_space<vmem>>, vector<16xf32>,
        %get3A_1012 = arith.index_cast %add3A_1006 : i32 to index
        %get3A_1013 = arith.constant 0 : index
        %get3A_1014 = tpu.vector_load %arg13[%get3A_1012, %get3A_1013] {strides = array<i32>} : memref<128x64xf32, #tpu.memory_space<vmem>>, vector<16xf32>,
        %get3A_1015 = arith.index_cast %add3A_1006 : i32 to index
        %get3A_1016 = arith.constant 0 : index
        %get3A_1017 = tpu.vector_load %arg14[%get3A_1015, %get3A_1016] {strides = array<i32>} : memref<128x64xf32, #tpu.memory_space<vmem>>, vector<16xf32>,
        %sub3A_1018 = arith.subf %get3A_1014, %get3A_1017 : vector<16xf32>
        %mul3A_1019 = arith.mulf %get3A_1011, %sub3A_1018 : vector<16xf32>
        %add3A_1020 = arith.addf %broadcast_in_dim3A_1008, %mul3A_1019 : vector<16xf32>
        %mul3A_1021 = arith.mulf %get3A_1011, %get3A_1011 : vector<16xf32>
        %mul3A_1022 = arith.mulf %get3A_1014, %get3A_1014 : vector<16xf32>
        %mul3A_1023 = arith.mulf %get3A_1017, %get3A_1017 : vector<16xf32>
        %add3A_1024 = arith.addf %mul3A_1022, %mul3A_1023 : vector<16xf32>
        %add3A_1025 = arith.addf %mul3A_1021, %add3A_1024 : vector<16xf32>
        %add3A_1026 = arith.addf %add3A_993, %add3A_1025 : vector<16xf32>
        %get3A_1027 = arith.index_cast %add3A_1006 : i32 to index
        %get3A_1028 = arith.constant 16 : index
        %get3A_1029 = tpu.vector_load %arg12[%get3A_1027, %get3A_1028] {strides = array<i32>} : memref<128x64xf32, #tpu.memory_space<vmem>>, vector<16xf32>,
        %get3A_1030 = arith.index_cast %add3A_1006 : i32 to index
        %get3A_1031 = arith.constant 16 : index
        %get3A_1032 = tpu.vector_load %arg13[%get3A_1030, %get3A_1031] {strides = array<i32>} : memref<128x64xf32, #tpu.memory_space<vmem>>, vector<16xf32>,
        %get3A_1033 = arith.index_cast %add3A_1006 : i32 to index
        %get3A_1034 = arith.constant 16 : index
        %get3A_1035 = tpu.vector_load %arg14[%get3A_1033, %get3A_1034] {strides = array<i32>} : memref<128x64xf32, #tpu.memory_space<vmem>>, vector<16xf32>,
        %sub3A_1036 = arith.subf %get3A_1032, %get3A_1035 : vector<16xf32>
        %mul3A_1037 = arith.mulf %get3A_1029, %sub3A_1036 : vector<16xf32>
        %add3A_1038 = arith.addf %add3A_1020, %mul3A_1037 : vector<16xf32>
        %mul3A_1039 = arith.mulf %get3A_1029, %get3A_1029 : vector<16xf32>
        %mul3A_1040 = arith.mulf %get3A_1032, %get3A_1032 : vector<16xf32>
        %mul3A_1041 = arith.mulf %get3A_1035, %get3A_1035 : vector<16xf32>
        %add3A_1042 = arith.addf %mul3A_1040, %mul3A_1041 : vector<16xf32>
        %add3A_1043 = arith.addf %mul3A_1039, %add3A_1042 : vector<16xf32>
        %add3A_1044 = arith.addf %add3A_1026, %add3A_1043 : vector<16xf32>
        %get3A_1045 = arith.index_cast %add3A_1006 : i32 to index
        %get3A_1046 = arith.constant 32 : index
        %get3A_1047 = tpu.vector_load %arg12[%get3A_1045, %get3A_1046] {strides = array<i32>} : memref<128x64xf32, #tpu.memory_space<vmem>>, vector<16xf32>,
        %get3A_1048 = arith.index_cast %add3A_1006 : i32 to index
        %get3A_1049 = arith.constant 32 : index
        %get3A_1050 = tpu.vector_load %arg13[%get3A_1048, %get3A_1049] {strides = array<i32>} : memref<128x64xf32, #tpu.memory_space<vmem>>, vector<16xf32>,
        %get3A_1051 = arith.index_cast %add3A_1006 : i32 to index
        %get3A_1052 = arith.constant 32 : index
        %get3A_1053 = tpu.vector_load %arg14[%get3A_1051, %get3A_1052] {strides = array<i32>} : memref<128x64xf32, #tpu.memory_space<vmem>>, vector<16xf32>,
        %sub3A_1054 = arith.subf %get3A_1050, %get3A_1053 : vector<16xf32>
        %mul3A_1055 = arith.mulf %get3A_1047, %sub3A_1054 : vector<16xf32>
        %add3A_1056 = arith.addf %add3A_1038, %mul3A_1055 : vector<16xf32>
        %mul3A_1057 = arith.mulf %get3A_1047, %get3A_1047 : vector<16xf32>
        %mul3A_1058 = arith.mulf %get3A_1050, %get3A_1050 : vector<16xf32>
        %mul3A_1059 = arith.mulf %get3A_1053, %get3A_1053 : vector<16xf32>
        %add3A_1060 = arith.addf %mul3A_1058, %mul3A_1059 : vector<16xf32>
        %add3A_1061 = arith.addf %mul3A_1057, %add3A_1060 : vector<16xf32>
        %add3A_1062 = arith.addf %add3A_1044, %add3A_1061 : vector<16xf32>
        %get3A_1063 = arith.index_cast %add3A_1006 : i32 to index
        %get3A_1064 = arith.constant 48 : index
        %get3A_1065 = tpu.vector_load %arg12[%get3A_1063, %get3A_1064] {strides = array<i32>} : memref<128x64xf32, #tpu.memory_space<vmem>>, vector<16xf32>,
        %get3A_1066 = arith.index_cast %add3A_1006 : i32 to index
        %get3A_1067 = arith.constant 48 : index
        %get3A_1068 = tpu.vector_load %arg13[%get3A_1066, %get3A_1067] {strides = array<i32>} : memref<128x64xf32, #tpu.memory_space<vmem>>, vector<16xf32>,
        %get3A_1069 = arith.index_cast %add3A_1006 : i32 to index
        %get3A_1070 = arith.constant 48 : index
        %get3A_1071 = tpu.vector_load %arg14[%get3A_1069, %get3A_1070] {strides = array<i32>} : memref<128x64xf32, #tpu.memory_space<vmem>>, vector<16xf32>,
        %sub3A_1072 = arith.subf %get3A_1068, %get3A_1071 : vector<16xf32>
        %mul3A_1073 = arith.mulf %get3A_1065, %sub3A_1072 : vector<16xf32>
        %add3A_1074 = arith.addf %add3A_1056, %mul3A_1073 : vector<16xf32>
        %mul3A_1075 = arith.mulf %get3A_1065, %get3A_1065 : vector<16xf32>
        %mul3A_1076 = arith.mulf %get3A_1068, %get3A_1068 : vector<16xf32>
        %mul3A_1077 = arith.mulf %get3A_1071, %get3A_1071 : vector<16xf32>
        %add3A_1078 = arith.addf %mul3A_1076, %mul3A_1077 : vector<16xf32>
        %add3A_1079 = arith.addf %mul3A_1075, %add3A_1078 : vector<16xf32>
        %add3A_1080 = arith.addf %add3A_1062, %add3A_1079 : vector<16xf32>
        %reduce_sum3A_1081 = arith.constant true
        %reduce_sum3A_1082 = vector.broadcast %reduce_sum3A_1081 : i1 to vector<16xi1>
        %reduce_sum3A_1083 = tpu.scan <sum>, %add3A_1074 masked %reduce_sum3A_1082 : vector<16xf32>, vector<16xi1> -> vector<16xf32>
        %reduce_sum3A_1084 = vector.extract %reduce_sum3A_1083[15] : f32 from vector<16xf32>
        %eq3A_1085 = arith.constant 11 : i32
        %eq3A_1086 = vector.broadcast %eq3A_1085 : i32 to vector<16xi32>
        %eq3A_1087 = arith.cmpi eq, %iota3A, %eq3A_1086 : vector<16xi32>
        %broadcast_in_dim3A_1088 = vector.broadcast %reduce_sum3A_1084 : f32 to vector<16xf32>
        %select_n3A_1089 = arith.select %eq3A_1087, %broadcast_in_dim3A_1088, %select_n3A_1002 : vector<16xi1>, vector<16xf32>
        %mul3A_1090 = arith.constant 16 : i32
        %mul3A_1091 = arith.muli %scan3A_47, %mul3A_1090 : i32
        %add3A_1092 = arith.constant 12 : i32
        %add3A_1093 = arith.addi %mul3A_1091, %add3A_1092 : i32
        %broadcast_in_dim3A_1094 = arith.constant 0.000000e+00 : f32
        %broadcast_in_dim3A_1095 = vector.broadcast %broadcast_in_dim3A_1094 : f32 to vector<16xf32>
        %get3A_1096 = arith.index_cast %add3A_1093 : i32 to index
        %get3A_1097 = arith.constant 0 : index
        %get3A_1098 = tpu.vector_load %arg12[%get3A_1096, %get3A_1097] {strides = array<i32>} : memref<128x64xf32, #tpu.memory_space<vmem>>, vector<16xf32>,
        %get3A_1099 = arith.index_cast %add3A_1093 : i32 to index
        %get3A_1100 = arith.constant 0 : index
        %get3A_1101 = tpu.vector_load %arg13[%get3A_1099, %get3A_1100] {strides = array<i32>} : memref<128x64xf32, #tpu.memory_space<vmem>>, vector<16xf32>,
        %get3A_1102 = arith.index_cast %add3A_1093 : i32 to index
        %get3A_1103 = arith.constant 0 : index
        %get3A_1104 = tpu.vector_load %arg14[%get3A_1102, %get3A_1103] {strides = array<i32>} : memref<128x64xf32, #tpu.memory_space<vmem>>, vector<16xf32>,
        %sub3A_1105 = arith.subf %get3A_1101, %get3A_1104 : vector<16xf32>
        %mul3A_1106 = arith.mulf %get3A_1098, %sub3A_1105 : vector<16xf32>
        %add3A_1107 = arith.addf %broadcast_in_dim3A_1095, %mul3A_1106 : vector<16xf32>
        %mul3A_1108 = arith.mulf %get3A_1098, %get3A_1098 : vector<16xf32>
        %mul3A_1109 = arith.mulf %get3A_1101, %get3A_1101 : vector<16xf32>
        %mul3A_1110 = arith.mulf %get3A_1104, %get3A_1104 : vector<16xf32>
        %add3A_1111 = arith.addf %mul3A_1109, %mul3A_1110 : vector<16xf32>
        %add3A_1112 = arith.addf %mul3A_1108, %add3A_1111 : vector<16xf32>
        %add3A_1113 = arith.addf %add3A_1080, %add3A_1112 : vector<16xf32>
        %get3A_1114 = arith.index_cast %add3A_1093 : i32 to index
        %get3A_1115 = arith.constant 16 : index
        %get3A_1116 = tpu.vector_load %arg12[%get3A_1114, %get3A_1115] {strides = array<i32>} : memref<128x64xf32, #tpu.memory_space<vmem>>, vector<16xf32>,
        %get3A_1117 = arith.index_cast %add3A_1093 : i32 to index
        %get3A_1118 = arith.constant 16 : index
        %get3A_1119 = tpu.vector_load %arg13[%get3A_1117, %get3A_1118] {strides = array<i32>} : memref<128x64xf32, #tpu.memory_space<vmem>>, vector<16xf32>,
        %get3A_1120 = arith.index_cast %add3A_1093 : i32 to index
        %get3A_1121 = arith.constant 16 : index
        %get3A_1122 = tpu.vector_load %arg14[%get3A_1120, %get3A_1121] {strides = array<i32>} : memref<128x64xf32, #tpu.memory_space<vmem>>, vector<16xf32>,
        %sub3A_1123 = arith.subf %get3A_1119, %get3A_1122 : vector<16xf32>
        %mul3A_1124 = arith.mulf %get3A_1116, %sub3A_1123 : vector<16xf32>
        %add3A_1125 = arith.addf %add3A_1107, %mul3A_1124 : vector<16xf32>
        %mul3A_1126 = arith.mulf %get3A_1116, %get3A_1116 : vector<16xf32>
        %mul3A_1127 = arith.mulf %get3A_1119, %get3A_1119 : vector<16xf32>
        %mul3A_1128 = arith.mulf %get3A_1122, %get3A_1122 : vector<16xf32>
        %add3A_1129 = arith.addf %mul3A_1127, %mul3A_1128 : vector<16xf32>
        %add3A_1130 = arith.addf %mul3A_1126, %add3A_1129 : vector<16xf32>
        %add3A_1131 = arith.addf %add3A_1113, %add3A_1130 : vector<16xf32>
        %get3A_1132 = arith.index_cast %add3A_1093 : i32 to index
        %get3A_1133 = arith.constant 32 : index
        %get3A_1134 = tpu.vector_load %arg12[%get3A_1132, %get3A_1133] {strides = array<i32>} : memref<128x64xf32, #tpu.memory_space<vmem>>, vector<16xf32>,
        %get3A_1135 = arith.index_cast %add3A_1093 : i32 to index
        %get3A_1136 = arith.constant 32 : index
        %get3A_1137 = tpu.vector_load %arg13[%get3A_1135, %get3A_1136] {strides = array<i32>} : memref<128x64xf32, #tpu.memory_space<vmem>>, vector<16xf32>,
        %get3A_1138 = arith.index_cast %add3A_1093 : i32 to index
        %get3A_1139 = arith.constant 32 : index
        %get3A_1140 = tpu.vector_load %arg14[%get3A_1138, %get3A_1139] {strides = array<i32>} : memref<128x64xf32, #tpu.memory_space<vmem>>, vector<16xf32>,
        %sub3A_1141 = arith.subf %get3A_1137, %get3A_1140 : vector<16xf32>
        %mul3A_1142 = arith.mulf %get3A_1134, %sub3A_1141 : vector<16xf32>
        %add3A_1143 = arith.addf %add3A_1125, %mul3A_1142 : vector<16xf32>
        %mul3A_1144 = arith.mulf %get3A_1134, %get3A_1134 : vector<16xf32>
        %mul3A_1145 = arith.mulf %get3A_1137, %get3A_1137 : vector<16xf32>
        %mul3A_1146 = arith.mulf %get3A_1140, %get3A_1140 : vector<16xf32>
        %add3A_1147 = arith.addf %mul3A_1145, %mul3A_1146 : vector<16xf32>
        %add3A_1148 = arith.addf %mul3A_1144, %add3A_1147 : vector<16xf32>
        %add3A_1149 = arith.addf %add3A_1131, %add3A_1148 : vector<16xf32>
        %get3A_1150 = arith.index_cast %add3A_1093 : i32 to index
        %get3A_1151 = arith.constant 48 : index
        %get3A_1152 = tpu.vector_load %arg12[%get3A_1150, %get3A_1151] {strides = array<i32>} : memref<128x64xf32, #tpu.memory_space<vmem>>, vector<16xf32>,
        %get3A_1153 = arith.index_cast %add3A_1093 : i32 to index
        %get3A_1154 = arith.constant 48 : index
        %get3A_1155 = tpu.vector_load %arg13[%get3A_1153, %get3A_1154] {strides = array<i32>} : memref<128x64xf32, #tpu.memory_space<vmem>>, vector<16xf32>,
        %get3A_1156 = arith.index_cast %add3A_1093 : i32 to index
        %get3A_1157 = arith.constant 48 : index
        %get3A_1158 = tpu.vector_load %arg14[%get3A_1156, %get3A_1157] {strides = array<i32>} : memref<128x64xf32, #tpu.memory_space<vmem>>, vector<16xf32>,
        %sub3A_1159 = arith.subf %get3A_1155, %get3A_1158 : vector<16xf32>
        %mul3A_1160 = arith.mulf %get3A_1152, %sub3A_1159 : vector<16xf32>
        %add3A_1161 = arith.addf %add3A_1143, %mul3A_1160 : vector<16xf32>
        %mul3A_1162 = arith.mulf %get3A_1152, %get3A_1152 : vector<16xf32>
        %mul3A_1163 = arith.mulf %get3A_1155, %get3A_1155 : vector<16xf32>
        %mul3A_1164 = arith.mulf %get3A_1158, %get3A_1158 : vector<16xf32>
        %add3A_1165 = arith.addf %mul3A_1163, %mul3A_1164 : vector<16xf32>
        %add3A_1166 = arith.addf %mul3A_1162, %add3A_1165 : vector<16xf32>
        %add3A_1167 = arith.addf %add3A_1149, %add3A_1166 : vector<16xf32>
        %reduce_sum3A_1168 = arith.constant true
        %reduce_sum3A_1169 = vector.broadcast %reduce_sum3A_1168 : i1 to vector<16xi1>
        %reduce_sum3A_1170 = tpu.scan <sum>, %add3A_1161 masked %reduce_sum3A_1169 : vector<16xf32>, vector<16xi1> -> vector<16xf32>
        %reduce_sum3A_1171 = vector.extract %reduce_sum3A_1170[15] : f32 from vector<16xf32>
        %eq3A_1172 = arith.constant 12 : i32
        %eq3A_1173 = vector.broadcast %eq3A_1172 : i32 to vector<16xi32>
        %eq3A_1174 = arith.cmpi eq, %iota3A, %eq3A_1173 : vector<16xi32>
        %broadcast_in_dim3A_1175 = vector.broadcast %reduce_sum3A_1171 : f32 to vector<16xf32>
        %select_n3A_1176 = arith.select %eq3A_1174, %broadcast_in_dim3A_1175, %select_n3A_1089 : vector<16xi1>, vector<16xf32>
        %mul3A_1177 = arith.constant 16 : i32
        %mul3A_1178 = arith.muli %scan3A_47, %mul3A_1177 : i32
        %add3A_1179 = arith.constant 13 : i32
        %add3A_1180 = arith.addi %mul3A_1178, %add3A_1179 : i32
        %broadcast_in_dim3A_1181 = arith.constant 0.000000e+00 : f32
        %broadcast_in_dim3A_1182 = vector.broadcast %broadcast_in_dim3A_1181 : f32 to vector<16xf32>
        %get3A_1183 = arith.index_cast %add3A_1180 : i32 to index
        %get3A_1184 = arith.constant 0 : index
        %get3A_1185 = tpu.vector_load %arg12[%get3A_1183, %get3A_1184] {strides = array<i32>} : memref<128x64xf32, #tpu.memory_space<vmem>>, vector<16xf32>,
        %get3A_1186 = arith.index_cast %add3A_1180 : i32 to index
        %get3A_1187 = arith.constant 0 : index
        %get3A_1188 = tpu.vector_load %arg13[%get3A_1186, %get3A_1187] {strides = array<i32>} : memref<128x64xf32, #tpu.memory_space<vmem>>, vector<16xf32>,
        %get3A_1189 = arith.index_cast %add3A_1180 : i32 to index
        %get3A_1190 = arith.constant 0 : index
        %get3A_1191 = tpu.vector_load %arg14[%get3A_1189, %get3A_1190] {strides = array<i32>} : memref<128x64xf32, #tpu.memory_space<vmem>>, vector<16xf32>,
        %sub3A_1192 = arith.subf %get3A_1188, %get3A_1191 : vector<16xf32>
        %mul3A_1193 = arith.mulf %get3A_1185, %sub3A_1192 : vector<16xf32>
        %add3A_1194 = arith.addf %broadcast_in_dim3A_1182, %mul3A_1193 : vector<16xf32>
        %mul3A_1195 = arith.mulf %get3A_1185, %get3A_1185 : vector<16xf32>
        %mul3A_1196 = arith.mulf %get3A_1188, %get3A_1188 : vector<16xf32>
        %mul3A_1197 = arith.mulf %get3A_1191, %get3A_1191 : vector<16xf32>
        %add3A_1198 = arith.addf %mul3A_1196, %mul3A_1197 : vector<16xf32>
        %add3A_1199 = arith.addf %mul3A_1195, %add3A_1198 : vector<16xf32>
        %add3A_1200 = arith.addf %add3A_1167, %add3A_1199 : vector<16xf32>
        %get3A_1201 = arith.index_cast %add3A_1180 : i32 to index
        %get3A_1202 = arith.constant 16 : index
        %get3A_1203 = tpu.vector_load %arg12[%get3A_1201, %get3A_1202] {strides = array<i32>} : memref<128x64xf32, #tpu.memory_space<vmem>>, vector<16xf32>,
        %get3A_1204 = arith.index_cast %add3A_1180 : i32 to index
        %get3A_1205 = arith.constant 16 : index
        %get3A_1206 = tpu.vector_load %arg13[%get3A_1204, %get3A_1205] {strides = array<i32>} : memref<128x64xf32, #tpu.memory_space<vmem>>, vector<16xf32>,
        %get3A_1207 = arith.index_cast %add3A_1180 : i32 to index
        %get3A_1208 = arith.constant 16 : index
        %get3A_1209 = tpu.vector_load %arg14[%get3A_1207, %get3A_1208] {strides = array<i32>} : memref<128x64xf32, #tpu.memory_space<vmem>>, vector<16xf32>,
        %sub3A_1210 = arith.subf %get3A_1206, %get3A_1209 : vector<16xf32>
        %mul3A_1211 = arith.mulf %get3A_1203, %sub3A_1210 : vector<16xf32>
        %add3A_1212 = arith.addf %add3A_1194, %mul3A_1211 : vector<16xf32>
        %mul3A_1213 = arith.mulf %get3A_1203, %get3A_1203 : vector<16xf32>
        %mul3A_1214 = arith.mulf %get3A_1206, %get3A_1206 : vector<16xf32>
        %mul3A_1215 = arith.mulf %get3A_1209, %get3A_1209 : vector<16xf32>
        %add3A_1216 = arith.addf %mul3A_1214, %mul3A_1215 : vector<16xf32>
        %add3A_1217 = arith.addf %mul3A_1213, %add3A_1216 : vector<16xf32>
        %add3A_1218 = arith.addf %add3A_1200, %add3A_1217 : vector<16xf32>
        %get3A_1219 = arith.index_cast %add3A_1180 : i32 to index
        %get3A_1220 = arith.constant 32 : index
        %get3A_1221 = tpu.vector_load %arg12[%get3A_1219, %get3A_1220] {strides = array<i32>} : memref<128x64xf32, #tpu.memory_space<vmem>>, vector<16xf32>,
        %get3A_1222 = arith.index_cast %add3A_1180 : i32 to index
        %get3A_1223 = arith.constant 32 : index
        %get3A_1224 = tpu.vector_load %arg13[%get3A_1222, %get3A_1223] {strides = array<i32>} : memref<128x64xf32, #tpu.memory_space<vmem>>, vector<16xf32>,
        %get3A_1225 = arith.index_cast %add3A_1180 : i32 to index
        %get3A_1226 = arith.constant 32 : index
        %get3A_1227 = tpu.vector_load %arg14[%get3A_1225, %get3A_1226] {strides = array<i32>} : memref<128x64xf32, #tpu.memory_space<vmem>>, vector<16xf32>,
        %sub3A_1228 = arith.subf %get3A_1224, %get3A_1227 : vector<16xf32>
        %mul3A_1229 = arith.mulf %get3A_1221, %sub3A_1228 : vector<16xf32>
        %add3A_1230 = arith.addf %add3A_1212, %mul3A_1229 : vector<16xf32>
        %mul3A_1231 = arith.mulf %get3A_1221, %get3A_1221 : vector<16xf32>
        %mul3A_1232 = arith.mulf %get3A_1224, %get3A_1224 : vector<16xf32>
        %mul3A_1233 = arith.mulf %get3A_1227, %get3A_1227 : vector<16xf32>
        %add3A_1234 = arith.addf %mul3A_1232, %mul3A_1233 : vector<16xf32>
        %add3A_1235 = arith.addf %mul3A_1231, %add3A_1234 : vector<16xf32>
        %add3A_1236 = arith.addf %add3A_1218, %add3A_1235 : vector<16xf32>
        %get3A_1237 = arith.index_cast %add3A_1180 : i32 to index
        %get3A_1238 = arith.constant 48 : index
        %get3A_1239 = tpu.vector_load %arg12[%get3A_1237, %get3A_1238] {strides = array<i32>} : memref<128x64xf32, #tpu.memory_space<vmem>>, vector<16xf32>,
        %get3A_1240 = arith.index_cast %add3A_1180 : i32 to index
        %get3A_1241 = arith.constant 48 : index
        %get3A_1242 = tpu.vector_load %arg13[%get3A_1240, %get3A_1241] {strides = array<i32>} : memref<128x64xf32, #tpu.memory_space<vmem>>, vector<16xf32>,
        %get3A_1243 = arith.index_cast %add3A_1180 : i32 to index
        %get3A_1244 = arith.constant 48 : index
        %get3A_1245 = tpu.vector_load %arg14[%get3A_1243, %get3A_1244] {strides = array<i32>} : memref<128x64xf32, #tpu.memory_space<vmem>>, vector<16xf32>,
        %sub3A_1246 = arith.subf %get3A_1242, %get3A_1245 : vector<16xf32>
        %mul3A_1247 = arith.mulf %get3A_1239, %sub3A_1246 : vector<16xf32>
        %add3A_1248 = arith.addf %add3A_1230, %mul3A_1247 : vector<16xf32>
        %mul3A_1249 = arith.mulf %get3A_1239, %get3A_1239 : vector<16xf32>
        %mul3A_1250 = arith.mulf %get3A_1242, %get3A_1242 : vector<16xf32>
        %mul3A_1251 = arith.mulf %get3A_1245, %get3A_1245 : vector<16xf32>
        %add3A_1252 = arith.addf %mul3A_1250, %mul3A_1251 : vector<16xf32>
        %add3A_1253 = arith.addf %mul3A_1249, %add3A_1252 : vector<16xf32>
        %add3A_1254 = arith.addf %add3A_1236, %add3A_1253 : vector<16xf32>
        %reduce_sum3A_1255 = arith.constant true
        %reduce_sum3A_1256 = vector.broadcast %reduce_sum3A_1255 : i1 to vector<16xi1>
        %reduce_sum3A_1257 = tpu.scan <sum>, %add3A_1248 masked %reduce_sum3A_1256 : vector<16xf32>, vector<16xi1> -> vector<16xf32>
        %reduce_sum3A_1258 = vector.extract %reduce_sum3A_1257[15] : f32 from vector<16xf32>
        %eq3A_1259 = arith.constant 13 : i32
        %eq3A_1260 = vector.broadcast %eq3A_1259 : i32 to vector<16xi32>
        %eq3A_1261 = arith.cmpi eq, %iota3A, %eq3A_1260 : vector<16xi32>
        %broadcast_in_dim3A_1262 = vector.broadcast %reduce_sum3A_1258 : f32 to vector<16xf32>
        %select_n3A_1263 = arith.select %eq3A_1261, %broadcast_in_dim3A_1262, %select_n3A_1176 : vector<16xi1>, vector<16xf32>
        %mul3A_1264 = arith.constant 16 : i32
        %mul3A_1265 = arith.muli %scan3A_47, %mul3A_1264 : i32
        %add3A_1266 = arith.constant 14 : i32
        %add3A_1267 = arith.addi %mul3A_1265, %add3A_1266 : i32
        %broadcast_in_dim3A_1268 = arith.constant 0.000000e+00 : f32
        %broadcast_in_dim3A_1269 = vector.broadcast %broadcast_in_dim3A_1268 : f32 to vector<16xf32>
        %get3A_1270 = arith.index_cast %add3A_1267 : i32 to index
        %get3A_1271 = arith.constant 0 : index
        %get3A_1272 = tpu.vector_load %arg12[%get3A_1270, %get3A_1271] {strides = array<i32>} : memref<128x64xf32, #tpu.memory_space<vmem>>, vector<16xf32>,
        %get3A_1273 = arith.index_cast %add3A_1267 : i32 to index
        %get3A_1274 = arith.constant 0 : index
        %get3A_1275 = tpu.vector_load %arg13[%get3A_1273, %get3A_1274] {strides = array<i32>} : memref<128x64xf32, #tpu.memory_space<vmem>>, vector<16xf32>,
        %get3A_1276 = arith.index_cast %add3A_1267 : i32 to index
        %get3A_1277 = arith.constant 0 : index
        %get3A_1278 = tpu.vector_load %arg14[%get3A_1276, %get3A_1277] {strides = array<i32>} : memref<128x64xf32, #tpu.memory_space<vmem>>, vector<16xf32>,
        %sub3A_1279 = arith.subf %get3A_1275, %get3A_1278 : vector<16xf32>
        %mul3A_1280 = arith.mulf %get3A_1272, %sub3A_1279 : vector<16xf32>
        %add3A_1281 = arith.addf %broadcast_in_dim3A_1269, %mul3A_1280 : vector<16xf32>
        %mul3A_1282 = arith.mulf %get3A_1272, %get3A_1272 : vector<16xf32>
        %mul3A_1283 = arith.mulf %get3A_1275, %get3A_1275 : vector<16xf32>
        %mul3A_1284 = arith.mulf %get3A_1278, %get3A_1278 : vector<16xf32>
        %add3A_1285 = arith.addf %mul3A_1283, %mul3A_1284 : vector<16xf32>
        %add3A_1286 = arith.addf %mul3A_1282, %add3A_1285 : vector<16xf32>
        %add3A_1287 = arith.addf %add3A_1254, %add3A_1286 : vector<16xf32>
        %get3A_1288 = arith.index_cast %add3A_1267 : i32 to index
        %get3A_1289 = arith.constant 16 : index
        %get3A_1290 = tpu.vector_load %arg12[%get3A_1288, %get3A_1289] {strides = array<i32>} : memref<128x64xf32, #tpu.memory_space<vmem>>, vector<16xf32>,
        %get3A_1291 = arith.index_cast %add3A_1267 : i32 to index
        %get3A_1292 = arith.constant 16 : index
        %get3A_1293 = tpu.vector_load %arg13[%get3A_1291, %get3A_1292] {strides = array<i32>} : memref<128x64xf32, #tpu.memory_space<vmem>>, vector<16xf32>,
        %get3A_1294 = arith.index_cast %add3A_1267 : i32 to index
        %get3A_1295 = arith.constant 16 : index
        %get3A_1296 = tpu.vector_load %arg14[%get3A_1294, %get3A_1295] {strides = array<i32>} : memref<128x64xf32, #tpu.memory_space<vmem>>, vector<16xf32>,
        %sub3A_1297 = arith.subf %get3A_1293, %get3A_1296 : vector<16xf32>
        %mul3A_1298 = arith.mulf %get3A_1290, %sub3A_1297 : vector<16xf32>
        %add3A_1299 = arith.addf %add3A_1281, %mul3A_1298 : vector<16xf32>
        %mul3A_1300 = arith.mulf %get3A_1290, %get3A_1290 : vector<16xf32>
        %mul3A_1301 = arith.mulf %get3A_1293, %get3A_1293 : vector<16xf32>
        %mul3A_1302 = arith.mulf %get3A_1296, %get3A_1296 : vector<16xf32>
        %add3A_1303 = arith.addf %mul3A_1301, %mul3A_1302 : vector<16xf32>
        %add3A_1304 = arith.addf %mul3A_1300, %add3A_1303 : vector<16xf32>
        %add3A_1305 = arith.addf %add3A_1287, %add3A_1304 : vector<16xf32>
        %get3A_1306 = arith.index_cast %add3A_1267 : i32 to index
        %get3A_1307 = arith.constant 32 : index
        %get3A_1308 = tpu.vector_load %arg12[%get3A_1306, %get3A_1307] {strides = array<i32>} : memref<128x64xf32, #tpu.memory_space<vmem>>, vector<16xf32>,
        %get3A_1309 = arith.index_cast %add3A_1267 : i32 to index
        %get3A_1310 = arith.constant 32 : index
        %get3A_1311 = tpu.vector_load %arg13[%get3A_1309, %get3A_1310] {strides = array<i32>} : memref<128x64xf32, #tpu.memory_space<vmem>>, vector<16xf32>,
        %get3A_1312 = arith.index_cast %add3A_1267 : i32 to index
        %get3A_1313 = arith.constant 32 : index
        %get3A_1314 = tpu.vector_load %arg14[%get3A_1312, %get3A_1313] {strides = array<i32>} : memref<128x64xf32, #tpu.memory_space<vmem>>, vector<16xf32>,
        %sub3A_1315 = arith.subf %get3A_1311, %get3A_1314 : vector<16xf32>
        %mul3A_1316 = arith.mulf %get3A_1308, %sub3A_1315 : vector<16xf32>
        %add3A_1317 = arith.addf %add3A_1299, %mul3A_1316 : vector<16xf32>
        %mul3A_1318 = arith.mulf %get3A_1308, %get3A_1308 : vector<16xf32>
        %mul3A_1319 = arith.mulf %get3A_1311, %get3A_1311 : vector<16xf32>
        %mul3A_1320 = arith.mulf %get3A_1314, %get3A_1314 : vector<16xf32>
        %add3A_1321 = arith.addf %mul3A_1319, %mul3A_1320 : vector<16xf32>
        %add3A_1322 = arith.addf %mul3A_1318, %add3A_1321 : vector<16xf32>
        %add3A_1323 = arith.addf %add3A_1305, %add3A_1322 : vector<16xf32>
        %get3A_1324 = arith.index_cast %add3A_1267 : i32 to index
        %get3A_1325 = arith.constant 48 : index
        %get3A_1326 = tpu.vector_load %arg12[%get3A_1324, %get3A_1325] {strides = array<i32>} : memref<128x64xf32, #tpu.memory_space<vmem>>, vector<16xf32>,
        %get3A_1327 = arith.index_cast %add3A_1267 : i32 to index
        %get3A_1328 = arith.constant 48 : index
        %get3A_1329 = tpu.vector_load %arg13[%get3A_1327, %get3A_1328] {strides = array<i32>} : memref<128x64xf32, #tpu.memory_space<vmem>>, vector<16xf32>,
        %get3A_1330 = arith.index_cast %add3A_1267 : i32 to index
        %get3A_1331 = arith.constant 48 : index
        %get3A_1332 = tpu.vector_load %arg14[%get3A_1330, %get3A_1331] {strides = array<i32>} : memref<128x64xf32, #tpu.memory_space<vmem>>, vector<16xf32>,
        %sub3A_1333 = arith.subf %get3A_1329, %get3A_1332 : vector<16xf32>
        %mul3A_1334 = arith.mulf %get3A_1326, %sub3A_1333 : vector<16xf32>
        %add3A_1335 = arith.addf %add3A_1317, %mul3A_1334 : vector<16xf32>
        %mul3A_1336 = arith.mulf %get3A_1326, %get3A_1326 : vector<16xf32>
        %mul3A_1337 = arith.mulf %get3A_1329, %get3A_1329 : vector<16xf32>
        %mul3A_1338 = arith.mulf %get3A_1332, %get3A_1332 : vector<16xf32>
        %add3A_1339 = arith.addf %mul3A_1337, %mul3A_1338 : vector<16xf32>
        %add3A_1340 = arith.addf %mul3A_1336, %add3A_1339 : vector<16xf32>
        %add3A_1341 = arith.addf %add3A_1323, %add3A_1340 : vector<16xf32>
        %reduce_sum3A_1342 = arith.constant true
        %reduce_sum3A_1343 = vector.broadcast %reduce_sum3A_1342 : i1 to vector<16xi1>
        %reduce_sum3A_1344 = tpu.scan <sum>, %add3A_1335 masked %reduce_sum3A_1343 : vector<16xf32>, vector<16xi1> -> vector<16xf32>
        %reduce_sum3A_1345 = vector.extract %reduce_sum3A_1344[15] : f32 from vector<16xf32>
        %eq3A_1346 = arith.constant 14 : i32
        %eq3A_1347 = vector.broadcast %eq3A_1346 : i32 to vector<16xi32>
        %eq3A_1348 = arith.cmpi eq, %iota3A, %eq3A_1347 : vector<16xi32>
        %broadcast_in_dim3A_1349 = vector.broadcast %reduce_sum3A_1345 : f32 to vector<16xf32>
        %select_n3A_1350 = arith.select %eq3A_1348, %broadcast_in_dim3A_1349, %select_n3A_1263 : vector<16xi1>, vector<16xf32>
        %mul3A_1351 = arith.constant 16 : i32
        %mul3A_1352 = arith.muli %scan3A_47, %mul3A_1351 : i32
        %add3A_1353 = arith.constant 15 : i32
        %add3A_1354 = arith.addi %mul3A_1352, %add3A_1353 : i32
        %broadcast_in_dim3A_1355 = arith.constant 0.000000e+00 : f32
        %broadcast_in_dim3A_1356 = vector.broadcast %broadcast_in_dim3A_1355 : f32 to vector<16xf32>
        %get3A_1357 = arith.index_cast %add3A_1354 : i32 to index
        %get3A_1358 = arith.constant 0 : index
        %get3A_1359 = tpu.vector_load %arg12[%get3A_1357, %get3A_1358] {strides = array<i32>} : memref<128x64xf32, #tpu.memory_space<vmem>>, vector<16xf32>,
        %get3A_1360 = arith.index_cast %add3A_1354 : i32 to index
        %get3A_1361 = arith.constant 0 : index
        %get3A_1362 = tpu.vector_load %arg13[%get3A_1360, %get3A_1361] {strides = array<i32>} : memref<128x64xf32, #tpu.memory_space<vmem>>, vector<16xf32>,
        %get3A_1363 = arith.index_cast %add3A_1354 : i32 to index
        %get3A_1364 = arith.constant 0 : index
        %get3A_1365 = tpu.vector_load %arg14[%get3A_1363, %get3A_1364] {strides = array<i32>} : memref<128x64xf32, #tpu.memory_space<vmem>>, vector<16xf32>,
        %sub3A_1366 = arith.subf %get3A_1362, %get3A_1365 : vector<16xf32>
        %mul3A_1367 = arith.mulf %get3A_1359, %sub3A_1366 : vector<16xf32>
        %add3A_1368 = arith.addf %broadcast_in_dim3A_1356, %mul3A_1367 : vector<16xf32>
        %mul3A_1369 = arith.mulf %get3A_1359, %get3A_1359 : vector<16xf32>
        %mul3A_1370 = arith.mulf %get3A_1362, %get3A_1362 : vector<16xf32>
        %mul3A_1371 = arith.mulf %get3A_1365, %get3A_1365 : vector<16xf32>
        %add3A_1372 = arith.addf %mul3A_1370, %mul3A_1371 : vector<16xf32>
        %add3A_1373 = arith.addf %mul3A_1369, %add3A_1372 : vector<16xf32>
        %add3A_1374 = arith.addf %add3A_1341, %add3A_1373 : vector<16xf32>
        %get3A_1375 = arith.index_cast %add3A_1354 : i32 to index
        %get3A_1376 = arith.constant 16 : index
        %get3A_1377 = tpu.vector_load %arg12[%get3A_1375, %get3A_1376] {strides = array<i32>} : memref<128x64xf32, #tpu.memory_space<vmem>>, vector<16xf32>,
        %get3A_1378 = arith.index_cast %add3A_1354 : i32 to index
        %get3A_1379 = arith.constant 16 : index
        %get3A_1380 = tpu.vector_load %arg13[%get3A_1378, %get3A_1379] {strides = array<i32>} : memref<128x64xf32, #tpu.memory_space<vmem>>, vector<16xf32>,
        %get3A_1381 = arith.index_cast %add3A_1354 : i32 to index
        %get3A_1382 = arith.constant 16 : index
        %get3A_1383 = tpu.vector_load %arg14[%get3A_1381, %get3A_1382] {strides = array<i32>} : memref<128x64xf32, #tpu.memory_space<vmem>>, vector<16xf32>,
        %sub3A_1384 = arith.subf %get3A_1380, %get3A_1383 : vector<16xf32>
        %mul3A_1385 = arith.mulf %get3A_1377, %sub3A_1384 : vector<16xf32>
        %add3A_1386 = arith.addf %add3A_1368, %mul3A_1385 : vector<16xf32>
        %mul3A_1387 = arith.mulf %get3A_1377, %get3A_1377 : vector<16xf32>
        %mul3A_1388 = arith.mulf %get3A_1380, %get3A_1380 : vector<16xf32>
        %mul3A_1389 = arith.mulf %get3A_1383, %get3A_1383 : vector<16xf32>
        %add3A_1390 = arith.addf %mul3A_1388, %mul3A_1389 : vector<16xf32>
        %add3A_1391 = arith.addf %mul3A_1387, %add3A_1390 : vector<16xf32>
        %add3A_1392 = arith.addf %add3A_1374, %add3A_1391 : vector<16xf32>
        %get3A_1393 = arith.index_cast %add3A_1354 : i32 to index
        %get3A_1394 = arith.constant 32 : index
        %get3A_1395 = tpu.vector_load %arg12[%get3A_1393, %get3A_1394] {strides = array<i32>} : memref<128x64xf32, #tpu.memory_space<vmem>>, vector<16xf32>,
        %get3A_1396 = arith.index_cast %add3A_1354 : i32 to index
        %get3A_1397 = arith.constant 32 : index
        %get3A_1398 = tpu.vector_load %arg13[%get3A_1396, %get3A_1397] {strides = array<i32>} : memref<128x64xf32, #tpu.memory_space<vmem>>, vector<16xf32>,
        %get3A_1399 = arith.index_cast %add3A_1354 : i32 to index
        %get3A_1400 = arith.constant 32 : index
        %get3A_1401 = tpu.vector_load %arg14[%get3A_1399, %get3A_1400] {strides = array<i32>} : memref<128x64xf32, #tpu.memory_space<vmem>>, vector<16xf32>,
        %sub3A_1402 = arith.subf %get3A_1398, %get3A_1401 : vector<16xf32>
        %mul3A_1403 = arith.mulf %get3A_1395, %sub3A_1402 : vector<16xf32>
        %add3A_1404 = arith.addf %add3A_1386, %mul3A_1403 : vector<16xf32>
        %mul3A_1405 = arith.mulf %get3A_1395, %get3A_1395 : vector<16xf32>
        %mul3A_1406 = arith.mulf %get3A_1398, %get3A_1398 : vector<16xf32>
        %mul3A_1407 = arith.mulf %get3A_1401, %get3A_1401 : vector<16xf32>
        %add3A_1408 = arith.addf %mul3A_1406, %mul3A_1407 : vector<16xf32>
        %add3A_1409 = arith.addf %mul3A_1405, %add3A_1408 : vector<16xf32>
        %add3A_1410 = arith.addf %add3A_1392, %add3A_1409 : vector<16xf32>
        %get3A_1411 = arith.index_cast %add3A_1354 : i32 to index
        %get3A_1412 = arith.constant 48 : index
        %get3A_1413 = tpu.vector_load %arg12[%get3A_1411, %get3A_1412] {strides = array<i32>} : memref<128x64xf32, #tpu.memory_space<vmem>>, vector<16xf32>,
        %get3A_1414 = arith.index_cast %add3A_1354 : i32 to index
        %get3A_1415 = arith.constant 48 : index
        %get3A_1416 = tpu.vector_load %arg13[%get3A_1414, %get3A_1415] {strides = array<i32>} : memref<128x64xf32, #tpu.memory_space<vmem>>, vector<16xf32>,
        %get3A_1417 = arith.index_cast %add3A_1354 : i32 to index
        %get3A_1418 = arith.constant 48 : index
        %get3A_1419 = tpu.vector_load %arg14[%get3A_1417, %get3A_1418] {strides = array<i32>} : memref<128x64xf32, #tpu.memory_space<vmem>>, vector<16xf32>,
        %sub3A_1420 = arith.subf %get3A_1416, %get3A_1419 : vector<16xf32>
        %mul3A_1421 = arith.mulf %get3A_1413, %sub3A_1420 : vector<16xf32>
        %add3A_1422 = arith.addf %add3A_1404, %mul3A_1421 : vector<16xf32>
        %mul3A_1423 = arith.mulf %get3A_1413, %get3A_1413 : vector<16xf32>
        %mul3A_1424 = arith.mulf %get3A_1416, %get3A_1416 : vector<16xf32>
        %mul3A_1425 = arith.mulf %get3A_1419, %get3A_1419 : vector<16xf32>
        %add3A_1426 = arith.addf %mul3A_1424, %mul3A_1425 : vector<16xf32>
        %add3A_1427 = arith.addf %mul3A_1423, %add3A_1426 : vector<16xf32>
        %add3A_1428 = arith.addf %add3A_1410, %add3A_1427 : vector<16xf32>
        %reduce_sum3A_1429 = arith.constant true
        %reduce_sum3A_1430 = vector.broadcast %reduce_sum3A_1429 : i1 to vector<16xi1>
        %reduce_sum3A_1431 = tpu.scan <sum>, %add3A_1422 masked %reduce_sum3A_1430 : vector<16xf32>, vector<16xi1> -> vector<16xf32>
        %reduce_sum3A_1432 = vector.extract %reduce_sum3A_1431[15] : f32 from vector<16xf32>
        %eq3A_1433 = arith.constant 15 : i32
        %eq3A_1434 = vector.broadcast %eq3A_1433 : i32 to vector<16xi32>
        %eq3A_1435 = arith.cmpi eq, %iota3A, %eq3A_1434 : vector<16xi32>
        %broadcast_in_dim3A_1436 = vector.broadcast %reduce_sum3A_1432 : f32 to vector<16xf32>
        %select_n3A_1437 = arith.select %eq3A_1435, %broadcast_in_dim3A_1436, %select_n3A_1350 : vector<16xi1>, vector<16xf32>
        %mul3A_1438 = arith.constant 128 : i32
        %mul3A_1439 = arith.muli %scan3A_12, %mul3A_1438 : i32
        %mul3A_1440 = arith.constant 16 : i32
        %mul3A_1441 = arith.muli %scan3A_47, %mul3A_1440 : i32
        %add3A_1442 = arith.addi %mul3A_1439, %mul3A_1441 : i32
        %swap3A_1443 = arith.index_cast %add3A_1442 : i32 to index
        %swap3A_1444 = tpu.vector_load %arg15[%swap3A_1443] {strides = array<i32>} : memref<512xf32, #tpu.memory_space<vmem>>, vector<16xf32>,
        tpu.vector_store %arg15[%swap3A_1443], %select_n3A_1437 {strides = array<i32>} : memref<512xf32, #tpu.memory_space<vmem>>, vector<16xf32>,
        scf.yield %add3A_1428 : vector<16xf32>
      }
      %scan3A_46 = arith.constant 8 : i32
      scf.yield %scan3A_45 : vector<16xf32>
    }
    %scan3A_8 = arith.constant 4 : i32
    %swap3A = arith.constant 0 : index
    %swap3A_9 = tpu.vector_load %arg16[%swap3A] {strides = array<i32>} : memref<16xf32, #tpu.memory_space<vmem>>, vector<16xf32>,
    tpu.vector_store %arg16[%swap3A], %scan3A_7 {strides = array<i32>} : memref<16xf32, #tpu.memory_space<vmem>>, vector<16xf32>,
    "tpu.region"() ({
      %run_scoped3A = tpu.sem_alloc : memref<!tpu.dma_semaphore, #tpu.memory_space<semaphore_mem>>
      %dma_start3A = tpu.memref_slice %arg7[%mul3A_2] : memref<16384xf32, #tpu.memory_space<hbm>> -> memref<512xf32, #tpu.memory_space<hbm>>
      %dma_start3A_12 = tpu.memref_slice %arg7[%mul3A_2] : memref<16384xf32, #tpu.memory_space<hbm>> -> memref<512xf32, #tpu.memory_space<hbm>>
      tpu.enqueue_dma source(%arg15 : memref<512xf32, #tpu.memory_space<vmem>>) target(%dma_start3A_12 : memref<512xf32, #tpu.memory_space<hbm>>) target_semaphore(%run_scoped3A : memref<!tpu.dma_semaphore, #tpu.memory_space<semaphore_mem>>)
      %dma_wait3A = tpu.memref_slice %arg7[%mul3A_2] : memref<16384xf32, #tpu.memory_space<hbm>> -> memref<512xf32, #tpu.memory_space<hbm>>
      %dma_wait3A_13 = tpu.memref_slice %arg7[%mul3A_2] : memref<16384xf32, #tpu.memory_space<hbm>> -> memref<512xf32, #tpu.memory_space<hbm>>
      tpu.wait_dma2 semaphore(%run_scoped3A : memref<!tpu.dma_semaphore, #tpu.memory_space<semaphore_mem>>) src(%arg15 : memref<512xf32, #tpu.memory_space<vmem>>) dst(%dma_wait3A_13 : memref<512xf32, #tpu.memory_space<hbm>>)
      tpu.yield
    }) : () -> ()
    %mul3A_10 = arith.constant 16 : i32
    %mul3A_11 = arith.muli %add3A, %mul3A_10 : i32
    "tpu.region"() ({
      %run_scoped3A = tpu.sem_alloc : memref<!tpu.dma_semaphore, #tpu.memory_space<semaphore_mem>>
      %dma_start3A = tpu.memref_slice %arg8[%mul3A_11] : memref<512xf32, #tpu.memory_space<hbm>> -> memref<16xf32, #tpu.memory_space<hbm>>
      %dma_start3A_12 = tpu.memref_slice %arg8[%mul3A_11] : memref<512xf32, #tpu.memory_space<hbm>> -> memref<16xf32, #tpu.memory_space<hbm>>
      tpu.enqueue_dma source(%arg16 : memref<16xf32, #tpu.memory_space<vmem>>) target(%dma_start3A_12 : memref<16xf32, #tpu.memory_space<hbm>>) target_semaphore(%run_scoped3A : memref<!tpu.dma_semaphore, #tpu.memory_space<semaphore_mem>>)
      %dma_wait3A = tpu.memref_slice %arg8[%mul3A_11] : memref<512xf32, #tpu.memory_space<hbm>> -> memref<16xf32, #tpu.memory_space<hbm>>
      %dma_wait3A_13 = tpu.memref_slice %arg8[%mul3A_11] : memref<512xf32, #tpu.memory_space<hbm>> -> memref<16xf32, #tpu.memory_space<hbm>>
      tpu.wait_dma2 semaphore(%run_scoped3A : memref<!tpu.dma_semaphore, #tpu.memory_space<semaphore_mem>>) src(%arg16 : memref<16xf32, #tpu.memory_space<vmem>>) dst(%dma_wait3A_13 : memref<16xf32, #tpu.memory_space<hbm>>)
      tpu.yield
    }) : () -> ()
    return
  }
}

module attributes {stable_mosaic.version = 14 : i64} {
  func.func @body(%arg0: memref<128x128xf32, #tpu.memory_space<vmem>>, %arg1: memref<4x128xf32, #tpu.memory_space<vmem>>, %arg2: memref<1x1xf32, #tpu.memory_space<smem>>) attributes {dimension_semantics = [], scalar_prefetch = 0 : i64, scratch_operands = 0 : i64, tpu.core_type = #tpu.core_type<tc>} {
    %get3A = arith.constant 0 : index
    %get3A_0 = arith.constant 0 : index
    %get3A_1 = vector.load %arg0[%get3A, %get3A_0] : memref<128x128xf32, #tpu.memory_space<vmem>>, vector<128x128xf32>
    %min3A = arith.constant 0.000000e+00 : f32
    %min3A_2 = vector.broadcast %min3A : f32 to vector<128x128xf32>
    %min3A_3 = arith.minimumf %get3A_1, %min3A_2 : vector<128x128xf32>
    %abs3A = math.absf %get3A_1 : vector<128x128xf32>
    %neg3A = arith.constant 0.000000e+00 : f32
    %neg3A_4 = vector.broadcast %neg3A : f32 to vector<128x128xf32>
    %neg3A_5 = arith.subf %neg3A_4, %abs3A : vector<128x128xf32>
    %exp3A = math.exp %neg3A_5 : vector<128x128xf32>
    %log1p3A = math.log1p %exp3A : vector<128x128xf32>
    %sub3A = arith.subf %min3A_3, %log1p3A : vector<128x128xf32>
    %get3A_6 = arith.constant 0 : index
    %get3A_7 = arith.constant 0 : index
    %get3A_8 = vector.load %arg1[%get3A_6, %get3A_7] : memref<4x128xf32, #tpu.memory_space<vmem>>, vector<4x128xf32>
    %reduce_sum3A = vector.shape_cast %get3A_8 : vector<4x128xf32> to vector<1x4x128xf32>
    %reduce_sum3A_9 = arith.constant dense<0.000000e+00> : vector<1xf32>
    %reduce_sum3A_10 = vector.multi_reduction <add>, %reduce_sum3A, %reduce_sum3A_9 [1, 2] : vector<1x4x128xf32> to vector<1xf32>
    %reduce_sum3A_11 = vector.shape_cast %reduce_sum3A_10 : vector<1xf32> to vector<1x1x1xf32>
    %reduce_sum3A_12 = vector.extract %reduce_sum3A_11[0, 0, 0] : f32 from vector<1x1x1xf32>
    %mul3A = arith.constant 9.99999974E-5 : f32
    %mul3A_13 = arith.mulf %mul3A, %reduce_sum3A_12 : f32
    %reduce_sum3A_14 = vector.shape_cast %sub3A : vector<128x128xf32> to vector<1x128x128xf32>
    %reduce_sum3A_15 = arith.constant dense<0.000000e+00> : vector<1xf32>
    %reduce_sum3A_16 = vector.multi_reduction <add>, %reduce_sum3A_14, %reduce_sum3A_15 [1, 2] : vector<1x128x128xf32> to vector<1xf32>
    %reduce_sum3A_17 = vector.shape_cast %reduce_sum3A_16 : vector<1xf32> to vector<1x1x1xf32>
    %reduce_sum3A_18 = vector.extract %reduce_sum3A_17[0, 0, 0] : f32 from vector<1x1x1xf32>
    %sub3A_19 = arith.subf %mul3A_13, %reduce_sum3A_18 : f32
    %swap3A = arith.constant 0 : index
    %swap3A_20 = arith.constant 0 : index
    %swap3A_21 = memref.load %arg2[%swap3A, %swap3A_20] : memref<1x1xf32, #tpu.memory_space<smem>>
    memref.store %sub3A_19, %arg2[%swap3A, %swap3A_20] : memref<1x1xf32, #tpu.memory_space<smem>>
    return
  }
}

</mosaic_0001>

<sc_bundles>
// kernel: kernel.4.cloned.1.call-start
scs
__scs_entry_jumppad:
0x0: {  	(pc) =	sbr.rel $0x88, $3  }
0x1: {  	(tag) =	ssettag $0x0;
	lr =	simm.s32 $0x1  }
0x2: {  	[smem:$0x3F9C] =	sst lr;
	_ =	strace $0xD0000000  }
0x3: {  	_ = 	snop  }
0x4: {  	_ = 	snop  }
0x5: {  	_ = 	snop  }
0x6: {  	_ = 	snop  }
0x7: {  	_ = 	snop  }
__scs_overlays_trampoline_lowered:
0x8: {  	[smem:$0x3FAB] =	sst s0  }
0x9: {  	[smem:$0x3FAC] =	sst s1  }
0xa: {  	[smem:$0x3FAD] =	sst s2  }
0xb: {  	[smem:$0x3FAE] =	sst s3  }
0xc: {  	[smem:$0x3FAF] =	sst s4  }
0xd: {  	[smem:$0x3FB0] =	sst s5  }
0xe: {  	[smem:$0x3FB1] =	sst s6  }
0xf: {  	[smem:$0x3FB2] =	sst s7  }
0x10: {  	[smem:$0x3FB3] =	sst s8  }
0x11: {  	[smem:$0x3FB4] =	sst s9;
	s0 =	simm.s32 @!p0 $0x0  }
0x12: {  	s1 =	sld [smem:$0x3F9A];
	s0 =	simm.s32 @p0 $0x1  }
0x13: {  	[smem:$0x3FB5] =	sst s0;
	s0 =	simm.s32 @!p1 $0x0  }
0x14: {  	s2 =	sld [smem:$0x3F99];
	s0 =	simm.s32 @p1 $0x1  }
0x15: {  	[smem:$0x3FB6] =	sst s0;
	s0 =	simm.s32 @!p2 $0x0  }
0x16: {  	s3 =	sld [smem:$0x3FDB];
	s0 =	simm.s32 @p2 $0x1  }
0x17: {  	s4 =	simm.s32 $0x1BF5;
	[smem:$0x3FB8] =	sst s0  }
0x18: {  	s0 =	sld [smem:$0x3F9B];
	_ =	swait.ge [sflag:s4], $0x0  }
0x19: {  	s7 =	sld [smem:$0x3F9C]  }
0x1a: {  	s8 =	sadd.s32 $0xFFFFE003, lr  }
0x1b: {  	s9 =	sadd.s32 $0xFFFFFEF7, lr;
	s5 =	simm.s32 $0xFFFFFFFF;
	p2 =	slt.u32 s8, $0xFFFFF086  }
0x1c: {  	p1 =	slt.u32 s9, $0xF7A;
	s5 =	simm.s32 @!p2 $0x0  }
0x1d: {  	s5 =	simm.s32 @p1 $0x1;
	p0 =	seq.s32 s7, s2  }
0x1e: {  	s7 =	smul.u32 @!p0 $0xF7A, s2;
	p2 =	seq.s32 @!p0 s5, $0x0  }
0x1f: {  	s9 =	smul.u32 $0xF7A, s1;
	s8 =	simm.s32 @!p0 $0x1BF5;
	p2 =	por !p2, p0  }
0x20: {  	[sflag:s8] =	ssyncset.s32 @!p0 $0xFFFFF086;
	s6 =	sadd.s32 @!p0 s3, s7;
	s7 =	simm.s32 @!p0 $0x108  }
0x21: {  	s3 =	sadd.s32 s3, s9;
	s6 =	sadd.s32 @!p0 $0x88, s6;
	s7 =	simm.s32 @p2 $0x1082  }
0x22: {  	[simem:s7], [sflag:s8] =	dma.local @!p0 [hbm:s6], $0xF7A  }
0x23: {  	s9 =	sor.u32 $0xD0000000, s2;
	s6 =	simm.s32 $0x108;
	_ =	swait.ge @!p0 [sflag:s8], $0x0  }
0x24: {  	s3 =	sadd.s32 $0x88, s3;
	s6 =	simm.s32 @!p1 $0x1082;
	[sflag:s4] =	ssyncset.s32 $0xFFFFF086  }
0x25: {  	[simem:s6], [sflag:s4] =	dma.local [hbm:s3], $0xF7A  }
0x26: {  	[smem:$0x3F9C] =	sst s1;
	(tag) =	ssettag s2;
	_ =	strace s9  }
0x27: {  	s1 =	sld [smem:$0x3FAC]  }
0x28: {  	s2 =	sld [smem:$0x3FAD]  }
0x29: {  	s4 =	sld [smem:$0x3FAF]  }
0x2a: {  	p0 =	seq.s32 s5, $0x0;
	s5 =	sld [smem:$0x3FB0]  }
0x2b: {  	s6 =	sld [smem:$0x3FB1]  }
0x2c: {  	s7 =	sld [smem:$0x3FB2]  }
0x2d: {  	s3 =	simm.s32 $0x108;
	s8 =	sld [smem:$0x3FB3]  }
0x2e: {  	s3 =	simm.s32 @!p0 $0x1082;
	s9 =	sld [smem:$0x3FB4]  }
0x2f: {  	lr =	sadd.s32 s0, s3;
	s0 =	sld [smem:$0x3FAB]  }
0x30: {  	s3 =	sld [smem:$0x3FAE]  }
0x31: {  	[smem:$0x3FB7] =	sst s10  }
0x32: {  	s10 =	sld [smem:$0x3FB5];
	_ =	sdelay $0x3  }
0x33: {  	p0 =	seq.s32 s10, $0x1;
	s10 =	sld [smem:$0x3FB7];
	_ =	sdelay $0x3  }
0x34: {  	[smem:$0x3FB7] =	sst s10  }
0x35: {  	s10 =	sld [smem:$0x3FB6];
	_ =	sdelay $0x3  }
0x36: {  	p1 =	seq.s32 s10, $0x1;
	s10 =	sld [smem:$0x3FB7];
	_ =	sdelay $0x3  }
0x37: {  	[smem:$0x3FB7] =	sst s10  }
0x38: {  	s10 =	sld [smem:$0x3FB8]  }
0x39: {  	_ = 	snop;
	(pc) =	sbr.ind lr, $3  }
0x3a: {  	_ = 	snop  }
0x3b: {  	_ = 	snop  }
0x3c: {  	p2 =	seq.s32 s10, $0x1;
	s10 =	sld [smem:$0x3FB7]  }
0x3d: {  	_ =	shalt  }
0x3e: {  	_ =	shalt  }
0x3f: {  	_ =	shalt  }
0x40: {  	_ =	shalt  }
0x41: {  	_ =	shalt  }
0x42: {  	_ =	shalt  }
0x43: {  	_ =	shalt  }
0x44: {  	_ =	shalt  }
0x45: {  	_ =	shalt  }
0x46: {  	_ =	shalt  }
0x47: {  	_ =	shalt  }
0x48: {  	_ =	shalt  }
0x49: {  	_ =	shalt  }
0x4a: {  	_ =	shalt  }
0x4b: {  	_ =	shalt  }
0x4c: {  	_ =	shalt  }
0x4d: {  	_ =	shalt  }
0x4e: {  	_ =	shalt  }
0x4f: {  	_ =	shalt  }
0x50: {  	_ =	shalt  }
0x51: {  	_ =	shalt  }
0x52: {  	_ =	shalt  }
0x53: {  	_ =	shalt  }
0x54: {  	_ =	shalt  }
0x55: {  	_ =	shalt  }
0x56: {  	_ =	shalt  }
0x57: {  	_ =	shalt  }
0x58: {  	_ =	shalt  }
0x59: {  	_ =	shalt  }
0x5a: {  	_ =	shalt  }
0x5b: {  	_ =	shalt  }
0x5c: {  	_ =	shalt  }
0x5d: {  	_ =	shalt  }
0x5e: {  	_ =	shalt  }
0x5f: {  	_ =	shalt  }
0x60: {  	_ =	shalt  }
0x61: {  	_ =	shalt  }
0x62: {  	_ =	shalt  }
0x63: {  	_ =	shalt  }
0x64: {  	_ =	shalt  }
0x65: {  	_ =	shalt  }
0x66: {  	_ =	shalt  }
0x67: {  	_ =	shalt  }
0x68: {  	_ =	shalt  }
0x69: {  	_ =	shalt  }
0x6a: {  	_ =	shalt  }
0x6b: {  	_ =	shalt  }
0x6c: {  	_ =	shalt  }
0x6d: {  	_ =	shalt  }
0x6e: {  	_ =	shalt  }
0x6f: {  	_ =	shalt  }
0x70: {  	_ =	shalt  }
0x71: {  	_ =	shalt  }
0x72: {  	_ =	shalt  }
0x73: {  	_ =	shalt  }
0x74: {  	_ =	shalt  }
0x75: {  	_ =	shalt  }
0x76: {  	_ =	shalt  }
0x77: {  	_ =	shalt  }
0x78: {  	_ =	shalt  }
0x79: {  	_ =	shalt  }
0x7a: {  	_ =	shalt  }
0x7b: {  	_ =	shalt  }
0x7c: {  	_ =	shalt  }
0x7d: {  	_ =	shalt  }
0x7e: {  	_ =	shalt  }
0x7f: {  	_ =	shalt  }
0x80: {  	_ =	shalt  }
0x81: {  	_ =	shalt  }
0x82: {  	_ =	shalt  }
0x83: {  	_ =	shalt  }
0x84: {  	_ =	shalt  }
0x85: {  	_ =	shalt  }
0x86: {  	_ =	shalt  }
0x87: {  	_ =	shalt  }
.Lfunc_end0:
.L_simem_size_0:
called_computation_lowered:
.L_overlay_start_0:
0x88: {  	s2 =	sld [smem:$0x3FD9]  }
0x89: {  	s3 =	sld [smem:$0x3FFE];
	_ =	sdelay $0x1  }
0x8a: {  	s1 =	srdreg.scid  }
0x8b: {  	s0 =	sand.u32 $0x1, s1  }
0x8c: {  	s17 =	sshll.u32 s0, $0xA;
	s2 =	sadd.s32 s3, s2  }
0x8d: {  	s2 =	sadd.s32 s2, s17  }
0x8e: {  	[smem:$0x3FC3] =	sst s2  }
0x8f: {  	_ = 	snop  }
0x90: {  	s2 =	sld [smem:$0x3FC9]  }
0x91: {  	s18 =	sld [smem:$0x3FC8]  }
0x92: {  	s4 =	sld [smem:$0x3FC7];
	(tm) =	ssettm $0x1  }
0x93: {  	s5 =	sld [smem:$0x3FFB];
	_ =	sdelay $0x3  }
0x94: {  	_ =	strace s5  }
0x95: {  	s5 =	sld [smem:$0x3FFC];
	_ =	sdelay $0x3  }
0x96: {  	_ =	strace s5  }
0x97: {  	s5 =	sld [smem:$0x3FFD];
	_ =	sdelay $0x3  }
0x98: {  	_ =	strace s5  }
0x99: {  	_ =	strace $0x8FFFFFFF  }
0x9a: {  	s19 =	sld [smem:$0x3FDB];
	_ =	sdelay $0x1  }
0x9b: {  	s6 =	simm.s32 $_scs_section_size  }
0x9c: {  	s7 =	simm.s32 $_size__tile_overlayer_lowered;
	s8 =	simm.s32 $_tile_overlayer_lowered  }
0x9d: {  	s22 =	simm.s32 $0x1BFF;
	s21 =	sshll.u32 s8, $0x1;
	s5 =	sadd.s32 s6, s19  }
0x9e: {  	s9 =	simm.s32 $0x0;
	s20 =	sshll.u32 s7, $0x1;
	s7 =	sadd.s32 s21, s5  }
0x9f: {  	[timem:s9], [sflag:s22] =	dma.local [hbm:s7], s20  }
0xa0: {  	_ =	swait.ge [sflag:s22], s20  }
0xa1: {  	s6 =	ssub.s32 $0x0, s20;
	[sflag:s22] =	ssyncset.done $0x0  }
0xa2: {  	[sflag:s22] =	ssyncadd.s32 s6;
	_ =	sdelay $0x1  }
0xa3: {  	s23 =	simm.s32 $0x1B8B  }
0xa4: {  	_ =	swait.ge [sflag:s23], $0x1  }
0xa5: {  	[sflag:s23] =	ssyncset.done $0x0  }
0xa6: {  	s25 =	simm.s32 $0x1B8E;
	s24 =	sld [smem:$0x3FFE];
	[sflag:s23] =	ssyncadd.s32 $0xFFFFFFFF  }
0xa7: {  	s26 =	simm.s32 $execute0_lowered;
	[smem:$0x3FD2] =	sst s25  }
0xa8: {  	s7 =	sshll.u32 s26, $0x1;
	_ =	strace $0x80000046;
	[dreg:$0x1] =	wrdreg $0xFFFFFFFF  }
0xa9: {  	s28 =	simm.s32 $_size_execute0_lowered;
	s5 =	sadd.s32 s5, s7;
	[dreg:$0x0] =	wrdreg $0x0  }
0xaa: {  	s7 =	sshll.u32 s28, $0x1;
	[dreg:$0x2] =	wrdreg s5  }
0xab: {  	[dreg:$0x3] =	wrdreg s7  }
0xac: {  	[dreg:$0x4] =	wrdreg $0xC0  }
0xad: {  	_ =	task [dreg:s9], $0x5FFFF  }
0xae: {  	[dreg:$0x1] =	wrdreg $0xFFFFFFFF  }
0xaf: {  	[dreg:$0x0] =	wrdreg $0x60  }
0xb0: {  	[dreg:$0x2] =	wrdreg s2  }
0xb1: {  	[dreg:$0x3] =	wrdreg s18  }
0xb2: {  	[dreg:$0x4] =	wrdreg s4  }
0xb3: {  	[dreg:$0x5] =	wrdreg s24  }
0xb4: {  	[dreg:$0x6] =	wrdreg $0x9  }
0xb5: {  	_ =	task.clear_ibuf [dreg:s9], $0x7FFFF;
	_ =	strace $0x90000046  }
0xb6: {  	s29 =	simm.s32 $0x9;
	_ =	strace $0x80000048  }
0xb7: {  	_ =	swait.ge [sflag:s29], $0x1  }
0xb8: {  	[sflag:s29] =	ssyncadd.s32 $0xFFFFFFFF  }
0xb9: {  	_ =	strace $0x90000048  }
0xba: {  	_ =	sfence  }
0xbb: {  	s30 =	sld [smem:$0x0];
	_ =	sdelay $0x2  }
0xbc: {  	s31 =	sshll.u32 s1, $0xD;
	s1 =	sshrl.u32 s1, $0x2  }
0xbd: {  	s3 =	sand.u32 $0x4000, s31;
	s1 =	sadd.s32 s1, s30  }
0xbe: {  	s0 =	sor.u32 s3, s0;
	s1 =	sshll.u32 s1, $0x11  }
0xbf: {  	s0 =	sor.u32 s1, s0  }
0xc0: {  	s0 =	sadd.s32 $0x8F2B, s0  }
0xc1: {  	[sflag:s0] =	ssyncadd.remote.s32 $0x1  }
0xc2: {  	_ =	sfence.sel $0xFFFF  }
0xc3: {  	[dreg:$0x0] =	wrdreg $0xFFFFFFFF;
	(pc) =	sbr.abs _section_cstart, $3  }
0xc4: {  	[dreg:$0x1] =	wrdreg $0xFFFFFFFF  }
0xc5: {  	_ =	task.clear_ibuf [dreg:s9], $0x2FFFF;
	_ =	strace $0x9FFFFFFF  }
0xc6: {  	(tm) =	ssettm $0x7FFFFFFF  }
0xc7: {  	_ =	shalt  }
tec
execute0_lowered:
.L_overlay_start_1:
0x0: {  	(tag) =	ssettag $0x1  }
0x1: {  	s1 =	rddreg [dreg:$0x0]  }
0x2: {  	s2 =	rddreg [dreg:$0x1]  }
0x3: {  	s3 =	rddreg [dreg:$0x2]  }
0x4: {  	s8 =	rddreg [dreg:$0x3]  }
0x5: {  	s0 =	rddreg [dreg:$0x4];
	s5 =	simm.s32 $0x0  }
0x6: {  	s6 =	srdreg.scid;
	s4 =	stileid.u32;
	s14 =	simm.s32 $0x2  }
0x7: {  	s15 =	simm.s32 $0x3;
	s16 =	simm.s32 $0xC180;
	s17 =	simm.s32 $0xC380  }
0x8: {  	s18 =	simm.s32 $0x0;
	[smem:$0x7FF] =	sst s5;
	s9 =	sand.u32 $0x1, s6  }
0x9: {  	vm1 =	vcmask $0x308;
	s10 =	sshll.u32 s4, $0x1;
	s6 =	sadd.s32 $0xC00, s8;
	s7 =	sadd.s32 $0x187600, s8  }
0xa: {  	vm2 =	vcmask $0x70C;
	vm3 =	vcmask $0xB10;
	vm4 =	vcmask $0xF14;
	_ =	strace $0x80000047;
	s10 =	sor.u32 s9, s10;
	s9 =	ssub.s32 $0x2, s9  }
0xb: {  	vm5 =	vcmask $0x1318;
	vm6 =	vcmask $0x171C;
	vm7 =	vcmask $0x1B20;
	s11 =	sshll.u32 s10, $0x6;
	s12 =	sshll.u32 s10, $0x1;
	s31 =	sshrl.u32 s9, $0x1  }
0xc: {  	vm8 =	vcmask $0x1F24;
	vm9 =	vcmask $0x2328;
	vm10 =	vcmask $0x272C;
	s11 =	sadd.s32 s11, s8;
	s12 =	sadd.s32 s12, s8;
	s8 =	sshll.u32 s10, $0x9  }
0xd: {  	vm0 =	vmmov $0x1;
	vm11 =	vcmask $0x2B30;
	vm12 =	vcmask $0x2F34;
	s13 =	ssub.s32 s9, s31;
	s9 =	sadd.s32 $0x10C9A00, s11;
	s10 =	sadd.s32 $0x10CA200, s12  }
0xe: {  	vm13 =	vcmask $0x3338;
	vm14 =	vcmask $0x373C;
	vm15 =	vmmov $0x7fff;
	s11 =	smax.u32 s13, $0x1;
	s12 =	simm.s32 $0x4;
	s13 =	simm.s32 $0x1  }
.LBB2_1:
0xf: {  	v0 =	vimm.f32 $0.0e+00;
	s19 =	simm.s32 $0xC180;
	s20 =	simm.s32 $0x0  }
.LBB2_2:
0x10: {  	s21 =	sshll.u32 s20, $0x7  }
0x11: {  	s21 =	sadd.s32 s8, s21  }
0x12: {  	s23 =	sshrl.u32 s21, $0x3  }
0x13: {  	s21 =	simm.s32 $0x0;
	s22 =	sadd.s32 s1, s23  }
0x14: {  	[tilespmem:s21], [sflag:$0x4] =	stream.linear.gather [hbm4b:s22+s21], $0x80, $0x38;
	[tilespmem:$0xC400] =	vst v63  }
0x15: {  	_ =	swait.ge [sflag:s12], $0x80  }
0x16: {  	[sflag:s12] =	ssyncset.done $0x0  }
0x17: {  	s24 =	sadd.s32 s2, s23;
	s22 =	simm.s32 $0x80;
	[sflag:s12] =	ssyncadd.s32 $0xFFFFFF80  }
0x18: {  	[tilespmem:s22], [sflag:$0x4] =	stream.linear.gather [hbm4b:s24+s21], $0x80, $0x38;
	[tilespmem:$0xC400] =	vst v63  }
0x19: {  	_ =	swait.ge [sflag:s12], $0x80  }
0x1a: {  	[sflag:s12] =	ssyncset.done $0x0  }
0x1b: {  	s31 =	sadd.s32 s3, s23;
	s23 =	simm.s32 $0x100;
	[sflag:s12] =	ssyncadd.s32 $0xFFFFFF80  }
0x1c: {  	[tilespmem:s23], [sflag:$0x4] =	stream.linear.gather [hbm4b:s31+s21], $0x80, $0x38;
	[tilespmem:$0xC400] =	vst v63  }
0x1d: {  	_ =	swait.ge [sflag:s12], $0x80  }
0x1e: {  	[sflag:s12] =	ssyncset.done $0x0  }
0x1f: {  	s24 =	simm.s32 $0x0;
	[sflag:s12] =	ssyncadd.s32 $0xFFFFFF80  }
.LBB2_3:
0x20: {  	v3 =	vld [tilespmem:s23+$0x0];
	_ =	sdelay $0x2  }
0x21: {  	v2 =	vld [tilespmem:s21+$0x0];
	_ =	sdelay $0x1  }
0x22: {  	v4 =	vnsel vm0, $0x0, v3  }
0x23: {  	(xrf0) =	vadd.scan.msk.s32 $0xffff, v4  }
0x24: {  	v1 =	vld [tilespmem:s22+$0x0]  }
0x25: {  	v31 =	vnsel vm0, $0x0, v2  }
0x26: {  	(xrf0) =	vadd.scan.msk.s32 $0xffff, v31;
	_ =	sdelay $0x2  }
0x27: {  	v32 =	vnsel vm0, $0x0, v1;
	v33, _, _ =	vpop (xrf0)  }
0x28: {  	(xrf0) =	vadd.scan.msk.s32 $0xffff, v32;
	(v2sf) =	vpush v33, $0xF;
	_ =	sdelay $0x1  }
0x29: {  	v34, _, _ =	vpop (xrf0)  }
0x2a: {  	(v2sf) =	vpush v34, $0xF;
	_ =	sdelay $0x2  }
0x2b: {  	v35, _, _ =	vpop (xrf0)  }
0x2c: {  	v36 =	vsel vm1, $0x0, v3;
	(v2sf) =	vpush v35, $0xF  }
0x2d: {  	(xrf0) =	vadd.scan.msk.s32 $0xffff, v36;
	_ =	sdelay $0x1  }
0x2e: {  	v37 =	vsel vm1, $0x0, v2  }
0x2f: {  	(xrf0) =	vadd.scan.msk.s32 $0xffff, v37;
	_ =	sdelay $0x2  }
0x30: {  	v38 =	vsel vm1, $0x0, v1;
	v39, _, _ =	vpop (xrf0)  }
0x31: {  	(xrf0) =	vadd.scan.msk.s32 $0xffff, v38;
	s26 =	spop (v2sf);
	(v2sf) =	vpush v39, $0xF;
	_ =	sdelay $0x1  }
0x32: {  	v40, _, _ =	vpop (xrf0)  }
0x33: {  	s25 =	spop (v2sf);
	(v2sf) =	vpush v40, $0xF;
	_ =	sdelay $0x1  }
0x34: {  	s28 =	sshll.u32 s25, $0x4  }
0x35: {  	v42 =	vsel vm2, $0x0, v3;
	v41, _, _ =	vpop (xrf0);
	s25 =	sshra.s32 s24, $0x2;
	s28 =	sand.u32 $0x1FFFFFF0, s28  }
0x36: {  	(xrf0) =	vadd.scan.msk.s32 $0xffff, v42;
	s30 =	spop (v2sf);
	(v2sf) =	vpush v41, $0xF;
	s29 =	sadd.s32 $0x180, s25;
	s28 =	sadd.s32 s6, s28  }
0x37: {  	[tilespmem:s29], [sflag:$0x1] =	stream.linear.gather [hbm4b:s28+s5], $0x80, $0x38;
	[tilespmem:$0xC400] =	vst v63  }
0x38: {  	s28 =	sshll.u32 s30, $0x4  }
0x39: {  	v43 =	vsel vm2, $0x0, v2;
	s26 =	sshll.u32 s26, $0x4;
	s28 =	sand.u32 $0x1FFFFFF0, s28  }
0x3a: {  	(xrf0) =	vadd.scan.msk.s32 $0xffff, v43;
	s26 =	sand.u32 $0x1FFFFFF0, s26;
	s31 =	sadd.s32 $0x4180, s25;
	s28 =	sadd.s32 s7, s28  }
0x3b: {  	[tilespmem:s31], [sflag:$0x2] =	stream.linear.gather [hbm4b:s28+s5], $0x80, $0x38;
	[tilespmem:$0xC400] =	vst v63  }
0x3c: {  	s26 =	sadd.s32 s7, s26;
	s29 =	sadd.s32 $0x8180, s25  }
0x3d: {  	v44 =	vsel vm2, $0x0, v1;
	v45, _, _ =	vpop (xrf0);
	[tilespmem:s29], [sflag:$0x3] =	stream.linear.gather [hbm4b:s26+s5], $0x80, $0x38;
	[tilespmem:$0xC400] =	vst v63  }
0x3e: {  	(xrf0) =	vadd.scan.msk.s32 $0xffff, v44;
	s26 =	spop (v2sf);
	(v2sf) =	vpush v45, $0xF;
	_ =	sdelay $0x1  }
0x3f: {  	v46, _, _ =	vpop (xrf0)  }
0x40: {  	s30 =	spop (v2sf);
	(v2sf) =	vpush v46, $0xF;
	_ =	sdelay $0x1  }
0x41: {  	s28 =	sshll.u32 s30, $0x4  }
0x42: {  	v48 =	vsel vm3, $0x0, v3;
	v47, _, _ =	vpop (xrf0);
	s28 =	sand.u32 $0x1FFFFFF0, s28  }
0x43: {  	(xrf0) =	vadd.scan.msk.s32 $0xffff, v48;
	s31 =	sadd.s32 $0x200, s25;
	s30 =	spop (v2sf);
	(v2sf) =	vpush v47, $0xF;
	s28 =	sadd.s32 s6, s28  }
0x44: {  	[tilespmem:s31], [sflag:$0x1] =	stream.linear.gather [hbm4b:s28+s5], $0x80, $0x38;
	[tilespmem:$0xC400] =	vst v63  }
0x45: {  	s28 =	sshll.u32 s30, $0x4  }
0x46: {  	v49 =	vsel vm3, $0x0, v2;
	s26 =	sshll.u32 s26, $0x4;
	s28 =	sand.u32 $0x1FFFFFF0, s28  }
0x47: {  	(xrf0) =	vadd.scan.msk.s32 $0xffff, v49;
	s26 =	sand.u32 $0x1FFFFFF0, s26;
	s31 =	sadd.s32 $0x4200, s25;
	s28 =	sadd.s32 s7, s28  }
0x48: {  	[tilespmem:s31], [sflag:$0x2] =	stream.linear.gather [hbm4b:s28+s5], $0x80, $0x38;
	[tilespmem:$0xC400] =	vst v63  }
0x49: {  	s29 =	sadd.s32 $0x8200, s25;
	s26 =	sadd.s32 s7, s26  }
0x4a: {  	v50 =	vsel vm3, $0x0, v1;
	v51, _, _ =	vpop (xrf0);
	[tilespmem:s29], [sflag:$0x3] =	stream.linear.gather [hbm4b:s26+s5], $0x80, $0x38;
	[tilespmem:$0xC400] =	vst v63  }
0x4b: {  	(xrf0) =	vadd.scan.msk.s32 $0xffff, v50;
	s26 =	spop (v2sf);
	(v2sf) =	vpush v51, $0xF;
	_ =	sdelay $0x1  }
0x4c: {  	v52, _, _ =	vpop (xrf0)  }
0x4d: {  	s30 =	spop (v2sf);
	(v2sf) =	vpush v52, $0xF;
	_ =	sdelay $0x1  }
0x4e: {  	s28 =	sshll.u32 s30, $0x4  }
0x4f: {  	v54 =	vsel vm4, $0x0, v3;
	v53, _, _ =	vpop (xrf0);
	s28 =	sand.u32 $0x1FFFFFF0, s28  }
0x50: {  	(xrf0) =	vadd.scan.msk.s32 $0xffff, v54;
	s31 =	sadd.s32 $0x280, s25;
	s30 =	spop (v2sf);
	(v2sf) =	vpush v53, $0xF;
	s28 =	sadd.s32 s6, s28  }
0x51: {  	[tilespmem:s31], [sflag:$0x1] =	stream.linear.gather [hbm4b:s28+s5], $0x80, $0x38;
	[tilespmem:$0xC400] =	vst v63  }
0x52: {  	s28 =	sshll.u32 s30, $0x4  }
0x53: {  	v55 =	vsel vm4, $0x0, v2;
	s26 =	sshll.u32 s26, $0x4;
	s28 =	sand.u32 $0x1FFFFFF0, s28  }
0x54: {  	(xrf0) =	vadd.scan.msk.s32 $0xffff, v55;
	s26 =	sand.u32 $0x1FFFFFF0, s26;
	s31 =	sadd.s32 $0x4280, s25;
	s28 =	sadd.s32 s7, s28  }
0x55: {  	[tilespmem:s31], [sflag:$0x2] =	stream.linear.gather [hbm4b:s28+s5], $0x80, $0x38;
	[tilespmem:$0xC400] =	vst v63  }
0x56: {  	s29 =	sadd.s32 $0x8280, s25;
	s26 =	sadd.s32 s7, s26  }
0x57: {  	v56 =	vsel vm4, $0x0, v1;
	v57, _, _ =	vpop (xrf0);
	[tilespmem:s29], [sflag:$0x3] =	stream.linear.gather [hbm4b:s26+s5], $0x80, $0x38;
	[tilespmem:$0xC400] =	vst v63  }
0x58: {  	(xrf0) =	vadd.scan.msk.s32 $0xffff, v56;
	s26 =	spop (v2sf);
	(v2sf) =	vpush v57, $0xF;
	_ =	sdelay $0x1  }
0x59: {  	v58, _, _ =	vpop (xrf0)  }
0x5a: {  	s30 =	spop (v2sf);
	(v2sf) =	vpush v58, $0xF;
	_ =	sdelay $0x1  }
0x5b: {  	s28 =	sshll.u32 s30, $0x4  }
0x5c: {  	v60 =	vsel vm5, $0x0, v3;
	v59, _, _ =	vpop (xrf0);
	s28 =	sand.u32 $0x1FFFFFF0, s28  }
0x5d: {  	(xrf0) =	vadd.scan.msk.s32 $0xffff, v60;
	s31 =	sadd.s32 $0x300, s25;
	s30 =	spop (v2sf);
	(v2sf) =	vpush v59, $0xF;
	s28 =	sadd.s32 s6, s28  }
0x5e: {  	[tilespmem:s31], [sflag:$0x1] =	stream.linear.gather [hbm4b:s28+s5], $0x80, $0x38;
	[tilespmem:$0xC400] =	vst v63  }
0x5f: {  	s28 =	sshll.u32 s30, $0x4  }
0x60: {  	v61 =	vsel vm5, $0x0, v2;
	s26 =	sshll.u32 s26, $0x4;
	s28 =	sand.u32 $0x1FFFFFF0, s28  }
0x61: {  	(xrf0) =	vadd.scan.msk.s32 $0xffff, v61;
	s26 =	sand.u32 $0x1FFFFFF0, s26;
	s31 =	sadd.s32 $0x4300, s25;
	s28 =	sadd.s32 s7, s28  }
0x62: {  	[tilespmem:s31], [sflag:$0x2] =	stream.linear.gather [hbm4b:s28+s5], $0x80, $0x38;
	[tilespmem:$0xC400] =	vst v63  }
0x63: {  	s29 =	sadd.s32 $0x8300, s25;
	s26 =	sadd.s32 s7, s26  }
0x64: {  	v62 =	vsel vm5, $0x0, v1;
	v63, _, _ =	vpop (xrf0);
	[tilespmem:s29], [sflag:$0x3] =	stream.linear.gather [hbm4b:s26+s5], $0x80, $0x38;
	[tilespmem:$0xC400] =	vst v63  }
0x65: {  	(xrf0) =	vadd.scan.msk.s32 $0xffff, v62;
	s26 =	spop (v2sf);
	(v2sf) =	vpush v63, $0xF;
	_ =	sdelay $0x1  }
0x66: {  	v8, _, _ =	vpop (xrf0)  }
0x67: {  	s30 =	spop (v2sf);
	(v2sf) =	vpush v8, $0xF;
	_ =	sdelay $0x1  }
0x68: {  	s28 =	sshll.u32 s30, $0x4  }
0x69: {  	v10 =	vsel vm6, $0x0, v3;
	v9, _, _ =	vpop (xrf0);
	s28 =	sand.u32 $0x1FFFFFF0, s28  }
0x6a: {  	(xrf0) =	vadd.scan.msk.s32 $0xffff, v10;
	s31 =	sadd.s32 $0x380, s25;
	s30 =	spop (v2sf);
	(v2sf) =	vpush v9, $0xF;
	s28 =	sadd.s32 s6, s28  }
0x6b: {  	[tilespmem:s31], [sflag:$0x1] =	stream.linear.gather [hbm4b:s28+s5], $0x80, $0x38;
	[tilespmem:$0xC400] =	vst v63  }
0x6c: {  	s28 =	sshll.u32 s30, $0x4  }
0x6d: {  	v11 =	vsel vm6, $0x0, v2;
	s26 =	sshll.u32 s26, $0x4;
	s28 =	sand.u32 $0x1FFFFFF0, s28  }
0x6e: {  	(xrf0) =	vadd.scan.msk.s32 $0xffff, v11;
	s26 =	sand.u32 $0x1FFFFFF0, s26;
	s31 =	sadd.s32 $0x4380, s25;
	s28 =	sadd.s32 s7, s28  }
0x6f: {  	[tilespmem:s31], [sflag:$0x2] =	stream.linear.gather [hbm4b:s28+s5], $0x80, $0x38;
	[tilespmem:$0xC400] =	vst v63  }
0x70: {  	s29 =	sadd.s32 $0x8380, s25;
	s26 =	sadd.s32 s7, s26  }
0x71: {  	v12 =	vsel vm6, $0x0, v1;
	v13, _, _ =	vpop (xrf0);
	[tilespmem:s29], [sflag:$0x3] =	stream.linear.gather [hbm4b:s26+s5], $0x80, $0x38;
	[tilespmem:$0xC400] =	vst v63  }
0x72: {  	(xrf0) =	vadd.scan.msk.s32 $0xffff, v12;
	s26 =	spop (v2sf);
	(v2sf) =	vpush v13, $0xF;
	_ =	sdelay $0x1  }
0x73: {  	v14, _, _ =	vpop (xrf0)  }
0x74: {  	s30 =	spop (v2sf);
	(v2sf) =	vpush v14, $0xF;
	_ =	sdelay $0x1  }
0x75: {  	s28 =	sshll.u32 s30, $0x4  }
0x76: {  	v16 =	vsel vm7, $0x0, v3;
	v15, _, _ =	vpop (xrf0);
	s28 =	sand.u32 $0x1FFFFFF0, s28  }
0x77: {  	(xrf0) =	vadd.scan.msk.s32 $0xffff, v16;
	s31 =	sadd.s32 $0x400, s25;
	s30 =	spop (v2sf);
	(v2sf) =	vpush v15, $0xF;
	s28 =	sadd.s32 s6, s28  }
0x78: {  	[tilespmem:s31], [sflag:$0x1] =	stream.linear.gather [hbm4b:s28+s5], $0x80, $0x38;
	[tilespmem:$0xC400] =	vst v63  }
0x79: {  	s28 =	sshll.u32 s30, $0x4  }
0x7a: {  	v17 =	vsel vm7, $0x0, v2;
	s26 =	sshll.u32 s26, $0x4;
	s28 =	sand.u32 $0x1FFFFFF0, s28  }
0x7b: {  	(xrf0) =	vadd.scan.msk.s32 $0xffff, v17;
	s26 =	sand.u32 $0x1FFFFFF0, s26;
	s31 =	sadd.s32 $0x4400, s25;
	s28 =	sadd.s32 s7, s28  }
0x7c: {  	[tilespmem:s31], [sflag:$0x2] =	stream.linear.gather [hbm4b:s28+s5], $0x80, $0x38;
	[tilespmem:$0xC400] =	vst v63  }
0x7d: {  	s29 =	sadd.s32 $0x8400, s25;
	s26 =	sadd.s32 s7, s26  }
0x7e: {  	v18 =	vsel vm7, $0x0, v1;
	v19, _, _ =	vpop (xrf0);
	[tilespmem:s29], [sflag:$0x3] =	stream.linear.gather [hbm4b:s26+s5], $0x80, $0x38;
	[tilespmem:$0xC400] =	vst v63  }
0x7f: {  	(xrf0) =	vadd.scan.msk.s32 $0xffff, v18;
	s26 =	spop (v2sf);
	(v2sf) =	vpush v19, $0xF;
	_ =	sdelay $0x1  }
0x80: {  	v20, _, _ =	vpop (xrf0)  }
0x81: {  	s30 =	spop (v2sf);
	(v2sf) =	vpush v20, $0xF;
	_ =	sdelay $0x1  }
0x82: {  	s28 =	sshll.u32 s30, $0x4  }
0x83: {  	v22 =	vsel vm8, $0x0, v3;
	v21, _, _ =	vpop (xrf0);
	s28 =	sand.u32 $0x1FFFFFF0, s28  }
0x84: {  	(xrf0) =	vadd.scan.msk.s32 $0xffff, v22;
	s31 =	sadd.s32 $0x480, s25;
	s30 =	spop (v2sf);
	(v2sf) =	vpush v21, $0xF;
	s28 =	sadd.s32 s6, s28  }
0x85: {  	[tilespmem:s31], [sflag:$0x1] =	stream.linear.gather [hbm4b:s28+s5], $0x80, $0x38;
	[tilespmem:$0xC400] =	vst v63  }
0x86: {  	s28 =	sshll.u32 s30, $0x4  }
0x87: {  	v23 =	vsel vm8, $0x0, v2;
	s26 =	sshll.u32 s26, $0x4;
	s28 =	sand.u32 $0x1FFFFFF0, s28  }
0x88: {  	(xrf0) =	vadd.scan.msk.s32 $0xffff, v23;
	s26 =	sand.u32 $0x1FFFFFF0, s26;
	s31 =	sadd.s32 $0x4480, s25;
	s28 =	sadd.s32 s7, s28  }
0x89: {  	[tilespmem:s31], [sflag:$0x2] =	stream.linear.gather [hbm4b:s28+s5], $0x80, $0x38;
	[tilespmem:$0xC400] =	vst v63  }
0x8a: {  	s29 =	sadd.s32 $0x8480, s25;
	s26 =	sadd.s32 s7, s26  }
0x8b: {  	v24 =	vsel vm8, $0x0, v1;
	v25, _, _ =	vpop (xrf0);
	[tilespmem:s29], [sflag:$0x3] =	stream.linear.gather [hbm4b:s26+s5], $0x80, $0x38;
	[tilespmem:$0xC400] =	vst v63  }
0x8c: {  	(xrf0) =	vadd.scan.msk.s32 $0xffff, v24;
	s26 =	spop (v2sf);
	(v2sf) =	vpush v25, $0xF;
	_ =	sdelay $0x1  }
0x8d: {  	v26, _, _ =	vpop (xrf0)  }
0x8e: {  	s30 =	spop (v2sf);
	(v2sf) =	vpush v26, $0xF;
	_ =	sdelay $0x1  }
0x8f: {  	s28 =	sshll.u32 s30, $0x4  }
0x90: {  	v28 =	vsel vm9, $0x0, v3;
	v27, _, _ =	vpop (xrf0);
	s28 =	sand.u32 $0x1FFFFFF0, s28  }
0x91: {  	(xrf0) =	vadd.scan.msk.s32 $0xffff, v28;
	s31 =	sadd.s32 $0x500, s25;
	s30 =	spop (v2sf);
	(v2sf) =	vpush v27, $0xF;
	s28 =	sadd.s32 s6, s28  }
0x92: {  	[tilespmem:s31], [sflag:$0x1] =	stream.linear.gather [hbm4b:s28+s5], $0x80, $0x38;
	[tilespmem:$0xC400] =	vst v63  }
0x93: {  	s28 =	sshll.u32 s30, $0x4  }
0x94: {  	v29 =	vsel vm9, $0x0, v2;
	s26 =	sshll.u32 s26, $0x4;
	s28 =	sand.u32 $0x1FFFFFF0, s28  }
0x95: {  	(xrf0) =	vadd.scan.msk.s32 $0xffff, v29;
	s26 =	sand.u32 $0x1FFFFFF0, s26;
	s31 =	sadd.s32 $0x4500, s25;
	s28 =	sadd.s32 s7, s28  }
0x96: {  	[tilespmem:s31], [sflag:$0x2] =	stream.linear.gather [hbm4b:s28+s5], $0x80, $0x38;
	[tilespmem:$0xC400] =	vst v63  }
0x97: {  	s29 =	sadd.s32 $0x8500, s25;
	s26 =	sadd.s32 s7, s26  }
0x98: {  	v30 =	vsel vm9, $0x0, v1;
	v31, _, _ =	vpop (xrf0);
	[tilespmem:s29], [sflag:$0x3] =	stream.linear.gather [hbm4b:s26+s5], $0x80, $0x38;
	[tilespmem:$0xC400] =	vst v63  }
0x99: {  	(xrf0) =	vadd.scan.msk.s32 $0xffff, v30;
	s26 =	spop (v2sf);
	(v2sf) =	vpush v31, $0xF;
	_ =	sdelay $0x1  }
0x9a: {  	v32, _, _ =	vpop (xrf0)  }
0x9b: {  	s30 =	spop (v2sf);
	(v2sf) =	vpush v32, $0xF;
	_ =	sdelay $0x1  }
0x9c: {  	s28 =	sshll.u32 s30, $0x4  }
0x9d: {  	v34 =	vsel vm10, $0x0, v3;
	v33, _, _ =	vpop (xrf0);
	s28 =	sand.u32 $0x1FFFFFF0, s28  }
0x9e: {  	(xrf0) =	vadd.scan.msk.s32 $0xffff, v34;
	s31 =	sadd.s32 $0x580, s25;
	s30 =	spop (v2sf);
	(v2sf) =	vpush v33, $0xF;
	s28 =	sadd.s32 s6, s28  }
0x9f: {  	[tilespmem:s31], [sflag:$0x1] =	stream.linear.gather [hbm4b:s28+s5], $0x80, $0x38;
	[tilespmem:$0xC400] =	vst v63  }
0xa0: {  	s28 =	sshll.u32 s30, $0x4  }
0xa1: {  	v35 =	vsel vm10, $0x0, v2;
	s26 =	sshll.u32 s26, $0x4;
	s28 =	sand.u32 $0x1FFFFFF0, s28  }
0xa2: {  	(xrf0) =	vadd.scan.msk.s32 $0xffff, v35;
	s26 =	sand.u32 $0x1FFFFFF0, s26;
	s31 =	sadd.s32 $0x4580, s25;
	s28 =	sadd.s32 s7, s28  }
0xa3: {  	[tilespmem:s31], [sflag:$0x2] =	stream.linear.gather [hbm4b:s28+s5], $0x80, $0x38;
	[tilespmem:$0xC400] =	vst v63  }
0xa4: {  	s29 =	sadd.s32 $0x8580, s25;
	s26 =	sadd.s32 s7, s26  }
0xa5: {  	v36 =	vsel vm10, $0x0, v1;
	v37, _, _ =	vpop (xrf0);
	[tilespmem:s29], [sflag:$0x3] =	stream.linear.gather [hbm4b:s26+s5], $0x80, $0x38;
	[tilespmem:$0xC400] =	vst v63  }
0xa6: {  	(xrf0) =	vadd.scan.msk.s32 $0xffff, v36;
	s26 =	spop (v2sf);
	(v2sf) =	vpush v37, $0xF;
	_ =	sdelay $0x1  }
0xa7: {  	v38, _, _ =	vpop (xrf0)  }
0xa8: {  	s30 =	spop (v2sf);
	(v2sf) =	vpush v38, $0xF;
	_ =	sdelay $0x1  }
0xa9: {  	s28 =	sshll.u32 s30, $0x4  }
0xaa: {  	v40 =	vsel vm11, $0x0, v3;
	v39, _, _ =	vpop (xrf0);
	s28 =	sand.u32 $0x1FFFFFF0, s28  }
0xab: {  	(xrf0) =	vadd.scan.msk.s32 $0xffff, v40;
	s31 =	sadd.s32 $0x600, s25;
	s30 =	spop (v2sf);
	(v2sf) =	vpush v39, $0xF;
	s28 =	sadd.s32 s6, s28  }
0xac: {  	[tilespmem:s31], [sflag:$0x1] =	stream.linear.gather [hbm4b:s28+s5], $0x80, $0x38;
	[tilespmem:$0xC400] =	vst v63  }
0xad: {  	s28 =	sshll.u32 s30, $0x4  }
0xae: {  	v41 =	vsel vm11, $0x0, v2;
	s26 =	sshll.u32 s26, $0x4;
	s28 =	sand.u32 $0x1FFFFFF0, s28  }
0xaf: {  	(xrf0) =	vadd.scan.msk.s32 $0xffff, v41;
	s26 =	sand.u32 $0x1FFFFFF0, s26;
	s31 =	sadd.s32 $0x4600, s25;
	s28 =	sadd.s32 s7, s28  }
0xb0: {  	[tilespmem:s31], [sflag:$0x2] =	stream.linear.gather [hbm4b:s28+s5], $0x80, $0x38;
	[tilespmem:$0xC400] =	vst v63  }
0xb1: {  	s29 =	sadd.s32 $0x8600, s25;
	s26 =	sadd.s32 s7, s26  }
0xb2: {  	v42 =	vsel vm11, $0x0, v1;
	v43, _, _ =	vpop (xrf0);
	[tilespmem:s29], [sflag:$0x3] =	stream.linear.gather [hbm4b:s26+s5], $0x80, $0x38;
	[tilespmem:$0xC400] =	vst v63  }
0xb3: {  	(xrf0) =	vadd.scan.msk.s32 $0xffff, v42;
	s26 =	spop (v2sf);
	(v2sf) =	vpush v43, $0xF;
	_ =	sdelay $0x1  }
0xb4: {  	v44, _, _ =	vpop (xrf0)  }
0xb5: {  	s30 =	spop (v2sf);
	(v2sf) =	vpush v44, $0xF;
	_ =	sdelay $0x1  }
0xb6: {  	s28 =	sshll.u32 s30, $0x4  }
0xb7: {  	v46 =	vsel vm12, $0x0, v3;
	v45, _, _ =	vpop (xrf0);
	s28 =	sand.u32 $0x1FFFFFF0, s28  }
0xb8: {  	(xrf0) =	vadd.scan.msk.s32 $0xffff, v46;
	s31 =	sadd.s32 $0x680, s25;
	s30 =	spop (v2sf);
	(v2sf) =	vpush v45, $0xF;
	s28 =	sadd.s32 s6, s28  }
0xb9: {  	[tilespmem:s31], [sflag:$0x1] =	stream.linear.gather [hbm4b:s28+s5], $0x80, $0x38;
	[tilespmem:$0xC400] =	vst v63  }
0xba: {  	s28 =	sshll.u32 s30, $0x4  }
0xbb: {  	v47 =	vsel vm12, $0x0, v2;
	s26 =	sshll.u32 s26, $0x4;
	s28 =	sand.u32 $0x1FFFFFF0, s28  }
0xbc: {  	(xrf0) =	vadd.scan.msk.s32 $0xffff, v47;
	s26 =	sand.u32 $0x1FFFFFF0, s26;
	s31 =	sadd.s32 $0x4680, s25;
	s28 =	sadd.s32 s7, s28  }
0xbd: {  	[tilespmem:s31], [sflag:$0x2] =	stream.linear.gather [hbm4b:s28+s5], $0x80, $0x38;
	[tilespmem:$0xC400] =	vst v63  }
0xbe: {  	s29 =	sadd.s32 $0x8680, s25;
	s26 =	sadd.s32 s7, s26  }
0xbf: {  	v48 =	vsel vm12, $0x0, v1;
	v49, _, _ =	vpop (xrf0);
	[tilespmem:s29], [sflag:$0x3] =	stream.linear.gather [hbm4b:s26+s5], $0x80, $0x38;
	[tilespmem:$0xC400] =	vst v63  }
0xc0: {  	(xrf0) =	vadd.scan.msk.s32 $0xffff, v48;
	s26 =	spop (v2sf);
	(v2sf) =	vpush v49, $0xF;
	_ =	sdelay $0x1  }
0xc1: {  	v50, _, _ =	vpop (xrf0)  }
0xc2: {  	s30 =	spop (v2sf);
	(v2sf) =	vpush v50, $0xF;
	_ =	sdelay $0x1  }
0xc3: {  	s28 =	sshll.u32 s30, $0x4  }
0xc4: {  	v52 =	vsel vm13, $0x0, v3;
	v51, _, _ =	vpop (xrf0);
	s28 =	sand.u32 $0x1FFFFFF0, s28  }
0xc5: {  	(xrf0) =	vadd.scan.msk.s32 $0xffff, v52;
	s31 =	sadd.s32 $0x700, s25;
	s30 =	spop (v2sf);
	(v2sf) =	vpush v51, $0xF;
	s28 =	sadd.s32 s6, s28  }
0xc6: {  	[tilespmem:s31], [sflag:$0x1] =	stream.linear.gather [hbm4b:s28+s5], $0x80, $0x38;
	[tilespmem:$0xC400] =	vst v63  }
0xc7: {  	s28 =	sshll.u32 s30, $0x4  }
0xc8: {  	v53 =	vsel vm13, $0x0, v2;
	s26 =	sshll.u32 s26, $0x4;
	s28 =	sand.u32 $0x1FFFFFF0, s28  }
0xc9: {  	(xrf0) =	vadd.scan.msk.s32 $0xffff, v53;
	s26 =	sand.u32 $0x1FFFFFF0, s26;
	s31 =	sadd.s32 $0x4700, s25;
	s28 =	sadd.s32 s7, s28  }
0xca: {  	[tilespmem:s31], [sflag:$0x2] =	stream.linear.gather [hbm4b:s28+s5], $0x80, $0x38;
	[tilespmem:$0xC400] =	vst v63  }
0xcb: {  	s29 =	sadd.s32 $0x8700, s25;
	s26 =	sadd.s32 s7, s26  }
0xcc: {  	v54 =	vsel vm13, $0x0, v1;
	v55, _, _ =	vpop (xrf0);
	[tilespmem:s29], [sflag:$0x3] =	stream.linear.gather [hbm4b:s26+s5], $0x80, $0x38;
	[tilespmem:$0xC400] =	vst v63  }
0xcd: {  	(xrf0) =	vadd.scan.msk.s32 $0xffff, v54;
	s26 =	spop (v2sf);
	(v2sf) =	vpush v55, $0xF;
	_ =	sdelay $0x1  }
0xce: {  	v56, _, _ =	vpop (xrf0)  }
0xcf: {  	s30 =	spop (v2sf);
	(v2sf) =	vpush v56, $0xF;
	_ =	sdelay $0x1  }
0xd0: {  	s28 =	sshll.u32 s30, $0x4  }
0xd1: {  	v58 =	vsel vm14, $0x0, v3;
	v57, _, _ =	vpop (xrf0);
	s28 =	sand.u32 $0x1FFFFFF0, s28  }
0xd2: {  	(xrf0) =	vadd.scan.msk.s32 $0xffff, v58;
	s31 =	sadd.s32 $0x780, s25;
	s30 =	spop (v2sf);
	(v2sf) =	vpush v57, $0xF;
	s28 =	sadd.s32 s6, s28  }
0xd3: {  	[tilespmem:s31], [sflag:$0x1] =	stream.linear.gather [hbm4b:s28+s5], $0x80, $0x38;
	[tilespmem:$0xC400] =	vst v63  }
0xd4: {  	s28 =	sshll.u32 s30, $0x4  }
0xd5: {  	v59 =	vsel vm14, $0x0, v2;
	s26 =	sshll.u32 s26, $0x4;
	s28 =	sand.u32 $0x1FFFFFF0, s28  }
0xd6: {  	(xrf0) =	vadd.scan.msk.s32 $0xffff, v59;
	s26 =	sand.u32 $0x1FFFFFF0, s26;
	s31 =	sadd.s32 $0x4780, s25;
	s28 =	sadd.s32 s7, s28  }
0xd7: {  	[tilespmem:s31], [sflag:$0x2] =	stream.linear.gather [hbm4b:s28+s5], $0x80, $0x38;
	[tilespmem:$0xC400] =	vst v63  }
0xd8: {  	s29 =	sadd.s32 $0x8780, s25;
	s26 =	sadd.s32 s7, s26  }
0xd9: {  	v60 =	vsel vm14, $0x0, v1;
	v61, _, _ =	vpop (xrf0);
	[tilespmem:s29], [sflag:$0x3] =	stream.linear.gather [hbm4b:s26+s5], $0x80, $0x38;
	[tilespmem:$0xC400] =	vst v63  }
0xda: {  	(xrf0) =	vadd.scan.msk.s32 $0xffff, v60;
	s26 =	spop (v2sf);
	(v2sf) =	vpush v61, $0xF;
	_ =	sdelay $0x1  }
0xdb: {  	v62, _, _ =	vpop (xrf0)  }
0xdc: {  	s30 =	spop (v2sf);
	(v2sf) =	vpush v62, $0xF  }
0xdd: {  	v3 =	vsel vm15, $0x0, v3  }
0xde: {  	(xrf0) =	vadd.scan.msk.s32 $0xffff, v3;
	s28 =	sshll.u32 s30, $0x4  }
0xdf: {  	v2 =	vsel vm15, $0x0, v2;
	v63, _, _ =	vpop (xrf0);
	s28 =	sand.u32 $0x1FFFFFF0, s28  }
0xe0: {  	(xrf0) =	vadd.scan.msk.s32 $0xffff, v2;
	s31 =	sadd.s32 $0x800, s25;
	s30 =	spop (v2sf);
	(v2sf) =	vpush v63, $0xF;
	s28 =	sadd.s32 s6, s28  }
0xe1: {  	[tilespmem:s31], [sflag:$0x1] =	stream.linear.gather [hbm4b:s28+s5], $0x80, $0x38;
	[tilespmem:$0xC400] =	vst v63  }
0xe2: {  	s28 =	sshll.u32 s30, $0x4  }
0xe3: {  	v1 =	vsel vm15, $0x0, v1;
	s26 =	sshll.u32 s26, $0x4;
	s28 =	sand.u32 $0x1FFFFFF0, s28  }
0xe4: {  	v2, _, _ =	vpop (xrf0);
	(xrf0) =	vadd.scan.msk.s32 $0xffff, v1;
	s26 =	sand.u32 $0x1FFFFFF0, s26;
	s31 =	sadd.s32 $0x4800, s25;
	s28 =	sadd.s32 s7, s28  }
0xe5: {  	[tilespmem:s31], [sflag:$0x2] =	stream.linear.gather [hbm4b:s28+s5], $0x80, $0x38;
	[tilespmem:$0xC400] =	vst v63  }
0xe6: {  	s29 =	sadd.s32 $0x8800, s25;
	s26 =	sadd.s32 s7, s26;
	(v2sf) =	vpush v2, $0xF  }
0xe7: {  	v1, _, _ =	vpop (xrf0);
	[tilespmem:s29], [sflag:$0x3] =	stream.linear.gather [hbm4b:s26+s5], $0x80, $0x38;
	[tilespmem:$0xC400] =	vst v63  }
0xe8: {  	s26 =	spop (v2sf);
	(v2sf) =	vpush v1, $0xF;
	_ =	sdelay $0x1  }
0xe9: {  	v1, _, _ =	vpop (xrf0)  }
0xea: {  	s30 =	spop (v2sf);
	(v2sf) =	vpush v1, $0xF;
	_ =	sdelay $0x1  }
0xeb: {  	s28 =	sshll.u32 s30, $0x4  }
0xec: {  	s28 =	sand.u32 $0x1FFFFFF0, s28  }
0xed: {  	s31 =	sadd.s32 $0x880, s25;
	s29 =	spop (v2sf);
	s28 =	sadd.s32 s6, s28  }
0xee: {  	[tilespmem:s31], [sflag:$0x1] =	stream.linear.gather [hbm4b:s28+s5], $0x80, $0x38;
	[tilespmem:$0xC400] =	vst v63  }
0xef: {  	s28 =	sshll.u32 s29, $0x4  }
0xf0: {  	s26 =	sshll.u32 s26, $0x4;
	s28 =	sand.u32 $0x1FFFFFF0, s28  }
0xf1: {  	s30 =	sadd.s32 $0x4880, s25;
	s26 =	sand.u32 $0x1FFFFFF0, s26;
	s28 =	sadd.s32 s7, s28  }
0xf2: {  	[tilespmem:s30], [sflag:$0x2] =	stream.linear.gather [hbm4b:s28+s5], $0x80, $0x38;
	[tilespmem:$0xC400] =	vst v63  }
0xf3: {  	s26 =	sadd.s32 s7, s26;
	s31 =	sadd.s32 $0x8880, s25;
	s28 =	spop (v2sf)  }
0xf4: {  	[tilespmem:s31], [sflag:$0x3] =	stream.linear.gather [hbm4b:s26+s5], $0x80, $0x38;
	[tilespmem:$0xC400] =	vst v63  }
0xf5: {  	s30 =	spop (v2sf)  }
0xf6: {  	s26 =	sshll.u32 s30, $0x4  }
0xf7: {  	s26 =	sand.u32 $0x1FFFFFF0, s26  }
0xf8: {  	s31 =	sadd.s32 $0x900, s25;
	s29 =	spop (v2sf);
	s26 =	sadd.s32 s6, s26  }
0xf9: {  	[tilespmem:s31], [sflag:$0x1] =	stream.linear.gather [hbm4b:s26+s5], $0x80, $0x38;
	[tilespmem:$0xC400] =	vst v63  }
0xfa: {  	s21 =	sadd.s32 $0x10, s21;
	s26 =	sshll.u32 s29, $0x4  }
0xfb: {  	p0 =	sne.s32 s24, $0xE000;
	s30 =	sadd.s32 $0x4900, s25;
	s26 =	sand.u32 $0x1FFFFFF0, s26  }
.Ltmp0:
0xfc: {  	s31 =	sshll.u32 s28, $0x4;
	s26 =	sadd.s32 s7, s26;
	(pc) =	sbr.rel @p0 .LBB2_3-.Ltmp0, $4  }
0xfd: {  	[tilespmem:s30], [sflag:$0x2] =	stream.linear.gather [hbm4b:s26+s5], $0x80, $0x38;
	[tilespmem:$0xC400] =	vst v63  }
0xfe: {  	s22 =	sadd.s32 $0x10, s22;
	s23 =	sadd.s32 $0x10, s23;
	s26 =	sand.u32 $0x1FFFFFF0, s31  }
0xff: {  	s24 =	sadd.s32 $0x2000, s24;
	s25 =	sadd.s32 $0x8900, s25;
	s26 =	sadd.s32 s7, s26  }
0x100: {  	[tilespmem:s25], [sflag:$0x3] =	stream.linear.gather [hbm4b:s26+s5], $0x80, $0x38;
	[tilespmem:$0xC400] =	vst v63  }
0x101: {  	_ =	swait.ge [sflag:s13], $0x4000  }
0x102: {  	[sflag:s13] =	ssyncset.done $0x0  }
0x103: {  	[sflag:s13] =	ssyncadd.s32 $0xFFFFC000  }
0x104: {  	_ =	swait.ge [sflag:s14], $0x4000  }
0x105: {  	[sflag:s14] =	ssyncset.done $0x0  }
0x106: {  	[sflag:s14] =	ssyncadd.s32 $0xFFFFC000  }
0x107: {  	_ =	swait.ge [sflag:s15], $0x4000  }
0x108: {  	[sflag:s15] =	ssyncset.done $0x0  }
0x109: {  	s21 =	simm.s32 $0x0;
	s22 =	smov.u32 s19;
	[sflag:s15] =	ssyncadd.s32 $0xFFFFC000  }
.LBB2_5:
0x10a: {  	s23 =	sshra.s32 s21, $0x2  }
0x10b: {  	v2 =	vld [tilespmem:s23+$0x4180]  }
0x10c: {  	v3 =	vld [tilespmem:s23+$0x8180]  }
0x10d: {  	v5 =	vld [tilespmem:s23+$0x4190]  }
0x10e: {  	v6 =	vld [tilespmem:s23+$0x8190]  }
0x10f: {  	v7 =	vld [tilespmem:s23+$0x1A0]  }
0x110: {  	v9 =	vld [tilespmem:s23+$0x41A0]  }
0x111: {  	v10 =	vld [tilespmem:s23+$0x81A0]  }
0x112: {  	v12 =	vld [tilespmem:s23+$0x81B0]  }
0x113: {  	v28 =	vld [tilespmem:s23+$0x1B0]  }
0x114: {  	v13 =	vld [tilespmem:s23+$0x200]  }
0x115: {  	v32 =	vld [tilespmem:s23+$0x4200]  }
0x116: {  	v15 =	vld [tilespmem:s23+$0x8200]  }
0x117: {  	v38 =	vld [tilespmem:s23+$0x4210]  }
0x118: {  	v39 =	vld [tilespmem:s23+$0x8210]  }
0x119: {  	v40 =	vld [tilespmem:s23+$0x220]  }
0x11a: {  	v43 =	vld [tilespmem:s23+$0x4220]  }
0x11b: {  	v45 =	vld [tilespmem:s23+$0x4230]  }
0x11c: {  	v47 =	vld [tilespmem:s23+$0x8230];
	v8 =	vsub.f32 v2, v3;
	v2 =	vmul.f32 v2, v2  }
0x11d: {  	v51 =	vld [tilespmem:s23+$0x230];
	v3 =	vmul.f32 v3, v3;
	v11 =	vsub.f32 v5, v6;
	v5 =	vmul.f32 v5, v5  }
0x11e: {  	v56 =	vld [tilespmem:s23+$0x4280];
	v6 =	vmul.f32 v6, v6;
	v29 =	vmul.f32 v10, v10  }
0x11f: {  	v17 =	vld [tilespmem:s23+$0x8280];
	v31 =	vmul.f32 v7, v7;
	v14 =	vmul.f32 v12, v12  }
0x120: {  	v25 =	vld [tilespmem:s23+$0x82A0];
	v30 =	vsub.f32 v9, v10;
	v36 =	vmul.f32 v28, v28;
	v10 =	vmul.f32 v32, v32  }
0x121: {  	v1 =	vld [tilespmem:s23+$0x180];
	v42 =	vmul.f32 v15, v15;
	v44 =	vmul.f32 v13, v13  }
0x122: {  	vm1 =	vmmov $0x3;
	v35 =	vld [tilespmem:s23+$0x210];
	v52 =	vmul.f32 v43, v43;
	v55 =	vmul.f32 v40, v40  }
0x123: {  	v54 =	vld [tilespmem:s23+$0x280];
	v41 =	vsub.f32 v32, v15;
	v57 =	vmul.f32 v45, v45;
	v16 =	vmul.f32 v47, v47  }
0x124: {  	v4 =	vld [tilespmem:s23+$0x190];
	v46 =	vsub.f32 v38, v39;
	v59 =	vmul.f32 v51, v51;
	v22 =	vmul.f32 v56, v56  }
0x125: {  	v58 =	vld [tilespmem:s23+$0x290];
	v21 =	vsub.f32 v56, v17;
	v23 =	vmul.f32 v17, v17;
	v32 =	vmul.f32 v25, v25  }
0x126: {  	v61 =	vld [tilespmem:s23+$0x4290];
	v8 =	vmul.f32 v8, v1;
	v1 =	vmul.f32 v1, v1;
	v2 =	vadd.f32 v3, v2  }
0x127: {  	v63 =	vld [tilespmem:s23+$0x2A0];
	v5 =	vadd.f32 v6, v5;
	v34 =	vmul.f32 v30, v7;
	v10 =	vadd.f32 v42, v10  }
0x128: {  	v24 =	vld [tilespmem:s23+$0x42A0];
	v50 =	vmul.f32 v46, v35;
	v60 =	vadd.f32 v16, v57;
	v7 =	vmul.f32 v21, v54  }
0x129: {  	v3 =	vld [tilespmem:s23+$0x41B0];
	v8 =	vadd.f32 $0.0e+00, v8;
	v1 =	vadd.f32 v2, v1;
	v2 =	vmul.f32 v11, v4  }
0x12a: {  	v26 =	vld [tilespmem:s23+$0x42B0];
	v4 =	vmul.f32 v4, v4;
	v49 =	vadd.f32 v10, v44;
	v62 =	vadd.f32 v60, v59  }
0x12b: {  	v18 =	vld [tilespmem:s23+$0x8300];
	v11 =	vsub.f32 v45, v47;
	v10 =	vmul.f32 v61, v61;
	v7 =	vadd.f32 $0.0e+00, v7  }
0x12c: {  	v19 =	vld [tilespmem:s23+$0x8380];
	v0 =	vadd.f32 v1, v0;
	v1 =	vmul.f32 v9, v9;
	v4 =	vadd.f32 v5, v4  }
0x12d: {  	v45 =	vld [tilespmem:s23+$0x320];
	v2 =	vadd.f32 v2, v8;
	v8 =	vmul.f32 v41, v13;
	v9 =	vmul.f32 v38, v38  }
0x12e: {  	v42 =	vld [tilespmem:s23+$0x4310];
	v5 =	vmul.f32 v35, v35;
	v33 =	vmul.f32 v3, v3;
	v3 =	vsub.f32 v3, v12  }
0x12f: {  	v60 =	vld [tilespmem:s23+$0x4380];
	v13 =	vmul.f32 v54, v54;
	v35 =	vmul.f32 v63, v63;
	v1 =	vadd.f32 v29, v1  }
0x130: {  	v0 =	vadd.f32 v4, v0;
	v48 =	vadd.f32 $0.0e+00, v8;
	v3 =	vmul.f32 v3, v28;
	v28 =	vld [tilespmem:s23+$0x82B0]  }
0x131: {  	v2 =	vadd.f32 v34, v2;
	v4 =	vmul.f32 v39, v39;
	v37 =	vadd.f32 v14, v33;
	v33 =	vld [tilespmem:s23+$0x300]  }
0x132: {  	v59 =	vmul.f32 v45, v45;
	v1 =	vadd.f32 v1, v31;
	v6 =	vadd.f32 v50, v48;
	v50 =	vld [tilespmem:s23+$0x8320]  }
0x133: {  	v4 =	vadd.f32 v4, v9;
	v9 =	vmul.f32 v11, v51;
	v51 =	vld [tilespmem:s23+$0x4330];
	v2 =	vadd.f32 v3, v2  }
0x134: {  	v31 =	vmul.f32 v24, v24;
	v3 =	vld [tilespmem:s23+$0x8290];
	v0 =	vadd.f32 v1, v0;
	v1 =	vadd.f32 v37, v36  }
0x135: {  	v34 =	vsub.f32 v24, v25;
	v48 =	vmul.f32 v18, v18;
	v11 =	vmul.f32 v42, v42;
	v36 =	vld [tilespmem:s23+$0x4300]  }
0x136: {  	v4 =	vadd.f32 v4, v5;
	v37 =	vmul.f32 v26, v26;
	v0 =	vadd.f32 v1, v0;
	v1 =	vld [tilespmem:s23+$0x8220]  }
0x137: {  	v30 =	vld [tilespmem:s23+$0x2B0];
	v38 =	vmul.f32 v28, v28;
	v12 =	vsub.f32 v26, v28;
	v15 =	vmul.f32 v33, v33  }
0x138: {  	v24 =	vld [tilespmem:s23+$0x4390];
	v28 =	vsub.f32 v60, v19;
	v57 =	vmul.f32 v50, v50;
	v0 =	vadd.f32 v49, v0  }
0x139: {  	v20 =	vld [tilespmem:s23+$0x390];
	v27 =	vsub.f32 v61, v3;
	v3 =	vmul.f32 v3, v3;
	v41 =	vadd.f32 v38, v37  }
0x13a: {  	v39 =	vld [tilespmem:s23+$0x310];
	v61 =	vmul.f32 v51, v51;
	v46 =	vsub.f32 v36, v18;
	v47 =	vmul.f32 v36, v36  }
0x13b: {  	(xrf2) =	vadd.scan.msk.f32 $0xffff, v2;
	v49 =	vld [tilespmem:s23+$0x4320];
	v0 =	vadd.f32 v4, v0;
	v29 =	vmul.f32 v27, v58;
	v53 =	vmul.f32 v1, v1  }
0x13c: {  	v4 =	vmul.f32 v58, v58;
	v3 =	vadd.f32 v3, v10;
	v1 =	vsub.f32 v43, v1;
	v43 =	vld [tilespmem:s23+$0x8310]  }
0x13d: {  	v25 =	vld [tilespmem:s23+$0x8390];
	v10 =	vmul.f32 v12, v30;
	v12 =	vmul.f32 v24, v24;
	v8 =	vadd.f32 v53, v52  }
0x13e: {  	v27 =	vld [tilespmem:s23+$0x3A0];
	v3 =	vadd.f32 v3, v4;
	v7 =	vadd.f32 v29, v7;
	v1 =	vmul.f32 v1, v40  }
0x13f: {  	v36 =	vld [tilespmem:s23+$0x3B0];
	v4 =	vmul.f32 v39, v39;
	v40 =	vmul.f32 v30, v30;
	v5 =	vadd.f32 v8, v55  }
0x140: {  	v29 =	vmul.f32 v60, v60;
	v53 =	vld [tilespmem:s23+$0x8330];
	v1 =	vadd.f32 v1, v6;
	v8 =	vadd.f32 v23, v22  }
0x141: {  	v58 =	vld [tilespmem:s23+$0x380];
	v56 =	vmul.f32 v49, v49;
	v44 =	vadd.f32 v41, v40;
	v52 =	vsub.f32 v42, v43  }
0x142: {  	v30 =	vmul.f32 v19, v19;
	v55 =	vld [tilespmem:s23+$0x330];
	v0 =	vadd.f32 v5, v0;
	v8 =	vadd.f32 v8, v13  }
0x143: {  	v40 =	vmul.f32 v27, v27;
	v41 =	vld [tilespmem:s23+$0x4400];
	v1 =	vadd.f32 v9, v1;
	v9 =	vadd.f32 v48, v47  }
0x144: {  	v60 =	vld [tilespmem:s23+$0x8420];
	v48 =	vmul.f32 v36, v36;
	v54 =	vmul.f32 v52, v39;
	v0 =	vadd.f32 v62, v0  }
0x145: {  	v2 =	vsub.f32 v51, v53;
	v39 =	vld [tilespmem:s23+$0x400];
	v51, _, _ =	vpop (xrf2);
	v62 =	vmul.f32 v53, v53;
	(xrf2) =	vadd.scan.msk.f32 $0xffff, v1;
	v1 =	vsub.f32 v24, v25  }
0x146: {  	v53 =	vbroadcast v51, $0xF;
	v0 =	vadd.f32 v8, v0;
	v8 =	vadd.f32 v32, v31;
	v31 =	vld [tilespmem:s23+$0x43A0]  }
0x147: {  	v9 =	vadd.f32 v9, v15;
	v22 =	vmul.f32 v55, v55;
	v2 =	vmul.f32 v2, v55;
	v32 =	vld [tilespmem:s23+$0x83A0]  }
0x148: {  	v15 =	vmul.f32 v41, v41;
	v23 =	vadd.f32 v62, v61;
	v1 =	vmul.f32 v1, v20;
	v61 =	vld [tilespmem:s23+$0x4430]  }
0x149: {  	v62 =	vld [tilespmem:s23+$0x8430];
	v0 =	vadd.f32 v3, v0;
	v3 =	vmul.f32 v34, v63;
	v5 =	vadd.f32 v8, v35  }
0x14a: {  	v8 =	vmul.f32 v46, v33;
	v26 =	vadd.f32 v23, v22;
	v33 =	vmul.f32 v58, v58  }
0x14b: {  	v34 =	vld [tilespmem:s23+$0x43B0];
	v13 =	vmul.f32 v39, v39;
	v23 =	vmul.f32 v60, v60;
	v3 =	vadd.f32 v3, v7  }
0x14c: {  	v35 =	vld [tilespmem:s23+$0x83B0];
	v0 =	vadd.f32 v5, v0;
	v7 =	vmul.f32 v43, v43;
	v8 =	vadd.f32 $0.0e+00, v8  }
0x14d: {  	v52 =	vld [tilespmem:s23+$0x8410];
	v5 =	vsub.f32 v49, v50;
	v37 =	vmul.f32 v31, v31;
	v6 =	vsub.f32 v31, v32  }
0x14e: {  	v46 =	vld [tilespmem:s23+$0x410];
	v38 =	vmul.f32 v32, v32;
	v16 =	vsub.f32 v61, v62;
	v0 =	vadd.f32 v44, v0  }
0x14f: {  	v50 =	vld [tilespmem:s23+$0x4410];
	v7 =	vadd.f32 v7, v11;
	v8 =	vadd.f32 v54, v8;
	v63 =	vmul.f32 v5, v45  }
0x150: {  	v3 =	vadd.f32 v10, v3;
	v10 =	vadd.f32 v30, v29;
	v5 =	vmul.f32 v20, v20  }
0x151: {  	v24 =	vld [tilespmem:s23+$0x480];
	v29 =	vmul.f32 v62, v62;
	v42 =	vmul.f32 v34, v34;
	v14 =	vsub.f32 v34, v35  }
0x152: {  	v44 =	vld [tilespmem:s23+$0x8400];
	v43 =	vmul.f32 v35, v35;
	v0 =	vadd.f32 v9, v0;
	v4 =	vadd.f32 v7, v4  }
0x153: {  	v55 =	vld [tilespmem:s23+$0x420];
	v45 =	vmul.f32 v6, v27;
	v9 =	vadd.f32 v57, v56;
	v10 =	vadd.f32 v10, v33  }
0x154: {  	v20 =	vld [tilespmem:s23+$0x8480];
	v6 =	vmul.f32 v46, v46;
	v56, _, _ =	vpop (xrf2);
	(xrf2) =	vadd.scan.msk.f32 $0xffff, v3;
	v49 =	vadd.f32 v43, v42;
	v3 =	vsub.f32 v50, v52  }
0x155: {  	v27 =	vld [tilespmem:s23+$0x4480];
	v11 =	vmul.f32 v14, v36;
	v0 =	vadd.f32 v4, v0;
	v21 =	vadd.f32 v9, v59  }
0x156: {  	v34 =	vld [tilespmem:s23+$0x4490];
	v4 =	vadd.f32 v63, v8;
	v9 =	vmul.f32 v28, v58;
	v8 =	vmul.f32 v25, v25  }
0x157: {  	v35 =	vld [tilespmem:s23+$0x8490];
	v28 =	vmul.f32 v61, v61;
	v54 =	vadd.f32 v49, v48;
	v57 =	vsub.f32 v41, v44  }
0x158: {  	v43 =	vld [tilespmem:s23+$0x84A0];
	v58 =	vmul.f32 v44, v44;
	v0 =	vadd.f32 v21, v0;
	v9 =	vadd.f32 $0.0e+00, v9  }
0x159: {  	v59 =	vld [tilespmem:s23+$0x4420];
	v3 =	vmul.f32 v3, v46;
	v8 =	vadd.f32 v8, v12;
	v2 =	vadd.f32 v2, v4  }
0x15a: {  	v63 =	vld [tilespmem:s23+$0x430];
	v41 =	vmul.f32 v20, v20;
	v33 =	vadd.f32 v29, v28;
	v15 =	vadd.f32 v58, v15  }
0x15b: {  	v31 =	vld [tilespmem:s23+$0x490];
	v12 =	vmul.f32 v57, v39;
	v39 =	vsub.f32 v27, v20;
	v0 =	vadd.f32 v26, v0  }
0x15c: {  	v46 =	vld [tilespmem:s23+$0x4B0];
	v4 =	vmul.f32 v52, v52;
	v5 =	vadd.f32 v8, v5;
	v1 =	vadd.f32 v1, v9  }
0x15d: {  	v9 =	vbroadcast v56, $0xF;
	v26 =	vmul.f32 v55, v55;
	(xrf2) =	vadd.scan.msk.f32 $0xffff, v2;
	v2 =	vsub.f32 v34, v35  }
0x15e: {  	v52 =	vld [tilespmem:s23+$0x4500];
	v48 =	vmul.f32 v43, v43;
	v12 =	vadd.f32 $0.0e+00, v12;
	v13 =	vadd.f32 v15, v13  }
0x15f: {  	v42 =	vld [tilespmem:s23+$0x44A0];
	v22 =	vmul.f32 v59, v59;
	v25 =	vsub.f32 v59, v60;
	v32 =	vmul.f32 v63, v63  }
0x160: {  	v44 =	vld [tilespmem:s23+$0x44B0];
	v15 =	vmul.f32 v24, v24;
	v0 =	vadd.f32 v10, v0;
	v10 =	vadd.f32 v38, v37  }
0x161: {  	v29 =	vld [tilespmem:s23+$0x4530];
	v1 =	vadd.f32 v45, v1;
	v2 =	vmul.f32 v2, v31;
	v58 =	vmul.f32 v46, v46  }
0x162: {  	v61 =	vld [tilespmem:s23+$0x8510];
	v3 =	vadd.f32 v3, v12;
	v30 =	vmul.f32 v25, v55;
	v36 =	vadd.f32 v33, v32  }
0x163: {  	v49 =	vld [tilespmem:s23+$0x500];
	v25 =	vmul.f32 v52, v52;
	v0 =	vadd.f32 v5, v0;
	v47 =	vadd.f32 v10, v40  }
0x164: {  	v60 =	vld [tilespmem:s23+$0x4510];
	v10 =	vmul.f32 v50, v50;
	v1 =	vadd.f32 v11, v1;
	v5 =	vsel vm0, v53, v9  }
0x165: {  	v37 =	vld [tilespmem:s23+$0x4A0];
	v40 =	vmul.f32 v27, v27;
	v11 =	vmul.f32 v39, v24;
	v50 =	vsub.f32 v42, v43  }
0x166: {  	v45 =	vld [tilespmem:s23+$0x84B0];
	v38, _, _ =	vpop (xrf2);
	v53 =	vmul.f32 v44, v44;
	v39 =	vmul.f32 v29, v29;
	v3 =	vadd.f32 v30, v3  }
0x167: {  	v28 =	vld [tilespmem:s23+$0x8520];
	v9 =	vbroadcast v38, $0xF;
	v0 =	vadd.f32 v47, v0;
	v4 =	vadd.f32 v4, v10  }
0x168: {  	v57 =	vld [tilespmem:s23+$0x510];
	v12 =	vadd.f32 v41, v40;
	v10 =	vmul.f32 v16, v63;
	v11 =	vadd.f32 $0.0e+00, v11  }
0x169: {  	v55 =	vld [tilespmem:s23+$0x8500];
	v47 =	vmul.f32 v42, v42;
	v16 =	vmul.f32 v49, v49;
	(xrf2) =	vadd.scan.msk.f32 $0xffff, v1;
	v1 =	vsub.f32 v60, v61  }
0x16a: {  	v27 =	vld [tilespmem:s23+$0x4520];
	v51 =	vmul.f32 v37, v37;
	v56 =	vmul.f32 v50, v37;
	v5 =	vsel vm1, v5, v9  }
0x16b: {  	v30 =	vld [tilespmem:s23+$0x8530];
	v14 =	vsub.f32 v44, v45;
	vm1 =	vmmov $0x7;
	v0 =	vadd.f32 v54, v0  }
0x16c: {  	v38 =	vld [tilespmem:s23+$0x8580];
	v4 =	vadd.f32 v4, v6;
	v12 =	vadd.f32 v12, v15;
	v6 =	vmul.f32 v31, v31  }
0x16d: {  	v63 =	vld [tilespmem:s23+$0x520];
	v54 =	vmul.f32 v45, v45;
	v2 =	vadd.f32 v2, v11;
	v3 =	vadd.f32 v10, v3  }
0x16e: {  	v21 =	vld [tilespmem:s23+$0x590];
	v24 =	vsub.f32 v52, v55;
	v1 =	vmul.f32 v1, v57;
	v0 =	vadd.f32 v13, v0  }
0x16f: {  	v42 =	vld [tilespmem:s23+$0x4590];
	v33 =	vmul.f32 v27, v27;
	v13 =	vadd.f32 v23, v22;
	v59 =	vadd.f32 v54, v53  }
0x170: {  	v31 =	vld [tilespmem:s23+$0x530];
	v2 =	vadd.f32 v56, v2;
	v23, _, _ =	vpop (xrf2);
	v10 =	vmul.f32 v24, v49;
	v40 =	vmul.f32 v30, v30  }
0x171: {  	v45 =	vld [tilespmem:s23+$0x8590];
	v52 =	vmul.f32 v38, v38;
	v15 =	vsub.f32 v29, v30;
	v9 =	vbroadcast v23, $0xF  }
0x172: {  	v37 =	vmul.f32 v63, v63;
	v0 =	vadd.f32 v4, v0;
	v7 =	vadd.f32 v13, v26  }
0x173: {  	v13 =	vmul.f32 v34, v34;
	v4 =	vmul.f32 v35, v35;
	v62 =	vadd.f32 v59, v58  }
0x174: {  	v56 =	vld [tilespmem:s23+$0x85B0];
	v26 =	vmul.f32 v55, v55;
	v10 =	vadd.f32 $0.0e+00, v10;
	v34 =	vmul.f32 v28, v28  }
0x175: {  	v54 =	vld [tilespmem:s23+$0x5B0];
	v44 =	vadd.f32 v40, v39;
	v58 =	vmul.f32 v21, v21;
	v43 =	vmul.f32 v31, v31  }
0x176: {  	(xrf2) =	vadd.scan.msk.f32 $0xffff, v3;
	v35 =	vld [tilespmem:s23+$0x4580];
	v5 =	vsel vm1, v5, v9;
	v3 =	vsub.f32 v42, v45;
	v0 =	vadd.f32 v7, v0  }
0x177: {  	v55 =	vld [tilespmem:s23+$0x45B0];
	vm1 =	vmmov $0xf;
	v4 =	vadd.f32 v4, v13;
	v11 =	vadd.f32 v26, v25  }
0x178: {  	v32 =	vld [tilespmem:s23+$0x580];
	v13 =	vmul.f32 v14, v46;
	v1 =	vadd.f32 v1, v10;
	v14 =	vmul.f32 v15, v31  }
0x179: {  	v24 =	vld [tilespmem:s23+$0x610];
	v3 =	vmul.f32 v3, v21;
	v26 =	vmul.f32 v56, v56;
	v0 =	vadd.f32 v36, v0  }
0x17a: {  	v46 =	vld [tilespmem:s23+$0x5A0];
	v29 =	vmul.f32 v54, v54;
	v4 =	vadd.f32 v4, v6;
	v11 =	vadd.f32 v11, v16  }
0x17b: {  	v31 =	vld [tilespmem:s23+$0x620];
	v6 =	vmul.f32 v57, v57;
	v36 =	vsub.f32 v27, v28;
	v2 =	vadd.f32 v13, v2;
	v49, _, _ =	vpop (xrf2)  }
0x17c: {  	v53 =	vld [tilespmem:s23+$0x85A0];
	v50 =	vsub.f32 v35, v38;
	v9 =	vbroadcast v49, $0xF;
	v16 =	vsub.f32 v55, v56  }
0x17d: {  	v22 =	vld [tilespmem:s23+$0x4610];
	v25 =	vmul.f32 v55, v55;
	v0 =	vadd.f32 v12, v0;
	v12 =	vadd.f32 v48, v47  }
0x17e: {  	v27 =	vld [tilespmem:s23+$0x8610];
	v41 =	vmul.f32 v36, v63;
	v47 =	vadd.f32 v44, v43;
	v44 =	vmul.f32 v24, v24  }
0x17f: {  	v39 =	vld [tilespmem:s23+$0x4630];
	v10 =	vmul.f32 v50, v32;
	v63 =	vmul.f32 v46, v46;
	v30 =	vadd.f32 v26, v25  }
0x180: {  	v40 =	vld [tilespmem:s23+$0x8630];
	v5 =	vsel vm1, v5, v9;
	v49 =	vmul.f32 v31, v31;
	vm1 =	vmmov $0x1f  }
0x181: {  	v48 =	vld [tilespmem:s23+$0x45A0];
	v0 =	vadd.f32 v4, v0;
	v7 =	vadd.f32 v12, v51;
	v12 =	vmul.f32 v60, v60  }
0x182: {  	v23 =	vld [tilespmem:s23+$0x8690];
	v4 =	vmul.f32 v61, v61;
	v1 =	vadd.f32 v41, v1;
	v51 =	vmul.f32 v35, v35  }
0x183: {  	v59 =	vld [tilespmem:s23+$0x4600];
	(xrf2) =	vadd.scan.msk.f32 $0xffff, v2;
	v61 =	vmul.f32 v53, v53;
	v10 =	vadd.f32 $0.0e+00, v10;
	v2 =	vsub.f32 v22, v27  }
0x184: {  	v57 =	vld [tilespmem:s23+$0x600];
	v41 =	vmul.f32 v22, v22;
	v0 =	vadd.f32 v7, v0;
	v4 =	vadd.f32 v4, v12  }
0x185: {  	v50 =	vld [tilespmem:s23+$0x4690];
	v12 =	vmul.f32 v32, v32;
	v13 =	vadd.f32 v52, v51;
	v51 =	vmul.f32 v39, v39  }
0x186: {  	v35, _, _ =	vpop (xrf2);
	v1 =	vadd.f32 v14, v1;
	v32 =	vld [tilespmem:s23+$0x4620];
	v52 =	vmul.f32 v40, v40;
	v60 =	vmul.f32 v48, v48  }
0x187: {  	v8 =	vsub.f32 v48, v53;
	v3 =	vadd.f32 v3, v10;
	v10 =	vbroadcast v35, $0xF;
	v48 =	vld [tilespmem:s23+$0x690]  }
0x188: {  	v2 =	vmul.f32 v2, v24;
	v53 =	vld [tilespmem:s23+$0x6A0];
	v0 =	vadd.f32 v62, v0;
	v4 =	vadd.f32 v4, v6  }
0x189: {  	v6 =	vmul.f32 v42, v42;
	v12 =	vadd.f32 v13, v12;
	v62 =	vld [tilespmem:s23+$0x8600];
	v55 =	vadd.f32 v52, v51  }
0x18a: {  	v13 =	vmul.f32 v57, v57;
	v42 =	vld [tilespmem:s23+$0x680];
	v0 =	vadd.f32 v11, v0;
	v11 =	vadd.f32 v34, v33  }
0x18b: {  	(xrf2) =	vadd.scan.msk.f32 $0xffff, v1;
	v1 =	vsub.f32 v50, v23;
	v5 =	vsel vm1, v5, v10;
	vm1 =	vmmov $0x3f  }
0x18c: {  	v38 =	vld [tilespmem:s23+$0x630];
	v33 =	vadd.f32 v30, v29;
	v7 =	vadd.f32 v11, v37;
	v11 =	vmul.f32 v45, v45  }
0x18d: {  	v34 =	vld [tilespmem:s23+$0x8620];
	v0 =	vadd.f32 v4, v0;
	v4 =	vmul.f32 v8, v46;
	v46 =	vmul.f32 v32, v32  }
0x18e: {  	v8 =	vsub.f32 v39, v40;
	v1 =	vmul.f32 v1, v48;
	v39 =	vmul.f32 v53, v53  }
0x18f: {  	v36 =	vsub.f32 v59, v62;
	v37 =	vmul.f32 v62, v62;
	v29 =	vmul.f32 v42, v42  }
0x190: {  	v56 =	vld [tilespmem:s23+$0x46A0];
	v0 =	vadd.f32 v7, v0;
	v6 =	vadd.f32 v11, v6;
	v11 =	vmul.f32 v59, v59  }
0x191: {  	v45 =	vld [tilespmem:s23+$0x8680];
	v3 =	vadd.f32 v4, v3;
	v7 =	vmul.f32 v16, v54;
	v54 =	vmul.f32 v38, v38  }
0x192: {  	v40 =	vld [tilespmem:s23+$0x8710];
	v59, _, _ =	vpop (xrf2);
	v16 =	vmul.f32 v50, v50;
	v8 =	vmul.f32 v8, v38;
	v4 =	vsub.f32 v32, v34  }
0x193: {  	v43 =	vld [tilespmem:s23+$0x4680];
	v10 =	vbroadcast v59, $0xF;
	v0 =	vadd.f32 v47, v0;
	v6 =	vadd.f32 v6, v58  }
0x194: {  	v30 =	vld [tilespmem:s23+$0x700];
	v11 =	vadd.f32 v37, v11;
	v47 =	vmul.f32 v34, v34;
	v3 =	vadd.f32 v7, v3  }
0x195: {  	v50 =	vld [tilespmem:s23+$0x4730];
	v58 =	vadd.f32 v55, v54;
	v34 =	vmul.f32 v48, v48;
	v4 =	vmul.f32 v4, v31  }
0x196: {  	v38 =	vld [tilespmem:s23+$0x4710];
	v62 =	vmul.f32 v45, v45;
	v31 =	vmul.f32 v23, v23;
	v5 =	vsel vm1, v5, v10  }
0x197: {  	v35 =	vld [tilespmem:s23+$0x710];
	v19 =	vmul.f32 v40, v40;
	v0 =	vadd.f32 v12, v0;
	v12 =	vadd.f32 v61, v60  }
0x198: {  	v48 =	vld [tilespmem:s23+$0x730];
	vm1 =	vmmov $0x7f;
	v11 =	vadd.f32 v11, v13;
	v60 =	vsub.f32 v43, v45  }
0x199: {  	v54 =	vld [tilespmem:s23+$0x8730];
	v61 =	vmul.f32 v43, v43;
	v13 =	vmul.f32 v30, v30;
	v16 =	vadd.f32 v31, v16  }
0x19a: {  	v43 =	vld [tilespmem:s23+$0x4720];
	v31 =	vmul.f32 v50, v50;
	v0 =	vadd.f32 v6, v0;
	v28 =	vadd.f32 v12, v63  }
0x19b: {  	v24 =	vld [tilespmem:s23+$0x720];
	(xrf2) =	vadd.scan.msk.f32 $0xffff, v3;
	v3 =	vsub.f32 v38, v40;
	v12 =	vmul.f32 v36, v57;
	v6 =	vmul.f32 v27, v27  }
0x19c: {  	v57 =	vld [tilespmem:s23+$0x86A0];
	v36 =	vmul.f32 v56, v56;
	v16 =	vadd.f32 v16, v34;
	v0 =	vadd.f32 v28, v0  }
0x19d: {  	v63 =	vld [tilespmem:s23+$0x46B0];
	v3 =	vmul.f32 v3, v35;
	v12 =	vadd.f32 $0.0e+00, v12;
	v6 =	vadd.f32 v6, v41  }
0x19e: {  	v34 =	vmul.f32 v48, v48;
	v10 =	vsub.f32 v50, v54;
	v28 =	vld [tilespmem:s23+$0x86B0];
	v0 =	vadd.f32 v33, v0  }
0x19f: {  	v26 =	vmul.f32 v43, v43;
	v6 =	vadd.f32 v6, v44;
	v2 =	vadd.f32 v2, v12  }
0x1a0: {  	v32 =	vld [tilespmem:s23+$0x4700];
	v12 =	vadd.f32 v62, v61;
	v62 =	vmul.f32 v35, v35;
	v0 =	vadd.f32 v11, v0  }
0x1a1: {  	v55 =	vld [tilespmem:s23+$0x780];
	v37 =	vmul.f32 v57, v57;
	v11 =	vadd.f32 v47, v46;
	v2 =	vadd.f32 v4, v2  }
0x1a2: {  	v33 =	vld [tilespmem:s23+$0x8700];
	v41 =	vmul.f32 v63, v63;
	v12 =	vadd.f32 v12, v29;
	v4 =	vsub.f32 v56, v57  }
0x1a3: {  	v47 =	vld [tilespmem:s23+$0x8720];
	v57 =	vmul.f32 v38, v38;
	v29 =	vmul.f32 v24, v24;
	v7 =	vsub.f32 v63, v28  }
0x1a4: {  	v56 =	vld [tilespmem:s23+$0x4780];
	v0 =	vadd.f32 v6, v0;
	v9 =	vadd.f32 v11, v49;
	v11 =	vmul.f32 v60, v42  }
0x1a5: {  	v38 =	vld [tilespmem:s23+$0x87B0];
	v42 =	vmul.f32 v28, v28;
	v4 =	vmul.f32 v4, v53;
	v2 =	vadd.f32 v8, v2  }
0x1a6: {  	v25 =	vld [tilespmem:s23+$0x47A0];
	v53 =	vmul.f32 v32, v32;
	v17 =	vadd.f32 v19, v57;
	v8 =	vmul.f32 v55, v55  }
0x1a7: {  	v63 =	vld [tilespmem:s23+$0x4790];
	v52 =	vsub.f32 v32, v33;
	v14 =	vmul.f32 v33, v33;
	v0 =	vadd.f32 v9, v0  }
0x1a8: {  	v28 =	vld [tilespmem:s23+$0x8790];
	v32 =	vmul.f32 v54, v54;
	v11 =	vadd.f32 $0.0e+00, v11;
	v46 =	vadd.f32 v42, v41  }
0x1a9: {  	v61 =	vld [tilespmem:s23+$0x790];
	v14 =	vadd.f32 v14, v53;
	v27 =	vmul.f32 v47, v47;
	v6 =	vsub.f32 v43, v47  }
0x1aa: {  	v51, _, _ =	vpop (xrf2);
	v35 =	vadd.f32 v32, v31;
	v15 =	vmul.f32 v56, v56;
	v57 =	vmul.f32 v38, v38  }
0x1ab: {  	v9 =	vld [tilespmem:s23+$0x6B0];
	v0 =	vadd.f32 v58, v0;
	v1 =	vadd.f32 v1, v11;
	v11 =	vbroadcast v51, $0xF  }
0x1ac: {  	v33 =	vld [tilespmem:s23+$0x87A0];
	v18 =	vmul.f32 v63, v63;
	v51 =	vmul.f32 v25, v25;
	v60 =	vadd.f32 v14, v13  }
0x1ad: {  	v42 =	vld [tilespmem:s23+$0x800];
	(xrf2) =	vadd.scan.msk.f32 $0xffff, v2;
	v14 =	vadd.f32 v17, v62;
	v6 =	vmul.f32 v6, v24;
	v2 =	vsub.f32 v63, v28  }
0x1ae: {  	v50 =	vld [tilespmem:s23+$0x8810];
	v13 =	vmul.f32 v61, v61;
	v0 =	vadd.f32 v12, v0;
	v12 =	vadd.f32 v37, v36  }
0x1af: {  	v58 =	vld [tilespmem:s23+$0x8780];
	v1 =	vadd.f32 v4, v1;
	v5 =	vsel vm1, v5, v11;
	v37 =	vadd.f32 v35, v34  }
0x1b0: {  	v43 =	vld [tilespmem:s23+$0x4800];
	v4 =	vmul.f32 v10, v48;
	vm1 =	vmmov $0xff;
	v45 =	vmul.f32 v9, v9  }
0x1b1: {  	v36 =	vld [tilespmem:s23+$0x47B0];
	v7 =	vmul.f32 v7, v9;
	v2 =	vmul.f32 v2, v61;
	v9 =	vsub.f32 v25, v33  }
0x1b2: {  	v48 =	vld [tilespmem:s23+$0x4810];
	v32 =	vmul.f32 v42, v42;
	v0 =	vadd.f32 v16, v0;
	v44 =	vadd.f32 v12, v39  }
0x1b3: {  	v19 =	vld [tilespmem:s23+$0x7B0];
	v12 =	vmul.f32 v52, v30;
	v52 =	vmul.f32 v33, v33;
	v49 =	vadd.f32 v46, v45  }
0x1b4: {  	v53 =	vld [tilespmem:s23+$0x820];
	v1 =	vadd.f32 v7, v1;
	v40 =	vsub.f32 v56, v58;
	v41 =	vmul.f32 v58, v58  }
0x1b5: {  	v30 =	vld [tilespmem:s23+$0x7A0];
	v45 =	vmul.f32 v28, v28;
	v0 =	vadd.f32 v44, v0;
	v59 =	vadd.f32 $0.0e+00, v12  }
0x1b6: {  	v62 =	vld [tilespmem:s23+$0x8830];
	v7 =	vmul.f32 v43, v43;
	v12 =	vadd.f32 v27, v26;
	v15 =	vadd.f32 v41, v15  }
0x1b7: {  	v46 =	vld [tilespmem:s23+$0x810];
	v56 =	vmul.f32 v36, v36;
	v34 =	vsub.f32 v48, v50;
	v0 =	vadd.f32 v49, v0  }
0x1b8: {  	v44 =	vld [tilespmem:s23+$0x8800];
	v3 =	vadd.f32 v3, v59;
	v12 =	vadd.f32 v12, v29;
	v59 =	vmul.f32 v19, v19  }
0x1b9: {  	v35 =	vld [tilespmem:s23+$0x4890];
	v49 =	vadd.f32 v45, v18;
	v18 =	vmul.f32 v50, v50;
	v45 =	vmul.f32 v53, v53  }
0x1ba: {  	v61 =	vld [tilespmem:s23+$0x4830];
	v8 =	vadd.f32 v15, v8;
	v54 =	vmul.f32 v30, v30;
	v0 =	vadd.f32 v60, v0  }
0x1bb: {  	v58 =	vld [tilespmem:s23+$0x830];
	v9 =	vmul.f32 v9, v30;
	v3 =	vadd.f32 v6, v3;
	v13 =	vadd.f32 v49, v13  }
0x1bc: {  	v26 =	vld [tilespmem:s23+$0x8820];
	v60 =	vadd.f32 v57, v56;
	v6 =	vsub.f32 v36, v38;
	v16 =	vmul.f32 v34, v46  }
0x1bd: {  	v30 =	vld [tilespmem:s23+$0x4880];
	v28 =	vsub.f32 v43, v44;
	v29 =	vmul.f32 v44, v44;
	v0 =	vadd.f32 v14, v0  }
0x1be: {  	(xrf2) =	vadd.scan.msk.f32 $0xffff, v1;
	v36 =	vld [tilespmem:s23+$0x8890];
	v14 =	vmul.f32 v40, v55;
	v3 =	vadd.f32 v4, v3;
	v1 =	vadd.f32 v60, v59  }
0x1bf: {  	v39, _, _ =	vpop (xrf2);
	v4 =	vsub.f32 v61, v62;
	v6 =	vmul.f32 v6, v19;
	v31 =	vmul.f32 v28, v42  }
0x1c0: {  	v63 =	vld [tilespmem:s23+$0x880];
	v7 =	vadd.f32 v29, v7;
	v0 =	vadd.f32 v12, v0;
	v12 =	vbroadcast v39, $0xF  }
0x1c1: {  	v24 =	vld [tilespmem:s23+$0x900];
	v47 =	vadd.f32 $0.0e+00, v14;
	v14 =	vmul.f32 v48, v48;
	v39 =	vmul.f32 v26, v26  }
0x1c2: {  	v55 =	vld [tilespmem:s23+$0x4820];
	v48 =	vmul.f32 v62, v62;
	v4 =	vmul.f32 v4, v58;
	v11 =	vadd.f32 $0.0e+00, v31  }
0x1c3: {  	v43 =	vld [tilespmem:s23+$0x88A0];
	v56 =	vmul.f32 v30, v30;
	v7 =	vadd.f32 v7, v32;
	v60 =	vsub.f32 v35, v36  }
0x1c4: {  	v40 =	vld [tilespmem:s23+$0x48A0];
	v62 =	vmul.f32 v35, v35;
	v0 =	vadd.f32 v37, v0;
	v2 =	vadd.f32 v2, v47  }
0x1c5: {  	v33 =	vld [tilespmem:s23+$0x890];
	v5 =	vsel vm1, v5, v12;
	vm1 =	vmmov $0x1ff;
	v14 =	vadd.f32 v18, v14  }
0x1c6: {  	v50 =	vld [tilespmem:s23+$0x88B0];
	v37 =	vmul.f32 v46, v46;
	v0 =	vadd.f32 v8, v0;
	v8 =	vadd.f32 v52, v51  }
0x1c7: {  	v34 =	vld [tilespmem:s23+$0x8930];
	v47 =	vmul.f32 v61, v61;
	v41 =	vadd.f32 v16, v11;
	v44 =	vsub.f32 v55, v26  }
0x1c8: {  	v59 =	vld [tilespmem:s23+$0x4910];
	v12 =	vmul.f32 v36, v36;
	v0 =	vadd.f32 v13, v0;
	v8 =	vadd.f32 v8, v54  }
0x1c9: {  	v27, _, _ =	vpop (xrf2);
	v18 =	vld [tilespmem:s23+$0x8A0];
	v38 =	vmul.f32 v55, v55;
	v28 =	vsub.f32 v40, v43;
	v2 =	vadd.f32 v9, v2  }
0x1ca: {  	v61 =	vld [tilespmem:s23+$0x8910];
	v46, _, _ =	vpop (xrf2);
	v9 =	vbroadcast v27, $0xF;
	v42 =	vadd.f32 v14, v37;
	v0 =	vadd.f32 v8, v0  }
0x1cb: {  	v55 =	vld [tilespmem:s23+$0x8900];
	v49 =	vbroadcast v46, $0xF;
	v51 =	vmul.f32 v58, v58;
	v11 =	vadd.f32 v48, v47  }
0x1cc: {  	v12 =	vadd.f32 v12, v62;
	v37 =	vmul.f32 v43, v43;
	v0 =	vadd.f32 v1, v0;
	v1 =	vld [tilespmem:s23+$0x8880]  }
0x1cd: {  	v52 =	vld [tilespmem:s23+$0x4900];
	v16 =	vmul.f32 v44, v53;
	v53 =	vadd.f32 v11, v51;
	v2 =	vadd.f32 v6, v2  }
0x1ce: {  	v6 =	vmul.f32 v60, v33;
	v13 =	vmul.f32 v33, v33;
	v33 =	vld [tilespmem:s23+$0x4930];
	v0 =	vadd.f32 v7, v0  }
0x1cf: {  	v27 =	vld [tilespmem:s23+$0x48B0];
	v5 =	vsel vm1, v5, v9;
	v9 =	vadd.f32 v16, v41;
	v7 =	vadd.f32 v39, v38  }
0x1d0: {  	v29 =	vld [tilespmem:s23+$0x4920];
	vm1 =	vmmov $0x3ff;
	v36 =	vsub.f32 v59, v61;
	v0 =	vadd.f32 v42, v0  }
0x1d1: {  	v31 =	vmul.f32 v28, v18;
	v7 =	vadd.f32 v7, v45;
	v54 =	vsub.f32 v30, v1;
	v30 =	vld [tilespmem:s23+$0x8920]  }
0x1d2: {  	v57 =	vld [tilespmem:s23+$0x910];
	v4 =	vadd.f32 v4, v9;
	v32 =	vsub.f32 v52, v55;
	v1 =	vmul.f32 v1, v1  }
0x1d3: {  	v22 =	vld [tilespmem:s23+$0x8B0];
	v44 =	vsub.f32 v33, v34;
	v0 =	vadd.f32 v7, v0;
	v58 =	vmul.f32 v54, v63  }
0x1d4: {  	v8 =	vmul.f32 v63, v63;
	v38 =	vsub.f32 v27, v50;
	v1 =	vadd.f32 v1, v56;
	v63 =	vld [tilespmem:s23+$0x920]  }
0x1d5: {  	(xrf2) =	vadd.scan.msk.f32 $0xffff, v3;
	v35 =	vmul.f32 v32, v24;
	v0 =	vadd.f32 v53, v0;
	v9 =	vadd.f32 $0.0e+00, v58  }
0x1d6: {  	(xrf2) =	vadd.scan.msk.f32 $0xffff, v2;
	v2 =	vmul.f32 v40, v40;
	v39 =	vld [tilespmem:s23+$0x930];
	v1 =	vadd.f32 v1, v8;
	v40 =	vsub.f32 v29, v30  }
0x1d7: {  	v8 =	vmul.f32 v36, v57;
	v3 =	vadd.f32 v6, v9;
	v6 =	vadd.f32 $0.0e+00, v35  }
0x1d8: {  	v14 =	vmul.f32 v38, v22;
	v0 =	vadd.f32 v1, v0;
	v1 =	vadd.f32 v12, v13  }
0x1d9: {  	v43 =	vmul.f32 v40, v63;
	v3 =	vadd.f32 v31, v3;
	v42 =	vadd.f32 v8, v6  }
0x1da: {  	v41 =	vmul.f32 v18, v18;
	v2 =	vadd.f32 v37, v2;
	v0 =	vadd.f32 v1, v0  }
0x1db: {  	v47 =	vmul.f32 v44, v39;
	v3 =	vadd.f32 v14, v3;
	v1 =	vadd.f32 v43, v42  }
0x1dc: {  	v46 =	vmul.f32 v50, v50;
	v5 =	vsel vm1, v5, v49;
	(xrf2) =	vadd.scan.msk.f32 $0xffff, v4;
	v45 =	vmul.f32 v27, v27  }
0x1dd: {  	v2 =	vadd.f32 v2, v41;
	v50 =	vmul.f32 v55, v55;
	(xrf2) =	vadd.scan.msk.f32 $0xffff, v3;
	v1 =	vadd.f32 v47, v1  }
0x1de: {  	v55 =	vmul.f32 v57, v57;
	v48 =	vadd.f32 v46, v45;
	v3 =	vmul.f32 v22, v22  }
0x1df: {  	vm1 =	vmmov $0x7ff;
	v49, _, _ =	vpop (xrf2);
	v7 =	vmul.f32 v52, v52;
	v52 =	vmul.f32 v24, v24  }
0x1e0: {  	v0 =	vadd.f32 v2, v0;
	v2 =	vadd.f32 v48, v3;
	v3 =	vbroadcast v49, $0xF  }
0x1e1: {  	v54 =	vmul.f32 v61, v61;
	v51 =	vadd.f32 v50, v7;
	v53 =	vmul.f32 v59, v59;
	(xrf2) =	vadd.scan.msk.f32 $0xffff, v1;
	v1, _, _ =	vpop (xrf2)  }
0x1e2: {  	v57 =	vmul.f32 v30, v30;
	v3 =	vsel vm1, v5, v3;
	v1 =	vbroadcast v1, $0xF  }
0x1e3: {  	v0 =	vadd.f32 v2, v0;
	v2 =	vadd.f32 v51, v52;
	vm1 =	vmmov $0xfff  }
0x1e4: {  	v5 =	vadd.f32 v54, v53;
	v1 =	vsel vm1, v3, v1;
	v3 =	vmul.f32 v29, v29  }
0x1e5: {  	v0 =	vadd.f32 v2, v0  }
0x1e6: {  	v59 =	vmul.f32 v63, v63;
	v56, _, _ =	vpop (xrf2);
	v2 =	vadd.f32 v5, v55;
	v3 =	vadd.f32 v57, v3  }
0x1e7: {  	v62 =	vmul.f32 v34, v34;
	v61 =	vmul.f32 v33, v33;
	v60, _, _ =	vpop (xrf2)  }
0x1e8: {  	v0 =	vadd.f32 v2, v0;
	v2 =	vadd.f32 v3, v59;
	v3 =	vbroadcast v60, $0xF  }
0x1e9: {  	p0 =	sne.s32 s21, $0xE000;
	v58 =	vbroadcast v56, $0xF  }
.Ltmp1:
0x1ea: {  	v4 =	vadd.f32 v62, v61;
	v63 =	vmul.f32 v39, v39;
	vm1 =	vmmov $0x1fff;
	(pc) =	sbr.rel @p0 .LBB2_5-.Ltmp1, $4  }
0x1eb: {  	v1 =	vsel vm1, v1, v58;
	vm1 =	vmmov $0x3fff  }
0x1ec: {  	v1 =	vsel vm1, v1, v3;
	v0 =	vadd.f32 v2, v0;
	v2 =	vadd.f32 v4, v63;
	v3, _, _ =	vpop (xrf2)  }
0x1ed: {  	v1 =	vsel vm15, v1, v3  }
0x1ee: {  	s21 =	sadd.s32 $0x2000, s21;
	v0 =	vadd.f32 v2, v0;
	[tilespmem:s22+$0x0] =	vst v1;
	s22 =	sadd.s32 $0x10, s22  }
0x1ef: {  	s20 =	sadd.s32 $0x1, s20  }
0x1f0: {  	p0 =	sne.s32 s20, $0x4  }
.Ltmp2:
0x1f1: {  	_ = 	snop;
	(pc) =	sbr.rel @p0 .LBB2_2-.Ltmp2, $2  }
0x1f2: {  	_ =	sdelay $0x2  }
0x1f3: {  	s19 =	sadd.s32 $0x80, s19;
	vm1 =	vcmask $0x308  }
0x1f4: {  	[tilespmem:$0xC380] =	vst v0  }
0x1f5: {  	[hbm4b:s9+s5] =	stream.linear.scatter [tilespmem:s16], [sflag:$0x4], $0x200, $0x38;
	[tilespmem:$0xC400] =	vst v63  }
0x1f6: {  	s18 =	sadd.s32 $0x1, s18;
	_ =	swait.ge [sflag:s12], $0x200  }
0x1f7: {  	p0 =	sne.s32 s18, s11;
	[sflag:s12] =	ssyncset.done $0x0  }
.Ltmp3:
0x1f8: {  	[sflag:s12] =	ssyncadd.s32 $0xFFFFFE00;
	(pc) =	sbr.rel @p0 .LBB2_1-.Ltmp3, $4  }
0x1f9: {  	[hbm4b:s10+s5] =	stream.linear.scatter [tilespmem:s17], [sflag:$0x4], $0x10, $0x38;
	[tilespmem:$0xC400] =	vst v63  }
0x1fa: {  	_ =	swait.ge [sflag:s12], $0x10  }
0x1fb: {  	[sflag:s12] =	ssyncset.done $0x0  }
0x1fc: {  	[sflag:s12] =	ssyncadd.s32 $0xFFFFFFF0  }
0x1fd: {  	_ =	sfence.sel $0x180000  }
0x1fe: {  	[bflag:$0x0] =	sbarrier.arrive $0xFFFF  }
0x1ff: {  	p0 =	sne.s32 s4, $0x0;
	_ =	strace $0x90000047  }
0x200: {  	s0 =	sadd.s32 @!p0 $0x100000, s0;
	[bflag:$0x2] =	sbarrier.arrive $0xFFFF  }
0x201: {  	[sflag:s0] =	ssyncadd.tile.s32 @!p0 $0x1;
	_ =	shalt  }
.Lfunc_end2:
_tile_overlayer_lowered:
.L_overlay_start_2:
0x202: {  	(tag) =	ssettag $0x2  }
0x203: {  	s0 =	rddreg [dreg:$0x0];
	s2 =	stileid.u32  }
0x204: {  	s1 =	rddreg [dreg:$0x1];
	p0 =	sne.s32 s2, $0x0  }
0x205: {  	s3 =	rddreg [dreg:$0x2];
	[bflag:$0x3] =	sbarrier.arrive $0xFFFF;
	s2 =	simm.s32 @!p0 $0x1C04  }
0x206: {  	[timem:s3], [sflag:s2] =	dma.local @!p0 [hbm:s0], s1  }
0x207: {  	s0 =	simm.s32 @!p0 $0x4  }
0x208: {  	_ =	swait.ge @!p0 [sflag:s0], s1  }
0x209: {  	s1 =	ssub.s32 @!p0 $0x0, s1;
	[sflag:s0] =	ssyncset.done @!p0 $0x0  }
0x20a: {  	[sflag:s0] =	ssyncadd.s32 @!p0 s1  }
0x20b: {  	[bflag:$0x3] =	sbarrier.arrive $0xFFFF  }
0x20c: {  	_ =	shalt  }

</sc_bundles>
